<compile_context>
chip_gen: v7x
topology: tpu7x:2x2x1
jax: 0.10.2.dev20260603
libtpu: 0.0.44.dev20260713+nightly
codegen_flags: <defaults>
</compile_context>

<pallas_src>
import functools

import jax
import jax.numpy as jnp
from jax import lax
from jax.experimental import pallas as pl
from jax.experimental.pallas import tpu as pltpu
from jax.experimental.pallas import tpu_sc as plsc

N = 10000
E = 320000
D = 128
DH = D // 2
OUT = 128

NC = 2
NS = 16

N_PAD = 10240
ROWS_PER_TILE = N_PAD // NS
E_PAD = 327680
EDGES_PER_TILE = E_PAD // NS
C = 256
NCHUNK = EDGES_PER_TILE // C
CB = C // 128
H_CHUNKS = 46
ROWS2D = EDGES_PER_TILE // 128


def _hdelta_body(hs_ref, hb_ref, out_ref):
    hd = hs_ref[...] - hb_ref[...]
    out_ref[0, pl.ds(0, N)] = hd[:, :DH]
    out_ref[1, pl.ds(0, N)] = hd[:, DH:]


def _hdelta(H_src, HBar_src):
    return pl.pallas_call(
        _hdelta_body,
        out_shape=jax.ShapeDtypeStruct((2, N_PAD, DH), jnp.float32),
    )(H_src, HBar_src)


def _sc_body(hd2_hbm, src1d_hbm, dst2d_hbm, zrows_hbm, zdeg_hbm, ones_hbm,
             sumL_hbm, sumR_hbm, deg0_hbm, deg1_hbm,
             idxs_v, idxd_v, rows_v, ones_v, deg_v, table_sh, accum_sh, deg_sh,
             sem_i0, sem_i1, sem_g0, sem_g1, sem_s0, sem_s1):
    cid = lax.axis_index("c")
    sid = lax.axis_index("s")
    sem_i = (sem_i0, sem_i1)
    sem_g = (sem_g0, sem_g1)
    sem_s = (sem_s0, sem_s1)
    rbase = sid * ROWS_PER_TILE

    pltpu.sync_copy(zrows_hbm, rows_v.at[0, pl.ds(0, 128)])
    for j in range(ROWS_PER_TILE // 128):
        pltpu.sync_copy(rows_v.at[0, pl.ds(0, 128)],
                        accum_sh.at[pl.ds(rbase + j * 128, 128)])
    pltpu.sync_copy(zdeg_hbm, deg_v)
    pltpu.sync_copy(deg_v, deg_sh.at[pl.ds(rbase, ROWS_PER_TILE)])
    pltpu.sync_copy(ones_hbm, ones_v)

    table_hbm = hd2_hbm.at[cid]
    for j in range(2):
        pltpu.sync_copy(table_hbm.at[pl.ds(rbase + j * 256, 256)],
                        rows_v.at[0])
        pltpu.sync_copy(rows_v.at[0],
                        table_sh.at[pl.ds(rbase + j * 256, 256)])
    pltpu.sync_copy(table_hbm.at[pl.ds(rbase + 512, 128)],
                    rows_v.at[1, pl.ds(0, 128)])
    pltpu.sync_copy(rows_v.at[1, pl.ds(0, 128)],
                    table_sh.at[pl.ds(rbase + 512, 128)])
    plsc.subcore_barrier()

    row_base = sid * ROWS2D

    def start_idx(g, b):
        e0 = (row_base + g * CB) * 128
        r0 = row_base + g * CB
        pltpu.async_copy(src1d_hbm.at[pl.ds(e0, C)], idxs_v.at[b], sem_i[b])
        pltpu.async_copy(dst2d_hbm.at[pl.ds(r0, CB)], idxd_v.at[b], sem_i[b])

    def wait_idx(g, b):
        e0 = (row_base + g * CB) * 128
        r0 = row_base + g * CB
        pltpu.make_async_copy(src1d_hbm.at[pl.ds(e0, C)], idxs_v.at[b],
                              sem_i[b]).wait()
        pltpu.make_async_copy(dst2d_hbm.at[pl.ds(r0, CB)], idxd_v.at[b],
                              sem_i[b]).wait()

    def start_gathers(g, b):
        @pl.when(g < H_CHUNKS)
        def _():
            pltpu.async_copy(table_hbm.at[idxs_v.at[b]], rows_v.at[b],
                             sem_g[b])

        @pl.when(g >= H_CHUNKS)
        def _():
            pltpu.async_copy(table_sh.at[idxs_v.at[b]], rows_v.at[b],
                             sem_g[b])

    def wait_gathers(g, b):
        pltpu.make_async_copy(table_sh.at[idxs_v.at[b]], rows_v.at[b],
                              sem_g[b]).wait()

    def deg_cond(g):
        return (g < NCHUNK // 2) == (cid == 0)

    def start_scatters(g, b):
        for j in range(CB):
            pltpu.async_copy(rows_v.at[b, pl.ds(j * 128, 128)],
                             accum_sh.at[idxd_v.at[b, j]],
                             sem_s[b], add=True)

        @pl.when(deg_cond(g))
        def _():
            for j in range(CB):
                pltpu.async_copy(ones_v, deg_sh.at[idxd_v.at[b, j]],
                                 sem_s[b], add=True)

    def wait_scatters(g, b):
        for j in range(CB):
            pltpu.make_async_copy(rows_v.at[b, pl.ds(j * 128, 128)],
                                  accum_sh.at[idxd_v.at[b, j]],
                                  sem_s[b]).wait()

        @pl.when(deg_cond(g))
        def _():
            for j in range(CB):
                pltpu.make_async_copy(ones_v, deg_sh.at[idxd_v.at[b, j]],
                                      sem_s[b]).wait()

    for b in (0, 1):
        start_idx(b, b)
    for b in (0, 1):
        wait_idx(b, b)
        start_gathers(b, b)

    @pl.loop(0, NCHUNK - 2, step=2)
    def _pair(i):
        for b in (0, 1):
            g = i + b
            wait_gathers(g, b)
            start_scatters(g, b)
        for b in (0, 1):
            g = i + b
            wait_scatters(g, b)
            start_idx(g + 2, b)
            wait_idx(g + 2, b)
            start_gathers(g + 2, b)

    for b in (0, 1):
        g = NCHUNK - 2 + b
        wait_gathers(g, b)
        start_scatters(g, b)
    for b in (0, 1):
        g = NCHUNK - 2 + b
        wait_scatters(g, b)

    plsc.subcore_barrier()

    @pl.when(cid == 0)
    def _():
        for j in range(5):
            pltpu.sync_copy(accum_sh.at[pl.ds(rbase + j * 128, 128)],
                            rows_v.at[0, pl.ds(0, 128)])
            pltpu.sync_copy(rows_v.at[0, pl.ds(0, 128)],
                            sumL_hbm.at[pl.ds(rbase + j * 128, 128)])
        pltpu.sync_copy(deg_sh.at[pl.ds(rbase, ROWS_PER_TILE)], deg_v)
        pltpu.sync_copy(deg_v, deg0_hbm.at[pl.ds(rbase, ROWS_PER_TILE)])

    @pl.when(cid == 1)
    def _():
        for j in range(5):
            pltpu.sync_copy(accum_sh.at[pl.ds(rbase + j * 128, 128)],
                            rows_v.at[0, pl.ds(0, 128)])
            pltpu.sync_copy(rows_v.at[0, pl.ds(0, 128)],
                            sumR_hbm.at[pl.ds(rbase + j * 128, 128)])
        pltpu.sync_copy(deg_sh.at[pl.ds(rbase, ROWS_PER_TILE)], deg_v)
        pltpu.sync_copy(deg_v, deg1_hbm.at[pl.ds(rbase, ROWS_PER_TILE)])


def _sc_scatter(hd2, src1d, dst2d, zrows, zdeg, ones128):
    mesh = plsc.VectorSubcoreMesh(core_axis_name="c", subcore_axis_name="s")
    f = functools.partial(
        pl.kernel,
        out_type=[
            jax.ShapeDtypeStruct((N_PAD, DH), jnp.float32),
            jax.ShapeDtypeStruct((N_PAD, DH), jnp.float32),
            jax.ShapeDtypeStruct((N_PAD,), jnp.float32),
            jax.ShapeDtypeStruct((N_PAD,), jnp.float32),
        ],
        mesh=mesh,
        scratch_types=[
            pltpu.VMEM((2, C), jnp.int32),
            pltpu.VMEM((2, CB, 128), jnp.int32),
            pltpu.VMEM((2, C, DH), jnp.float32),
            pltpu.VMEM((128,), jnp.float32),
            pltpu.VMEM((ROWS_PER_TILE,), jnp.float32),
            pltpu.VMEM_SHARED((N_PAD, DH), jnp.float32),
            pltpu.VMEM_SHARED((N_PAD, DH), jnp.float32),
            pltpu.VMEM_SHARED((N_PAD,), jnp.float32),
            pltpu.SemaphoreType.DMA,
            pltpu.SemaphoreType.DMA,
            pltpu.SemaphoreType.DMA,
            pltpu.SemaphoreType.DMA,
            pltpu.SemaphoreType.DMA,
            pltpu.SemaphoreType.DMA,
        ],
        compiler_params=pltpu.CompilerParams(use_tc_tiling_on_sc=False),
    )(_sc_body)
    return f(hd2, src1d, dst2d, zrows, zdeg, ones128)


def _combine_body(sL_ref, sR_ref, d0_ref, d1_ref, hd_ref, agg_ref, w_ref, b_ref,
                  out_ref):
    deg = jnp.maximum(d0_ref[...] + d1_ref[...], 1.0)
    inv = (1.0 / deg)[:, None]
    agg = agg_ref[...]
    hnL = agg[:, :DH] + sL_ref[...] * inv
    hnR = agg[:, DH:] + sR_ref[...] * inv
    acc = jnp.dot(hd_ref[...], w_ref[0:D, :], preferred_element_type=jnp.float32)
    acc = acc + jnp.dot(hnL, w_ref[D:D + DH, :], preferred_element_type=jnp.float32)
    acc = acc + jnp.dot(hnR, w_ref[D + DH:2 * D, :], preferred_element_type=jnp.float32)
    out_ref[...] = acc + b_ref[...][None, :]


def _combine(sL, sR, d0, d1, H_dst, agg, W, b):
    R = 1024
    grid = (N_PAD // R,)
    return pl.pallas_call(
        _combine_body,
        grid=grid,
        in_specs=[
            pl.BlockSpec((R, DH), lambda i: (i, 0)),
            pl.BlockSpec((R, DH), lambda i: (i, 0)),
            pl.BlockSpec((R,), lambda i: (i,)),
            pl.BlockSpec((R,), lambda i: (i,)),
            pl.BlockSpec((R, D), lambda i: (i, 0)),
            pl.BlockSpec((R, D), lambda i: (i, 0)),
            pl.BlockSpec((2 * D, OUT), lambda i: (0, 0)),
            pl.BlockSpec((OUT,), lambda i: (0,)),
        ],
        out_specs=pl.BlockSpec((R, OUT), lambda i: (i, 0)),
        out_shape=jax.ShapeDtypeStruct((N, OUT), jnp.float32),
    )(sL, sR, d0, d1, H_dst, agg, W, b)


def kernel(H_src, H_dst, HBar_src, agg_HBar_dst, edge_index, W, b):
    hd2 = _hdelta(H_src, HBar_src)

    src = edge_index[0]
    dst = edge_index[1]
    pad = E_PAD - E
    src_pad = jnp.concatenate([src, jnp.zeros((pad,), jnp.int32)])
    dst_pad = jnp.concatenate([dst, jnp.full((pad,), N, jnp.int32)])
    dst2d = dst_pad.reshape(E_PAD // 128, 128)

    zrows = jnp.zeros((128, DH), jnp.float32)
    zdeg = jnp.zeros((ROWS_PER_TILE,), jnp.float32)
    ones128 = jnp.ones((128,), jnp.float32)

    sL, sR, d0, d1 = _sc_scatter(hd2, src_pad, dst2d, zrows, zdeg, ones128)

    return _combine(sL, sR, d0, d1, H_dst, agg_HBar_dst, W, b)

# --- scband reference (transcript-rebuilt; emitter-appended) ---
"""Pipeline reference for scband-sageconv-with-cv-5282809774188 (READ-ONLY COPY).

The authoritative reference and input builder live on the scoring server;
editing this copy changes nothing except your own understanding.
"""

import jax, jax.numpy as jnp
import numpy as np

N = 10000
E = 320000
D = 128
OUT = 128

def setup_inputs(seed: int = 0) -> dict:
    key = jax.random.key(seed)
    k1, k2, k3, k4, k5, k6, k7 = jax.random.split(key, 7)
    H_src = jax.random.normal(k1, (N, D), dtype=jnp.float32)
    H_dst = jax.random.normal(k2, (N, D), dtype=jnp.float32)
    HBar_src = jax.random.normal(k3, (N, D), dtype=jnp.float32)
    agg_HBar_dst = jax.random.normal(k4, (N, D), dtype=jnp.float32)
    edge_index = jax.random.randint(k5, (2, E), 0, N, dtype=jnp.int32)
    # Linear(in_feats*2 -> out_feats), xavier-uniform-like init; stored as [2*D, OUT] for x @ W
    gain = float(np.sqrt(2.0))
    bound = gain * float(np.sqrt(6.0 / (2 * D + OUT)))
    W = jax.random.uniform(k6, (2 * D, OUT), dtype=jnp.float32, minval=-bound, maxval=bound)
    b = jnp.zeros((OUT,), dtype=jnp.float32)
    return {"H_src": H_src, "H_dst": H_dst, "HBar_src": HBar_src, "agg_HBar_dst": agg_HBar_dst, "edge_index": edge_index, "W": W, "b": b}

def reference(H_src, H_dst, HBar_src, agg_HBar_dst, edge_index, W, b):
    # Training-mode forward of SAGEConvWithCV (control-variate SAGE conv), activation=None
    num_dst = H_dst.shape[0]
    src = edge_index[0]
    dst = edge_index[1]
    hdelta = H_src - HBar_src                      # srcdata['hdelta']
    msg = jnp.take(hdelta, src, axis=0)            # copy_u('hdelta','m')
    summed = jax.ops.segment_sum(msg, dst, num_segments=num_dst)
    deg = jax.ops.segment_sum(jnp.ones((dst.shape[0],), dtype=jnp.float32), dst, num_segments=num_dst)
    hdelta_new = summed / jnp.maximum(deg, 1.0)[:, None]   # mean('m','hdelta_new'); zero for isolated dst
    h_neigh = agg_HBar_dst + hdelta_new
    h = jnp.concatenate([H_dst, h_neigh], axis=1) @ W + b
    return h

if __name__ == "__main__":
    import jax
    _d = setup_inputs()
    print(jax.jit(kernel)(*tuple(_d.values())))

</pallas_src>

<mosaic_0001>
#map = affine_map<(d0, d1) -> (0, 0, 0)>
#map1 = affine_map<(d0, d1) -> (0)>
#map2 = affine_map<(d0, d1) -> (0, 0)>
module attributes {stable_mosaic.version = 14 : i64} {
  func.func @_sc_body(%arg0: i32, %arg1: i32, %arg2: memref<2x10240x64xf32, #tpu.memory_space<hbm>>, %arg3: memref<327680xi32, #tpu.memory_space<hbm>>, %arg4: memref<2560x128xi32, #tpu.memory_space<hbm>>, %arg5: memref<128x64xf32, #tpu.memory_space<hbm>>, %arg6: memref<640xf32, #tpu.memory_space<hbm>>, %arg7: memref<128xf32, #tpu.memory_space<hbm>>, %arg8: memref<10240x64xf32, #tpu.memory_space<hbm>>, %arg9: memref<10240x64xf32, #tpu.memory_space<hbm>>, %arg10: memref<10240xf32, #tpu.memory_space<hbm>>, %arg11: memref<10240xf32, #tpu.memory_space<hbm>>, %arg12: memref<2x256xi32, #tpu.memory_space<vmem>>, %arg13: memref<2x2x128xi32, #tpu.memory_space<vmem>>, %arg14: memref<2x256x64xf32, #tpu.memory_space<vmem>>, %arg15: memref<128xf32, #tpu.memory_space<vmem>>, %arg16: memref<640xf32, #tpu.memory_space<vmem>>, %arg17: memref<10240x64xf32, #tpu.memory_space<vmem_shared>>, %arg18: memref<10240x64xf32, #tpu.memory_space<vmem_shared>>, %arg19: memref<10240xf32, #tpu.memory_space<vmem_shared>>, %arg20: memref<!tpu.dma_semaphore, #tpu.memory_space<semaphore_mem>>, %arg21: memref<!tpu.dma_semaphore, #tpu.memory_space<semaphore_mem>>, %arg22: memref<!tpu.dma_semaphore, #tpu.memory_space<semaphore_mem>>, %arg23: memref<!tpu.dma_semaphore, #tpu.memory_space<semaphore_mem>>, %arg24: memref<!tpu.dma_semaphore, #tpu.memory_space<semaphore_mem>>, %arg25: memref<!tpu.dma_semaphore, #tpu.memory_space<semaphore_mem>>) attributes {dimension_semantics = [#tpu.dimension_semantics<core_parallel>, #tpu.dimension_semantics<subcore_parallel>], iteration_bounds = array<i64: 2, 16>, scalar_prefetch = 0 : i64, scratch_operands = 14 : i64, tpu.core_type = #tpu.core_type<sc_vector_subcore>, window_params = [{transform_indices = #map}, {transform_indices = #map1}, {transform_indices = #map2}, {transform_indices = #map2}, {transform_indices = #map1}, {transform_indices = #map1}, {transform_indices = #map2}, {transform_indices = #map2}, {transform_indices = #map1}, {transform_indices = #map1}]} {
    %mul3A = arith.constant 640 : i32
    %mul3A_0 = arith.muli %arg1, %mul3A : i32
    %run_scoped3A = arith.constant 0 : i32
    "tpu.region"() ({
      %run_scoped3A_353 = tpu.sem_alloc : memref<!tpu.dma_semaphore, #tpu.memory_space<semaphore_mem>>
      %dma_start3A_354 = arith.constant 0 : i32
      %dma_start3A_355 = arith.constant 0 : i32
      %dma_start3A_356 = tpu.memref_slice %arg14[%run_scoped3A, %dma_start3A_354, %dma_start3A_355] : memref<2x256x64xf32, #tpu.memory_space<vmem>> -> memref<1x128x64xf32, #tpu.memory_space<vmem>>
      %dma_start3A_357 = tpu.memref_squeeze %dma_start3A_356 : memref<1x128x64xf32, #tpu.memory_space<vmem>> -> memref<128x64xf32, #tpu.memory_space<vmem>>
      %dma_start3A_358 = arith.constant 0 : i32
      %dma_start3A_359 = arith.constant 0 : i32
      %dma_start3A_360 = tpu.memref_slice %arg14[%run_scoped3A, %dma_start3A_358, %dma_start3A_359] : memref<2x256x64xf32, #tpu.memory_space<vmem>> -> memref<1x128x64xf32, #tpu.memory_space<vmem>>
      %dma_start3A_361 = tpu.memref_squeeze %dma_start3A_360 : memref<1x128x64xf32, #tpu.memory_space<vmem>> -> memref<128x64xf32, #tpu.memory_space<vmem>>
      tpu.enqueue_dma source(%arg5 : memref<128x64xf32, #tpu.memory_space<hbm>>) target(%dma_start3A_361 : memref<128x64xf32, #tpu.memory_space<vmem>>) target_semaphore(%run_scoped3A_353 : memref<!tpu.dma_semaphore, #tpu.memory_space<semaphore_mem>>)
      %dma_wait3A_362 = arith.constant 0 : i32
      %dma_wait3A_363 = arith.constant 0 : i32
      %dma_wait3A_364 = tpu.memref_slice %arg14[%run_scoped3A, %dma_wait3A_362, %dma_wait3A_363] : memref<2x256x64xf32, #tpu.memory_space<vmem>> -> memref<1x128x64xf32, #tpu.memory_space<vmem>>
      %dma_wait3A_365 = tpu.memref_squeeze %dma_wait3A_364 : memref<1x128x64xf32, #tpu.memory_space<vmem>> -> memref<128x64xf32, #tpu.memory_space<vmem>>
      %dma_wait3A_366 = arith.constant 0 : i32
      %dma_wait3A_367 = arith.constant 0 : i32
      %dma_wait3A_368 = tpu.memref_slice %arg14[%run_scoped3A, %dma_wait3A_366, %dma_wait3A_367] : memref<2x256x64xf32, #tpu.memory_space<vmem>> -> memref<1x128x64xf32, #tpu.memory_space<vmem>>
      %dma_wait3A_369 = tpu.memref_squeeze %dma_wait3A_368 : memref<1x128x64xf32, #tpu.memory_space<vmem>> -> memref<128x64xf32, #tpu.memory_space<vmem>>
      tpu.wait_dma2 semaphore(%run_scoped3A_353 : memref<!tpu.dma_semaphore, #tpu.memory_space<semaphore_mem>>) src(%arg5 : memref<128x64xf32, #tpu.memory_space<hbm>>) dst(%dma_wait3A_369 : memref<128x64xf32, #tpu.memory_space<vmem>>)
      tpu.yield
    }) : () -> ()
    %add3A = arith.constant 0 : i32
    %add3A_1 = arith.addi %mul3A_0, %add3A : i32
    %run_scoped3A_2 = arith.constant 0 : i32
    "tpu.region"() ({
      %run_scoped3A_353 = tpu.sem_alloc : memref<!tpu.dma_semaphore, #tpu.memory_space<semaphore_mem>>
      %dma_start3A_354 = arith.constant 0 : i32
      %dma_start3A_355 = arith.constant 0 : i32
      %dma_start3A_356 = tpu.memref_slice %arg14[%run_scoped3A_2, %dma_start3A_354, %dma_start3A_355] : memref<2x256x64xf32, #tpu.memory_space<vmem>> -> memref<1x128x64xf32, #tpu.memory_space<vmem>>
      %dma_start3A_357 = tpu.memref_squeeze %dma_start3A_356 : memref<1x128x64xf32, #tpu.memory_space<vmem>> -> memref<128x64xf32, #tpu.memory_space<vmem>>
      %dma_start3A_358 = arith.constant 0 : i32
      %dma_start3A_359 = tpu.memref_slice %arg18[%add3A_1, %dma_start3A_358] : memref<10240x64xf32, #tpu.memory_space<vmem_shared>> -> memref<128x64xf32, #tpu.memory_space<vmem_shared>>
      %dma_start3A_360 = arith.constant 0 : i32
      %dma_start3A_361 = tpu.memref_slice %arg18[%add3A_1, %dma_start3A_360] : memref<10240x64xf32, #tpu.memory_space<vmem_shared>> -> memref<128x64xf32, #tpu.memory_space<vmem_shared>>
      %dma_start3A_362 = arith.constant 0 : i32
      %dma_start3A_363 = arith.constant 0 : i32
      %dma_start3A_364 = tpu.memref_slice %arg14[%run_scoped3A_2, %dma_start3A_362, %dma_start3A_363] : memref<2x256x64xf32, #tpu.memory_space<vmem>> -> memref<1x128x64xf32, #tpu.memory_space<vmem>>
      %dma_start3A_365 = tpu.memref_squeeze %dma_start3A_364 : memref<1x128x64xf32, #tpu.memory_space<vmem>> -> memref<128x64xf32, #tpu.memory_space<vmem>>
      tpu.enqueue_dma source(%dma_start3A_365 : memref<128x64xf32, #tpu.memory_space<vmem>>) target(%dma_start3A_361 : memref<128x64xf32, #tpu.memory_space<vmem_shared>>) target_semaphore(%run_scoped3A_353 : memref<!tpu.dma_semaphore, #tpu.memory_space<semaphore_mem>>)
      %dma_wait3A_366 = arith.constant 0 : i32
      %dma_wait3A_367 = arith.constant 0 : i32
      %dma_wait3A_368 = tpu.memref_slice %arg14[%run_scoped3A_2, %dma_wait3A_366, %dma_wait3A_367] : memref<2x256x64xf32, #tpu.memory_space<vmem>> -> memref<1x128x64xf32, #tpu.memory_space<vmem>>
      %dma_wait3A_369 = tpu.memref_squeeze %dma_wait3A_368 : memref<1x128x64xf32, #tpu.memory_space<vmem>> -> memref<128x64xf32, #tpu.memory_space<vmem>>
      %dma_wait3A_370 = arith.constant 0 : i32
      %dma_wait3A_371 = tpu.memref_slice %arg18[%add3A_1, %dma_wait3A_370] : memref<10240x64xf32, #tpu.memory_space<vmem_shared>> -> memref<128x64xf32, #tpu.memory_space<vmem_shared>>
      %dma_wait3A_372 = arith.constant 0 : i32
      %dma_wait3A_373 = tpu.memref_slice %arg18[%add3A_1, %dma_wait3A_372] : memref<10240x64xf32, #tpu.memory_space<vmem_shared>> -> memref<128x64xf32, #tpu.memory_space<vmem_shared>>
      %dma_wait3A_374 = arith.constant 0 : i32
      %dma_wait3A_375 = arith.constant 0 : i32
      %dma_wait3A_376 = tpu.memref_slice %arg14[%run_scoped3A_2, %dma_wait3A_374, %dma_wait3A_375] : memref<2x256x64xf32, #tpu.memory_space<vmem>> -> memref<1x128x64xf32, #tpu.memory_space<vmem>>
      %dma_wait3A_377 = tpu.memref_squeeze %dma_wait3A_376 : memref<1x128x64xf32, #tpu.memory_space<vmem>> -> memref<128x64xf32, #tpu.memory_space<vmem>>
      tpu.wait_dma2 semaphore(%run_scoped3A_353 : memref<!tpu.dma_semaphore, #tpu.memory_space<semaphore_mem>>) src(%dma_wait3A_377 : memref<128x64xf32, #tpu.memory_space<vmem>>) dst(%dma_wait3A_373 : memref<128x64xf32, #tpu.memory_space<vmem_shared>>)
      tpu.yield
    }) : () -> ()
    %add3A_3 = arith.constant 128 : i32
    %add3A_4 = arith.addi %mul3A_0, %add3A_3 : i32
    %run_scoped3A_5 = arith.constant 0 : i32
    "tpu.region"() ({
      %run_scoped3A_353 = tpu.sem_alloc : memref<!tpu.dma_semaphore, #tpu.memory_space<semaphore_mem>>
      %dma_start3A_354 = arith.constant 0 : i32
      %dma_start3A_355 = arith.constant 0 : i32
      %dma_start3A_356 = tpu.memref_slice %arg14[%run_scoped3A_5, %dma_start3A_354, %dma_start3A_355] : memref<2x256x64xf32, #tpu.memory_space<vmem>> -> memref<1x128x64xf32, #tpu.memory_space<vmem>>
      %dma_start3A_357 = tpu.memref_squeeze %dma_start3A_356 : memref<1x128x64xf32, #tpu.memory_space<vmem>> -> memref<128x64xf32, #tpu.memory_space<vmem>>
      %dma_start3A_358 = arith.constant 0 : i32
      %dma_start3A_359 = tpu.memref_slice %arg18[%add3A_4, %dma_start3A_358] : memref<10240x64xf32, #tpu.memory_space<vmem_shared>> -> memref<128x64xf32, #tpu.memory_space<vmem_shared>>
      %dma_start3A_360 = arith.constant 0 : i32
      %dma_start3A_361 = tpu.memref_slice %arg18[%add3A_4, %dma_start3A_360] : memref<10240x64xf32, #tpu.memory_space<vmem_shared>> -> memref<128x64xf32, #tpu.memory_space<vmem_shared>>
      %dma_start3A_362 = arith.constant 0 : i32
      %dma_start3A_363 = arith.constant 0 : i32
      %dma_start3A_364 = tpu.memref_slice %arg14[%run_scoped3A_5, %dma_start3A_362, %dma_start3A_363] : memref<2x256x64xf32, #tpu.memory_space<vmem>> -> memref<1x128x64xf32, #tpu.memory_space<vmem>>
      %dma_start3A_365 = tpu.memref_squeeze %dma_start3A_364 : memref<1x128x64xf32, #tpu.memory_space<vmem>> -> memref<128x64xf32, #tpu.memory_space<vmem>>
      tpu.enqueue_dma source(%dma_start3A_365 : memref<128x64xf32, #tpu.memory_space<vmem>>) target(%dma_start3A_361 : memref<128x64xf32, #tpu.memory_space<vmem_shared>>) target_semaphore(%run_scoped3A_353 : memref<!tpu.dma_semaphore, #tpu.memory_space<semaphore_mem>>)
      %dma_wait3A_366 = arith.constant 0 : i32
      %dma_wait3A_367 = arith.constant 0 : i32
      %dma_wait3A_368 = tpu.memref_slice %arg14[%run_scoped3A_5, %dma_wait3A_366, %dma_wait3A_367] : memref<2x256x64xf32, #tpu.memory_space<vmem>> -> memref<1x128x64xf32, #tpu.memory_space<vmem>>
      %dma_wait3A_369 = tpu.memref_squeeze %dma_wait3A_368 : memref<1x128x64xf32, #tpu.memory_space<vmem>> -> memref<128x64xf32, #tpu.memory_space<vmem>>
      %dma_wait3A_370 = arith.constant 0 : i32
      %dma_wait3A_371 = tpu.memref_slice %arg18[%add3A_4, %dma_wait3A_370] : memref<10240x64xf32, #tpu.memory_space<vmem_shared>> -> memref<128x64xf32, #tpu.memory_space<vmem_shared>>
      %dma_wait3A_372 = arith.constant 0 : i32
      %dma_wait3A_373 = tpu.memref_slice %arg18[%add3A_4, %dma_wait3A_372] : memref<10240x64xf32, #tpu.memory_space<vmem_shared>> -> memref<128x64xf32, #tpu.memory_space<vmem_shared>>
      %dma_wait3A_374 = arith.constant 0 : i32
      %dma_wait3A_375 = arith.constant 0 : i32
      %dma_wait3A_376 = tpu.memref_slice %arg14[%run_scoped3A_5, %dma_wait3A_374, %dma_wait3A_375] : memref<2x256x64xf32, #tpu.memory_space<vmem>> -> memref<1x128x64xf32, #tpu.memory_space<vmem>>
      %dma_wait3A_377 = tpu.memref_squeeze %dma_wait3A_376 : memref<1x128x64xf32, #tpu.memory_space<vmem>> -> memref<128x64xf32, #tpu.memory_space<vmem>>
      tpu.wait_dma2 semaphore(%run_scoped3A_353 : memref<!tpu.dma_semaphore, #tpu.memory_space<semaphore_mem>>) src(%dma_wait3A_377 : memref<128x64xf32, #tpu.memory_space<vmem>>) dst(%dma_wait3A_373 : memref<128x64xf32, #tpu.memory_space<vmem_shared>>)
      tpu.yield
    }) : () -> ()
    %add3A_6 = arith.constant 256 : i32
    %add3A_7 = arith.addi %mul3A_0, %add3A_6 : i32
    %run_scoped3A_8 = arith.constant 0 : i32
    "tpu.region"() ({
      %run_scoped3A_353 = tpu.sem_alloc : memref<!tpu.dma_semaphore, #tpu.memory_space<semaphore_mem>>
      %dma_start3A_354 = arith.constant 0 : i32
      %dma_start3A_355 = arith.constant 0 : i32
      %dma_start3A_356 = tpu.memref_slice %arg14[%run_scoped3A_8, %dma_start3A_354, %dma_start3A_355] : memref<2x256x64xf32, #tpu.memory_space<vmem>> -> memref<1x128x64xf32, #tpu.memory_space<vmem>>
      %dma_start3A_357 = tpu.memref_squeeze %dma_start3A_356 : memref<1x128x64xf32, #tpu.memory_space<vmem>> -> memref<128x64xf32, #tpu.memory_space<vmem>>
      %dma_start3A_358 = arith.constant 0 : i32
      %dma_start3A_359 = tpu.memref_slice %arg18[%add3A_7, %dma_start3A_358] : memref<10240x64xf32, #tpu.memory_space<vmem_shared>> -> memref<128x64xf32, #tpu.memory_space<vmem_shared>>
      %dma_start3A_360 = arith.constant 0 : i32
      %dma_start3A_361 = tpu.memref_slice %arg18[%add3A_7, %dma_start3A_360] : memref<10240x64xf32, #tpu.memory_space<vmem_shared>> -> memref<128x64xf32, #tpu.memory_space<vmem_shared>>
      %dma_start3A_362 = arith.constant 0 : i32
      %dma_start3A_363 = arith.constant 0 : i32
      %dma_start3A_364 = tpu.memref_slice %arg14[%run_scoped3A_8, %dma_start3A_362, %dma_start3A_363] : memref<2x256x64xf32, #tpu.memory_space<vmem>> -> memref<1x128x64xf32, #tpu.memory_space<vmem>>
      %dma_start3A_365 = tpu.memref_squeeze %dma_start3A_364 : memref<1x128x64xf32, #tpu.memory_space<vmem>> -> memref<128x64xf32, #tpu.memory_space<vmem>>
      tpu.enqueue_dma source(%dma_start3A_365 : memref<128x64xf32, #tpu.memory_space<vmem>>) target(%dma_start3A_361 : memref<128x64xf32, #tpu.memory_space<vmem_shared>>) target_semaphore(%run_scoped3A_353 : memref<!tpu.dma_semaphore, #tpu.memory_space<semaphore_mem>>)
      %dma_wait3A_366 = arith.constant 0 : i32
      %dma_wait3A_367 = arith.constant 0 : i32
      %dma_wait3A_368 = tpu.memref_slice %arg14[%run_scoped3A_8, %dma_wait3A_366, %dma_wait3A_367] : memref<2x256x64xf32, #tpu.memory_space<vmem>> -> memref<1x128x64xf32, #tpu.memory_space<vmem>>
      %dma_wait3A_369 = tpu.memref_squeeze %dma_wait3A_368 : memref<1x128x64xf32, #tpu.memory_space<vmem>> -> memref<128x64xf32, #tpu.memory_space<vmem>>
      %dma_wait3A_370 = arith.constant 0 : i32
      %dma_wait3A_371 = tpu.memref_slice %arg18[%add3A_7, %dma_wait3A_370] : memref<10240x64xf32, #tpu.memory_space<vmem_shared>> -> memref<128x64xf32, #tpu.memory_space<vmem_shared>>
      %dma_wait3A_372 = arith.constant 0 : i32
      %dma_wait3A_373 = tpu.memref_slice %arg18[%add3A_7, %dma_wait3A_372] : memref<10240x64xf32, #tpu.memory_space<vmem_shared>> -> memref<128x64xf32, #tpu.memory_space<vmem_shared>>
      %dma_wait3A_374 = arith.constant 0 : i32
      %dma_wait3A_375 = arith.constant 0 : i32
      %dma_wait3A_376 = tpu.memref_slice %arg14[%run_scoped3A_8, %dma_wait3A_374, %dma_wait3A_375] : memref<2x256x64xf32, #tpu.memory_space<vmem>> -> memref<1x128x64xf32, #tpu.memory_space<vmem>>
      %dma_wait3A_377 = tpu.memref_squeeze %dma_wait3A_376 : memref<1x128x64xf32, #tpu.memory_space<vmem>> -> memref<128x64xf32, #tpu.memory_space<vmem>>
      tpu.wait_dma2 semaphore(%run_scoped3A_353 : memref<!tpu.dma_semaphore, #tpu.memory_space<semaphore_mem>>) src(%dma_wait3A_377 : memref<128x64xf32, #tpu.memory_space<vmem>>) dst(%dma_wait3A_373 : memref<128x64xf32, #tpu.memory_space<vmem_shared>>)
      tpu.yield
    }) : () -> ()
    %add3A_9 = arith.constant 384 : i32
    %add3A_10 = arith.addi %mul3A_0, %add3A_9 : i32
    %run_scoped3A_11 = arith.constant 0 : i32
    "tpu.region"() ({
      %run_scoped3A_353 = tpu.sem_alloc : memref<!tpu.dma_semaphore, #tpu.memory_space<semaphore_mem>>
      %dma_start3A_354 = arith.constant 0 : i32
      %dma_start3A_355 = arith.constant 0 : i32
      %dma_start3A_356 = tpu.memref_slice %arg14[%run_scoped3A_11, %dma_start3A_354, %dma_start3A_355] : memref<2x256x64xf32, #tpu.memory_space<vmem>> -> memref<1x128x64xf32, #tpu.memory_space<vmem>>
      %dma_start3A_357 = tpu.memref_squeeze %dma_start3A_356 : memref<1x128x64xf32, #tpu.memory_space<vmem>> -> memref<128x64xf32, #tpu.memory_space<vmem>>
      %dma_start3A_358 = arith.constant 0 : i32
      %dma_start3A_359 = tpu.memref_slice %arg18[%add3A_10, %dma_start3A_358] : memref<10240x64xf32, #tpu.memory_space<vmem_shared>> -> memref<128x64xf32, #tpu.memory_space<vmem_shared>>
      %dma_start3A_360 = arith.constant 0 : i32
      %dma_start3A_361 = tpu.memref_slice %arg18[%add3A_10, %dma_start3A_360] : memref<10240x64xf32, #tpu.memory_space<vmem_shared>> -> memref<128x64xf32, #tpu.memory_space<vmem_shared>>
      %dma_start3A_362 = arith.constant 0 : i32
      %dma_start3A_363 = arith.constant 0 : i32
      %dma_start3A_364 = tpu.memref_slice %arg14[%run_scoped3A_11, %dma_start3A_362, %dma_start3A_363] : memref<2x256x64xf32, #tpu.memory_space<vmem>> -> memref<1x128x64xf32, #tpu.memory_space<vmem>>
      %dma_start3A_365 = tpu.memref_squeeze %dma_start3A_364 : memref<1x128x64xf32, #tpu.memory_space<vmem>> -> memref<128x64xf32, #tpu.memory_space<vmem>>
      tpu.enqueue_dma source(%dma_start3A_365 : memref<128x64xf32, #tpu.memory_space<vmem>>) target(%dma_start3A_361 : memref<128x64xf32, #tpu.memory_space<vmem_shared>>) target_semaphore(%run_scoped3A_353 : memref<!tpu.dma_semaphore, #tpu.memory_space<semaphore_mem>>)
      %dma_wait3A_366 = arith.constant 0 : i32
      %dma_wait3A_367 = arith.constant 0 : i32
      %dma_wait3A_368 = tpu.memref_slice %arg14[%run_scoped3A_11, %dma_wait3A_366, %dma_wait3A_367] : memref<2x256x64xf32, #tpu.memory_space<vmem>> -> memref<1x128x64xf32, #tpu.memory_space<vmem>>
      %dma_wait3A_369 = tpu.memref_squeeze %dma_wait3A_368 : memref<1x128x64xf32, #tpu.memory_space<vmem>> -> memref<128x64xf32, #tpu.memory_space<vmem>>
      %dma_wait3A_370 = arith.constant 0 : i32
      %dma_wait3A_371 = tpu.memref_slice %arg18[%add3A_10, %dma_wait3A_370] : memref<10240x64xf32, #tpu.memory_space<vmem_shared>> -> memref<128x64xf32, #tpu.memory_space<vmem_shared>>
      %dma_wait3A_372 = arith.constant 0 : i32
      %dma_wait3A_373 = tpu.memref_slice %arg18[%add3A_10, %dma_wait3A_372] : memref<10240x64xf32, #tpu.memory_space<vmem_shared>> -> memref<128x64xf32, #tpu.memory_space<vmem_shared>>
      %dma_wait3A_374 = arith.constant 0 : i32
      %dma_wait3A_375 = arith.constant 0 : i32
      %dma_wait3A_376 = tpu.memref_slice %arg14[%run_scoped3A_11, %dma_wait3A_374, %dma_wait3A_375] : memref<2x256x64xf32, #tpu.memory_space<vmem>> -> memref<1x128x64xf32, #tpu.memory_space<vmem>>
      %dma_wait3A_377 = tpu.memref_squeeze %dma_wait3A_376 : memref<1x128x64xf32, #tpu.memory_space<vmem>> -> memref<128x64xf32, #tpu.memory_space<vmem>>
      tpu.wait_dma2 semaphore(%run_scoped3A_353 : memref<!tpu.dma_semaphore, #tpu.memory_space<semaphore_mem>>) src(%dma_wait3A_377 : memref<128x64xf32, #tpu.memory_space<vmem>>) dst(%dma_wait3A_373 : memref<128x64xf32, #tpu.memory_space<vmem_shared>>)
      tpu.yield
    }) : () -> ()
    %add3A_12 = arith.constant 512 : i32
    %add3A_13 = arith.addi %mul3A_0, %add3A_12 : i32
    %run_scoped3A_14 = arith.constant 0 : i32
    "tpu.region"() ({
      %run_scoped3A_353 = tpu.sem_alloc : memref<!tpu.dma_semaphore, #tpu.memory_space<semaphore_mem>>
      %dma_start3A_354 = arith.constant 0 : i32
      %dma_start3A_355 = arith.constant 0 : i32
      %dma_start3A_356 = tpu.memref_slice %arg14[%run_scoped3A_14, %dma_start3A_354, %dma_start3A_355] : memref<2x256x64xf32, #tpu.memory_space<vmem>> -> memref<1x128x64xf32, #tpu.memory_space<vmem>>
      %dma_start3A_357 = tpu.memref_squeeze %dma_start3A_356 : memref<1x128x64xf32, #tpu.memory_space<vmem>> -> memref<128x64xf32, #tpu.memory_space<vmem>>
      %dma_start3A_358 = arith.constant 0 : i32
      %dma_start3A_359 = tpu.memref_slice %arg18[%add3A_13, %dma_start3A_358] : memref<10240x64xf32, #tpu.memory_space<vmem_shared>> -> memref<128x64xf32, #tpu.memory_space<vmem_shared>>
      %dma_start3A_360 = arith.constant 0 : i32
      %dma_start3A_361 = tpu.memref_slice %arg18[%add3A_13, %dma_start3A_360] : memref<10240x64xf32, #tpu.memory_space<vmem_shared>> -> memref<128x64xf32, #tpu.memory_space<vmem_shared>>
      %dma_start3A_362 = arith.constant 0 : i32
      %dma_start3A_363 = arith.constant 0 : i32
      %dma_start3A_364 = tpu.memref_slice %arg14[%run_scoped3A_14, %dma_start3A_362, %dma_start3A_363] : memref<2x256x64xf32, #tpu.memory_space<vmem>> -> memref<1x128x64xf32, #tpu.memory_space<vmem>>
      %dma_start3A_365 = tpu.memref_squeeze %dma_start3A_364 : memref<1x128x64xf32, #tpu.memory_space<vmem>> -> memref<128x64xf32, #tpu.memory_space<vmem>>
      tpu.enqueue_dma source(%dma_start3A_365 : memref<128x64xf32, #tpu.memory_space<vmem>>) target(%dma_start3A_361 : memref<128x64xf32, #tpu.memory_space<vmem_shared>>) target_semaphore(%run_scoped3A_353 : memref<!tpu.dma_semaphore, #tpu.memory_space<semaphore_mem>>)
      %dma_wait3A_366 = arith.constant 0 : i32
      %dma_wait3A_367 = arith.constant 0 : i32
      %dma_wait3A_368 = tpu.memref_slice %arg14[%run_scoped3A_14, %dma_wait3A_366, %dma_wait3A_367] : memref<2x256x64xf32, #tpu.memory_space<vmem>> -> memref<1x128x64xf32, #tpu.memory_space<vmem>>
      %dma_wait3A_369 = tpu.memref_squeeze %dma_wait3A_368 : memref<1x128x64xf32, #tpu.memory_space<vmem>> -> memref<128x64xf32, #tpu.memory_space<vmem>>
      %dma_wait3A_370 = arith.constant 0 : i32
      %dma_wait3A_371 = tpu.memref_slice %arg18[%add3A_13, %dma_wait3A_370] : memref<10240x64xf32, #tpu.memory_space<vmem_shared>> -> memref<128x64xf32, #tpu.memory_space<vmem_shared>>
      %dma_wait3A_372 = arith.constant 0 : i32
      %dma_wait3A_373 = tpu.memref_slice %arg18[%add3A_13, %dma_wait3A_372] : memref<10240x64xf32, #tpu.memory_space<vmem_shared>> -> memref<128x64xf32, #tpu.memory_space<vmem_shared>>
      %dma_wait3A_374 = arith.constant 0 : i32
      %dma_wait3A_375 = arith.constant 0 : i32
      %dma_wait3A_376 = tpu.memref_slice %arg14[%run_scoped3A_14, %dma_wait3A_374, %dma_wait3A_375] : memref<2x256x64xf32, #tpu.memory_space<vmem>> -> memref<1x128x64xf32, #tpu.memory_space<vmem>>
      %dma_wait3A_377 = tpu.memref_squeeze %dma_wait3A_376 : memref<1x128x64xf32, #tpu.memory_space<vmem>> -> memref<128x64xf32, #tpu.memory_space<vmem>>
      tpu.wait_dma2 semaphore(%run_scoped3A_353 : memref<!tpu.dma_semaphore, #tpu.memory_space<semaphore_mem>>) src(%dma_wait3A_377 : memref<128x64xf32, #tpu.memory_space<vmem>>) dst(%dma_wait3A_373 : memref<128x64xf32, #tpu.memory_space<vmem_shared>>)
      tpu.yield
    }) : () -> ()
    "tpu.region"() ({
      %run_scoped3A_353 = tpu.sem_alloc : memref<!tpu.dma_semaphore, #tpu.memory_space<semaphore_mem>>
      tpu.enqueue_dma source(%arg6 : memref<640xf32, #tpu.memory_space<hbm>>) target(%arg16 : memref<640xf32, #tpu.memory_space<vmem>>) target_semaphore(%run_scoped3A_353 : memref<!tpu.dma_semaphore, #tpu.memory_space<semaphore_mem>>)
      tpu.wait_dma2 semaphore(%run_scoped3A_353 : memref<!tpu.dma_semaphore, #tpu.memory_space<semaphore_mem>>) src(%arg6 : memref<640xf32, #tpu.memory_space<hbm>>) dst(%arg16 : memref<640xf32, #tpu.memory_space<vmem>>)
      tpu.yield
    }) : () -> ()
    "tpu.region"() ({
      %run_scoped3A_353 = tpu.sem_alloc : memref<!tpu.dma_semaphore, #tpu.memory_space<semaphore_mem>>
      %dma_start3A_354 = tpu.memref_slice %arg19[%mul3A_0] : memref<10240xf32, #tpu.memory_space<vmem_shared>> -> memref<640xf32, #tpu.memory_space<vmem_shared>>
      %dma_start3A_355 = tpu.memref_slice %arg19[%mul3A_0] : memref<10240xf32, #tpu.memory_space<vmem_shared>> -> memref<640xf32, #tpu.memory_space<vmem_shared>>
      tpu.enqueue_dma source(%arg16 : memref<640xf32, #tpu.memory_space<vmem>>) target(%dma_start3A_355 : memref<640xf32, #tpu.memory_space<vmem_shared>>) target_semaphore(%run_scoped3A_353 : memref<!tpu.dma_semaphore, #tpu.memory_space<semaphore_mem>>)
      %dma_wait3A_356 = tpu.memref_slice %arg19[%mul3A_0] : memref<10240xf32, #tpu.memory_space<vmem_shared>> -> memref<640xf32, #tpu.memory_space<vmem_shared>>
      %dma_wait3A_357 = tpu.memref_slice %arg19[%mul3A_0] : memref<10240xf32, #tpu.memory_space<vmem_shared>> -> memref<640xf32, #tpu.memory_space<vmem_shared>>
      tpu.wait_dma2 semaphore(%run_scoped3A_353 : memref<!tpu.dma_semaphore, #tpu.memory_space<semaphore_mem>>) src(%arg16 : memref<640xf32, #tpu.memory_space<vmem>>) dst(%dma_wait3A_357 : memref<640xf32, #tpu.memory_space<vmem_shared>>)
      tpu.yield
    }) : () -> ()
    "tpu.region"() ({
      %run_scoped3A_353 = tpu.sem_alloc : memref<!tpu.dma_semaphore, #tpu.memory_space<semaphore_mem>>
      tpu.enqueue_dma source(%arg7 : memref<128xf32, #tpu.memory_space<hbm>>) target(%arg15 : memref<128xf32, #tpu.memory_space<vmem>>) target_semaphore(%run_scoped3A_353 : memref<!tpu.dma_semaphore, #tpu.memory_space<semaphore_mem>>)
      tpu.wait_dma2 semaphore(%run_scoped3A_353 : memref<!tpu.dma_semaphore, #tpu.memory_space<semaphore_mem>>) src(%arg7 : memref<128xf32, #tpu.memory_space<hbm>>) dst(%arg15 : memref<128xf32, #tpu.memory_space<vmem>>)
      tpu.yield
    }) : () -> ()
    %add3A_15 = arith.constant 0 : i32
    %add3A_16 = arith.addi %mul3A_0, %add3A_15 : i32
    %run_scoped3A_17 = arith.constant 0 : i32
    "tpu.region"() ({
      %run_scoped3A_353 = tpu.sem_alloc : memref<!tpu.dma_semaphore, #tpu.memory_space<semaphore_mem>>
      %dma_start3A_354 = arith.constant 0 : i32
      %dma_start3A_355 = arith.constant 0 : i32
      %dma_start3A_356 = tpu.memref_slice %arg14[%run_scoped3A_17, %dma_start3A_354, %dma_start3A_355] : memref<2x256x64xf32, #tpu.memory_space<vmem>> -> memref<1x256x64xf32, #tpu.memory_space<vmem>>
      %dma_start3A_357 = tpu.memref_squeeze %dma_start3A_356 : memref<1x256x64xf32, #tpu.memory_space<vmem>> -> memref<256x64xf32, #tpu.memory_space<vmem>>
      %dma_start3A_358 = arith.constant 0 : i32
      %dma_start3A_359 = arith.constant 0 : i32
      %dma_start3A_360 = tpu.memref_slice %arg2[%arg0, %dma_start3A_358, %dma_start3A_359] : memref<2x10240x64xf32, #tpu.memory_space<hbm>> -> memref<1x10240x64xf32, #tpu.memory_space<hbm>>
      %dma_start3A_361 = tpu.memref_squeeze %dma_start3A_360 : memref<1x10240x64xf32, #tpu.memory_space<hbm>> -> memref<10240x64xf32, #tpu.memory_space<hbm>>
      %dma_start3A_362 = arith.constant 0 : i32
      %dma_start3A_363 = tpu.memref_slice %dma_start3A_361[%add3A_16, %dma_start3A_362] : memref<10240x64xf32, #tpu.memory_space<hbm>> -> memref<256x64xf32, #tpu.memory_space<hbm>>
      %dma_start3A_364 = arith.constant 0 : i32
      %dma_start3A_365 = arith.constant 0 : i32
      %dma_start3A_366 = tpu.memref_slice %arg14[%run_scoped3A_17, %dma_start3A_364, %dma_start3A_365] : memref<2x256x64xf32, #tpu.memory_space<vmem>> -> memref<1x256x64xf32, #tpu.memory_space<vmem>>
      %dma_start3A_367 = tpu.memref_squeeze %dma_start3A_366 : memref<1x256x64xf32, #tpu.memory_space<vmem>> -> memref<256x64xf32, #tpu.memory_space<vmem>>
      %dma_start3A_368 = arith.constant 0 : i32
      %dma_start3A_369 = arith.constant 0 : i32
      %dma_start3A_370 = tpu.memref_slice %arg2[%arg0, %dma_start3A_368, %dma_start3A_369] : memref<2x10240x64xf32, #tpu.memory_space<hbm>> -> memref<1x10240x64xf32, #tpu.memory_space<hbm>>
      %dma_start3A_371 = tpu.memref_squeeze %dma_start3A_370 : memref<1x10240x64xf32, #tpu.memory_space<hbm>> -> memref<10240x64xf32, #tpu.memory_space<hbm>>
      %dma_start3A_372 = arith.constant 0 : i32
      %dma_start3A_373 = tpu.memref_slice %dma_start3A_371[%add3A_16, %dma_start3A_372] : memref<10240x64xf32, #tpu.memory_space<hbm>> -> memref<256x64xf32, #tpu.memory_space<hbm>>
      tpu.enqueue_dma source(%dma_start3A_373 : memref<256x64xf32, #tpu.memory_space<hbm>>) target(%dma_start3A_367 : memref<256x64xf32, #tpu.memory_space<vmem>>) target_semaphore(%run_scoped3A_353 : memref<!tpu.dma_semaphore, #tpu.memory_space<semaphore_mem>>)
      %dma_wait3A_374 = arith.constant 0 : i32
      %dma_wait3A_375 = arith.constant 0 : i32
      %dma_wait3A_376 = tpu.memref_slice %arg14[%run_scoped3A_17, %dma_wait3A_374, %dma_wait3A_375] : memref<2x256x64xf32, #tpu.memory_space<vmem>> -> memref<1x256x64xf32, #tpu.memory_space<vmem>>
      %dma_wait3A_377 = tpu.memref_squeeze %dma_wait3A_376 : memref<1x256x64xf32, #tpu.memory_space<vmem>> -> memref<256x64xf32, #tpu.memory_space<vmem>>
      %dma_wait3A_378 = arith.constant 0 : i32
      %dma_wait3A_379 = arith.constant 0 : i32
      %dma_wait3A_380 = tpu.memref_slice %arg2[%arg0, %dma_wait3A_378, %dma_wait3A_379] : memref<2x10240x64xf32, #tpu.memory_space<hbm>> -> memref<1x10240x64xf32, #tpu.memory_space<hbm>>
      %dma_wait3A_381 = tpu.memref_squeeze %dma_wait3A_380 : memref<1x10240x64xf32, #tpu.memory_space<hbm>> -> memref<10240x64xf32, #tpu.memory_space<hbm>>
      %dma_wait3A_382 = arith.constant 0 : i32
      %dma_wait3A_383 = tpu.memref_slice %dma_wait3A_381[%add3A_16, %dma_wait3A_382] : memref<10240x64xf32, #tpu.memory_space<hbm>> -> memref<256x64xf32, #tpu.memory_space<hbm>>
      %dma_wait3A_384 = arith.constant 0 : i32
      %dma_wait3A_385 = arith.constant 0 : i32
      %dma_wait3A_386 = tpu.memref_slice %arg14[%run_scoped3A_17, %dma_wait3A_384, %dma_wait3A_385] : memref<2x256x64xf32, #tpu.memory_space<vmem>> -> memref<1x256x64xf32, #tpu.memory_space<vmem>>
      %dma_wait3A_387 = tpu.memref_squeeze %dma_wait3A_386 : memref<1x256x64xf32, #tpu.memory_space<vmem>> -> memref<256x64xf32, #tpu.memory_space<vmem>>
      %dma_wait3A_388 = arith.constant 0 : i32
      %dma_wait3A_389 = arith.constant 0 : i32
      %dma_wait3A_390 = tpu.memref_slice %arg2[%arg0, %dma_wait3A_388, %dma_wait3A_389] : memref<2x10240x64xf32, #tpu.memory_space<hbm>> -> memref<1x10240x64xf32, #tpu.memory_space<hbm>>
      %dma_wait3A_391 = tpu.memref_squeeze %dma_wait3A_390 : memref<1x10240x64xf32, #tpu.memory_space<hbm>> -> memref<10240x64xf32, #tpu.memory_space<hbm>>
      %dma_wait3A_392 = arith.constant 0 : i32
      %dma_wait3A_393 = tpu.memref_slice %dma_wait3A_391[%add3A_16, %dma_wait3A_392] : memref<10240x64xf32, #tpu.memory_space<hbm>> -> memref<256x64xf32, #tpu.memory_space<hbm>>
      tpu.wait_dma2 semaphore(%run_scoped3A_353 : memref<!tpu.dma_semaphore, #tpu.memory_space<semaphore_mem>>) src(%dma_wait3A_393 : memref<256x64xf32, #tpu.memory_space<hbm>>) dst(%dma_wait3A_387 : memref<256x64xf32, #tpu.memory_space<vmem>>)
      tpu.yield
    }) : () -> ()
    %add3A_18 = arith.constant 0 : i32
    %add3A_19 = arith.addi %mul3A_0, %add3A_18 : i32
    %run_scoped3A_20 = arith.constant 0 : i32
    "tpu.region"() ({
      %run_scoped3A_353 = tpu.sem_alloc : memref<!tpu.dma_semaphore, #tpu.memory_space<semaphore_mem>>
      %dma_start3A_354 = arith.constant 0 : i32
      %dma_start3A_355 = arith.constant 0 : i32
      %dma_start3A_356 = tpu.memref_slice %arg14[%run_scoped3A_20, %dma_start3A_354, %dma_start3A_355] : memref<2x256x64xf32, #tpu.memory_space<vmem>> -> memref<1x256x64xf32, #tpu.memory_space<vmem>>
      %dma_start3A_357 = tpu.memref_squeeze %dma_start3A_356 : memref<1x256x64xf32, #tpu.memory_space<vmem>> -> memref<256x64xf32, #tpu.memory_space<vmem>>
      %dma_start3A_358 = arith.constant 0 : i32
      %dma_start3A_359 = tpu.memref_slice %arg17[%add3A_19, %dma_start3A_358] : memref<10240x64xf32, #tpu.memory_space<vmem_shared>> -> memref<256x64xf32, #tpu.memory_space<vmem_shared>>
      %dma_start3A_360 = arith.constant 0 : i32
      %dma_start3A_361 = tpu.memref_slice %arg17[%add3A_19, %dma_start3A_360] : memref<10240x64xf32, #tpu.memory_space<vmem_shared>> -> memref<256x64xf32, #tpu.memory_space<vmem_shared>>
      %dma_start3A_362 = arith.constant 0 : i32
      %dma_start3A_363 = arith.constant 0 : i32
      %dma_start3A_364 = tpu.memref_slice %arg14[%run_scoped3A_20, %dma_start3A_362, %dma_start3A_363] : memref<2x256x64xf32, #tpu.memory_space<vmem>> -> memref<1x256x64xf32, #tpu.memory_space<vmem>>
      %dma_start3A_365 = tpu.memref_squeeze %dma_start3A_364 : memref<1x256x64xf32, #tpu.memory_space<vmem>> -> memref<256x64xf32, #tpu.memory_space<vmem>>
      tpu.enqueue_dma source(%dma_start3A_365 : memref<256x64xf32, #tpu.memory_space<vmem>>) target(%dma_start3A_361 : memref<256x64xf32, #tpu.memory_space<vmem_shared>>) target_semaphore(%run_scoped3A_353 : memref<!tpu.dma_semaphore, #tpu.memory_space<semaphore_mem>>)
      %dma_wait3A_366 = arith.constant 0 : i32
      %dma_wait3A_367 = arith.constant 0 : i32
      %dma_wait3A_368 = tpu.memref_slice %arg14[%run_scoped3A_20, %dma_wait3A_366, %dma_wait3A_367] : memref<2x256x64xf32, #tpu.memory_space<vmem>> -> memref<1x256x64xf32, #tpu.memory_space<vmem>>
      %dma_wait3A_369 = tpu.memref_squeeze %dma_wait3A_368 : memref<1x256x64xf32, #tpu.memory_space<vmem>> -> memref<256x64xf32, #tpu.memory_space<vmem>>
      %dma_wait3A_370 = arith.constant 0 : i32
      %dma_wait3A_371 = tpu.memref_slice %arg17[%add3A_19, %dma_wait3A_370] : memref<10240x64xf32, #tpu.memory_space<vmem_shared>> -> memref<256x64xf32, #tpu.memory_space<vmem_shared>>
      %dma_wait3A_372 = arith.constant 0 : i32
      %dma_wait3A_373 = tpu.memref_slice %arg17[%add3A_19, %dma_wait3A_372] : memref<10240x64xf32, #tpu.memory_space<vmem_shared>> -> memref<256x64xf32, #tpu.memory_space<vmem_shared>>
      %dma_wait3A_374 = arith.constant 0 : i32
      %dma_wait3A_375 = arith.constant 0 : i32
      %dma_wait3A_376 = tpu.memref_slice %arg14[%run_scoped3A_20, %dma_wait3A_374, %dma_wait3A_375] : memref<2x256x64xf32, #tpu.memory_space<vmem>> -> memref<1x256x64xf32, #tpu.memory_space<vmem>>
      %dma_wait3A_377 = tpu.memref_squeeze %dma_wait3A_376 : memref<1x256x64xf32, #tpu.memory_space<vmem>> -> memref<256x64xf32, #tpu.memory_space<vmem>>
      tpu.wait_dma2 semaphore(%run_scoped3A_353 : memref<!tpu.dma_semaphore, #tpu.memory_space<semaphore_mem>>) src(%dma_wait3A_377 : memref<256x64xf32, #tpu.memory_space<vmem>>) dst(%dma_wait3A_373 : memref<256x64xf32, #tpu.memory_space<vmem_shared>>)
      tpu.yield
    }) : () -> ()
    %add3A_21 = arith.constant 256 : i32
    %add3A_22 = arith.addi %mul3A_0, %add3A_21 : i32
    %run_scoped3A_23 = arith.constant 0 : i32
    "tpu.region"() ({
      %run_scoped3A_353 = tpu.sem_alloc : memref<!tpu.dma_semaphore, #tpu.memory_space<semaphore_mem>>
      %dma_start3A_354 = arith.constant 0 : i32
      %dma_start3A_355 = arith.constant 0 : i32
      %dma_start3A_356 = tpu.memref_slice %arg14[%run_scoped3A_23, %dma_start3A_354, %dma_start3A_355] : memref<2x256x64xf32, #tpu.memory_space<vmem>> -> memref<1x256x64xf32, #tpu.memory_space<vmem>>
      %dma_start3A_357 = tpu.memref_squeeze %dma_start3A_356 : memref<1x256x64xf32, #tpu.memory_space<vmem>> -> memref<256x64xf32, #tpu.memory_space<vmem>>
      %dma_start3A_358 = arith.constant 0 : i32
      %dma_start3A_359 = arith.constant 0 : i32
      %dma_start3A_360 = tpu.memref_slice %arg2[%arg0, %dma_start3A_358, %dma_start3A_359] : memref<2x10240x64xf32, #tpu.memory_space<hbm>> -> memref<1x10240x64xf32, #tpu.memory_space<hbm>>
      %dma_start3A_361 = tpu.memref_squeeze %dma_start3A_360 : memref<1x10240x64xf32, #tpu.memory_space<hbm>> -> memref<10240x64xf32, #tpu.memory_space<hbm>>
      %dma_start3A_362 = arith.constant 0 : i32
      %dma_start3A_363 = tpu.memref_slice %dma_start3A_361[%add3A_22, %dma_start3A_362] : memref<10240x64xf32, #tpu.memory_space<hbm>> -> memref<256x64xf32, #tpu.memory_space<hbm>>
      %dma_start3A_364 = arith.constant 0 : i32
      %dma_start3A_365 = arith.constant 0 : i32
      %dma_start3A_366 = tpu.memref_slice %arg14[%run_scoped3A_23, %dma_start3A_364, %dma_start3A_365] : memref<2x256x64xf32, #tpu.memory_space<vmem>> -> memref<1x256x64xf32, #tpu.memory_space<vmem>>
      %dma_start3A_367 = tpu.memref_squeeze %dma_start3A_366 : memref<1x256x64xf32, #tpu.memory_space<vmem>> -> memref<256x64xf32, #tpu.memory_space<vmem>>
      %dma_start3A_368 = arith.constant 0 : i32
      %dma_start3A_369 = arith.constant 0 : i32
      %dma_start3A_370 = tpu.memref_slice %arg2[%arg0, %dma_start3A_368, %dma_start3A_369] : memref<2x10240x64xf32, #tpu.memory_space<hbm>> -> memref<1x10240x64xf32, #tpu.memory_space<hbm>>
      %dma_start3A_371 = tpu.memref_squeeze %dma_start3A_370 : memref<1x10240x64xf32, #tpu.memory_space<hbm>> -> memref<10240x64xf32, #tpu.memory_space<hbm>>
      %dma_start3A_372 = arith.constant 0 : i32
      %dma_start3A_373 = tpu.memref_slice %dma_start3A_371[%add3A_22, %dma_start3A_372] : memref<10240x64xf32, #tpu.memory_space<hbm>> -> memref<256x64xf32, #tpu.memory_space<hbm>>
      tpu.enqueue_dma source(%dma_start3A_373 : memref<256x64xf32, #tpu.memory_space<hbm>>) target(%dma_start3A_367 : memref<256x64xf32, #tpu.memory_space<vmem>>) target_semaphore(%run_scoped3A_353 : memref<!tpu.dma_semaphore, #tpu.memory_space<semaphore_mem>>)
      %dma_wait3A_374 = arith.constant 0 : i32
      %dma_wait3A_375 = arith.constant 0 : i32
      %dma_wait3A_376 = tpu.memref_slice %arg14[%run_scoped3A_23, %dma_wait3A_374, %dma_wait3A_375] : memref<2x256x64xf32, #tpu.memory_space<vmem>> -> memref<1x256x64xf32, #tpu.memory_space<vmem>>
      %dma_wait3A_377 = tpu.memref_squeeze %dma_wait3A_376 : memref<1x256x64xf32, #tpu.memory_space<vmem>> -> memref<256x64xf32, #tpu.memory_space<vmem>>
      %dma_wait3A_378 = arith.constant 0 : i32
      %dma_wait3A_379 = arith.constant 0 : i32
      %dma_wait3A_380 = tpu.memref_slice %arg2[%arg0, %dma_wait3A_378, %dma_wait3A_379] : memref<2x10240x64xf32, #tpu.memory_space<hbm>> -> memref<1x10240x64xf32, #tpu.memory_space<hbm>>
      %dma_wait3A_381 = tpu.memref_squeeze %dma_wait3A_380 : memref<1x10240x64xf32, #tpu.memory_space<hbm>> -> memref<10240x64xf32, #tpu.memory_space<hbm>>
      %dma_wait3A_382 = arith.constant 0 : i32
      %dma_wait3A_383 = tpu.memref_slice %dma_wait3A_381[%add3A_22, %dma_wait3A_382] : memref<10240x64xf32, #tpu.memory_space<hbm>> -> memref<256x64xf32, #tpu.memory_space<hbm>>
      %dma_wait3A_384 = arith.constant 0 : i32
      %dma_wait3A_385 = arith.constant 0 : i32
      %dma_wait3A_386 = tpu.memref_slice %arg14[%run_scoped3A_23, %dma_wait3A_384, %dma_wait3A_385] : memref<2x256x64xf32, #tpu.memory_space<vmem>> -> memref<1x256x64xf32, #tpu.memory_space<vmem>>
      %dma_wait3A_387 = tpu.memref_squeeze %dma_wait3A_386 : memref<1x256x64xf32, #tpu.memory_space<vmem>> -> memref<256x64xf32, #tpu.memory_space<vmem>>
      %dma_wait3A_388 = arith.constant 0 : i32
      %dma_wait3A_389 = arith.constant 0 : i32
      %dma_wait3A_390 = tpu.memref_slice %arg2[%arg0, %dma_wait3A_388, %dma_wait3A_389] : memref<2x10240x64xf32, #tpu.memory_space<hbm>> -> memref<1x10240x64xf32, #tpu.memory_space<hbm>>
      %dma_wait3A_391 = tpu.memref_squeeze %dma_wait3A_390 : memref<1x10240x64xf32, #tpu.memory_space<hbm>> -> memref<10240x64xf32, #tpu.memory_space<hbm>>
      %dma_wait3A_392 = arith.constant 0 : i32
      %dma_wait3A_393 = tpu.memref_slice %dma_wait3A_391[%add3A_22, %dma_wait3A_392] : memref<10240x64xf32, #tpu.memory_space<hbm>> -> memref<256x64xf32, #tpu.memory_space<hbm>>
      tpu.wait_dma2 semaphore(%run_scoped3A_353 : memref<!tpu.dma_semaphore, #tpu.memory_space<semaphore_mem>>) src(%dma_wait3A_393 : memref<256x64xf32, #tpu.memory_space<hbm>>) dst(%dma_wait3A_387 : memref<256x64xf32, #tpu.memory_space<vmem>>)
      tpu.yield
    }) : () -> ()
    %add3A_24 = arith.constant 256 : i32
    %add3A_25 = arith.addi %mul3A_0, %add3A_24 : i32
    %run_scoped3A_26 = arith.constant 0 : i32
    "tpu.region"() ({
      %run_scoped3A_353 = tpu.sem_alloc : memref<!tpu.dma_semaphore, #tpu.memory_space<semaphore_mem>>
      %dma_start3A_354 = arith.constant 0 : i32
      %dma_start3A_355 = arith.constant 0 : i32
      %dma_start3A_356 = tpu.memref_slice %arg14[%run_scoped3A_26, %dma_start3A_354, %dma_start3A_355] : memref<2x256x64xf32, #tpu.memory_space<vmem>> -> memref<1x256x64xf32, #tpu.memory_space<vmem>>
      %dma_start3A_357 = tpu.memref_squeeze %dma_start3A_356 : memref<1x256x64xf32, #tpu.memory_space<vmem>> -> memref<256x64xf32, #tpu.memory_space<vmem>>
      %dma_start3A_358 = arith.constant 0 : i32
      %dma_start3A_359 = tpu.memref_slice %arg17[%add3A_25, %dma_start3A_358] : memref<10240x64xf32, #tpu.memory_space<vmem_shared>> -> memref<256x64xf32, #tpu.memory_space<vmem_shared>>
      %dma_start3A_360 = arith.constant 0 : i32
      %dma_start3A_361 = tpu.memref_slice %arg17[%add3A_25, %dma_start3A_360] : memref<10240x64xf32, #tpu.memory_space<vmem_shared>> -> memref<256x64xf32, #tpu.memory_space<vmem_shared>>
      %dma_start3A_362 = arith.constant 0 : i32
      %dma_start3A_363 = arith.constant 0 : i32
      %dma_start3A_364 = tpu.memref_slice %arg14[%run_scoped3A_26, %dma_start3A_362, %dma_start3A_363] : memref<2x256x64xf32, #tpu.memory_space<vmem>> -> memref<1x256x64xf32, #tpu.memory_space<vmem>>
      %dma_start3A_365 = tpu.memref_squeeze %dma_start3A_364 : memref<1x256x64xf32, #tpu.memory_space<vmem>> -> memref<256x64xf32, #tpu.memory_space<vmem>>
      tpu.enqueue_dma source(%dma_start3A_365 : memref<256x64xf32, #tpu.memory_space<vmem>>) target(%dma_start3A_361 : memref<256x64xf32, #tpu.memory_space<vmem_shared>>) target_semaphore(%run_scoped3A_353 : memref<!tpu.dma_semaphore, #tpu.memory_space<semaphore_mem>>)
      %dma_wait3A_366 = arith.constant 0 : i32
      %dma_wait3A_367 = arith.constant 0 : i32
      %dma_wait3A_368 = tpu.memref_slice %arg14[%run_scoped3A_26, %dma_wait3A_366, %dma_wait3A_367] : memref<2x256x64xf32, #tpu.memory_space<vmem>> -> memref<1x256x64xf32, #tpu.memory_space<vmem>>
      %dma_wait3A_369 = tpu.memref_squeeze %dma_wait3A_368 : memref<1x256x64xf32, #tpu.memory_space<vmem>> -> memref<256x64xf32, #tpu.memory_space<vmem>>
      %dma_wait3A_370 = arith.constant 0 : i32
      %dma_wait3A_371 = tpu.memref_slice %arg17[%add3A_25, %dma_wait3A_370] : memref<10240x64xf32, #tpu.memory_space<vmem_shared>> -> memref<256x64xf32, #tpu.memory_space<vmem_shared>>
      %dma_wait3A_372 = arith.constant 0 : i32
      %dma_wait3A_373 = tpu.memref_slice %arg17[%add3A_25, %dma_wait3A_372] : memref<10240x64xf32, #tpu.memory_space<vmem_shared>> -> memref<256x64xf32, #tpu.memory_space<vmem_shared>>
      %dma_wait3A_374 = arith.constant 0 : i32
      %dma_wait3A_375 = arith.constant 0 : i32
      %dma_wait3A_376 = tpu.memref_slice %arg14[%run_scoped3A_26, %dma_wait3A_374, %dma_wait3A_375] : memref<2x256x64xf32, #tpu.memory_space<vmem>> -> memref<1x256x64xf32, #tpu.memory_space<vmem>>
      %dma_wait3A_377 = tpu.memref_squeeze %dma_wait3A_376 : memref<1x256x64xf32, #tpu.memory_space<vmem>> -> memref<256x64xf32, #tpu.memory_space<vmem>>
      tpu.wait_dma2 semaphore(%run_scoped3A_353 : memref<!tpu.dma_semaphore, #tpu.memory_space<semaphore_mem>>) src(%dma_wait3A_377 : memref<256x64xf32, #tpu.memory_space<vmem>>) dst(%dma_wait3A_373 : memref<256x64xf32, #tpu.memory_space<vmem_shared>>)
      tpu.yield
    }) : () -> ()
    %add3A_27 = arith.constant 512 : i32
    %add3A_28 = arith.addi %mul3A_0, %add3A_27 : i32
    %run_scoped3A_29 = arith.constant 1 : i32
    "tpu.region"() ({
      %run_scoped3A_353 = tpu.sem_alloc : memref<!tpu.dma_semaphore, #tpu.memory_space<semaphore_mem>>
      %dma_start3A_354 = arith.constant 0 : i32
      %dma_start3A_355 = arith.constant 0 : i32
      %dma_start3A_356 = tpu.memref_slice %arg14[%run_scoped3A_29, %dma_start3A_354, %dma_start3A_355] : memref<2x256x64xf32, #tpu.memory_space<vmem>> -> memref<1x128x64xf32, #tpu.memory_space<vmem>>
      %dma_start3A_357 = tpu.memref_squeeze %dma_start3A_356 : memref<1x128x64xf32, #tpu.memory_space<vmem>> -> memref<128x64xf32, #tpu.memory_space<vmem>>
      %dma_start3A_358 = arith.constant 0 : i32
      %dma_start3A_359 = arith.constant 0 : i32
      %dma_start3A_360 = tpu.memref_slice %arg2[%arg0, %dma_start3A_358, %dma_start3A_359] : memref<2x10240x64xf32, #tpu.memory_space<hbm>> -> memref<1x10240x64xf32, #tpu.memory_space<hbm>>
      %dma_start3A_361 = tpu.memref_squeeze %dma_start3A_360 : memref<1x10240x64xf32, #tpu.memory_space<hbm>> -> memref<10240x64xf32, #tpu.memory_space<hbm>>
      %dma_start3A_362 = arith.constant 0 : i32
      %dma_start3A_363 = tpu.memref_slice %dma_start3A_361[%add3A_28, %dma_start3A_362] : memref<10240x64xf32, #tpu.memory_space<hbm>> -> memref<128x64xf32, #tpu.memory_space<hbm>>
      %dma_start3A_364 = arith.constant 0 : i32
      %dma_start3A_365 = arith.constant 0 : i32
      %dma_start3A_366 = tpu.memref_slice %arg14[%run_scoped3A_29, %dma_start3A_364, %dma_start3A_365] : memref<2x256x64xf32, #tpu.memory_space<vmem>> -> memref<1x128x64xf32, #tpu.memory_space<vmem>>
      %dma_start3A_367 = tpu.memref_squeeze %dma_start3A_366 : memref<1x128x64xf32, #tpu.memory_space<vmem>> -> memref<128x64xf32, #tpu.memory_space<vmem>>
      %dma_start3A_368 = arith.constant 0 : i32
      %dma_start3A_369 = arith.constant 0 : i32
      %dma_start3A_370 = tpu.memref_slice %arg2[%arg0, %dma_start3A_368, %dma_start3A_369] : memref<2x10240x64xf32, #tpu.memory_space<hbm>> -> memref<1x10240x64xf32, #tpu.memory_space<hbm>>
      %dma_start3A_371 = tpu.memref_squeeze %dma_start3A_370 : memref<1x10240x64xf32, #tpu.memory_space<hbm>> -> memref<10240x64xf32, #tpu.memory_space<hbm>>
      %dma_start3A_372 = arith.constant 0 : i32
      %dma_start3A_373 = tpu.memref_slice %dma_start3A_371[%add3A_28, %dma_start3A_372] : memref<10240x64xf32, #tpu.memory_space<hbm>> -> memref<128x64xf32, #tpu.memory_space<hbm>>
      tpu.enqueue_dma source(%dma_start3A_373 : memref<128x64xf32, #tpu.memory_space<hbm>>) target(%dma_start3A_367 : memref<128x64xf32, #tpu.memory_space<vmem>>) target_semaphore(%run_scoped3A_353 : memref<!tpu.dma_semaphore, #tpu.memory_space<semaphore_mem>>)
      %dma_wait3A_374 = arith.constant 0 : i32
      %dma_wait3A_375 = arith.constant 0 : i32
      %dma_wait3A_376 = tpu.memref_slice %arg14[%run_scoped3A_29, %dma_wait3A_374, %dma_wait3A_375] : memref<2x256x64xf32, #tpu.memory_space<vmem>> -> memref<1x128x64xf32, #tpu.memory_space<vmem>>
      %dma_wait3A_377 = tpu.memref_squeeze %dma_wait3A_376 : memref<1x128x64xf32, #tpu.memory_space<vmem>> -> memref<128x64xf32, #tpu.memory_space<vmem>>
      %dma_wait3A_378 = arith.constant 0 : i32
      %dma_wait3A_379 = arith.constant 0 : i32
      %dma_wait3A_380 = tpu.memref_slice %arg2[%arg0, %dma_wait3A_378, %dma_wait3A_379] : memref<2x10240x64xf32, #tpu.memory_space<hbm>> -> memref<1x10240x64xf32, #tpu.memory_space<hbm>>
      %dma_wait3A_381 = tpu.memref_squeeze %dma_wait3A_380 : memref<1x10240x64xf32, #tpu.memory_space<hbm>> -> memref<10240x64xf32, #tpu.memory_space<hbm>>
      %dma_wait3A_382 = arith.constant 0 : i32
      %dma_wait3A_383 = tpu.memref_slice %dma_wait3A_381[%add3A_28, %dma_wait3A_382] : memref<10240x64xf32, #tpu.memory_space<hbm>> -> memref<128x64xf32, #tpu.memory_space<hbm>>
      %dma_wait3A_384 = arith.constant 0 : i32
      %dma_wait3A_385 = arith.constant 0 : i32
      %dma_wait3A_386 = tpu.memref_slice %arg14[%run_scoped3A_29, %dma_wait3A_384, %dma_wait3A_385] : memref<2x256x64xf32, #tpu.memory_space<vmem>> -> memref<1x128x64xf32, #tpu.memory_space<vmem>>
      %dma_wait3A_387 = tpu.memref_squeeze %dma_wait3A_386 : memref<1x128x64xf32, #tpu.memory_space<vmem>> -> memref<128x64xf32, #tpu.memory_space<vmem>>
      %dma_wait3A_388 = arith.constant 0 : i32
      %dma_wait3A_389 = arith.constant 0 : i32
      %dma_wait3A_390 = tpu.memref_slice %arg2[%arg0, %dma_wait3A_388, %dma_wait3A_389] : memref<2x10240x64xf32, #tpu.memory_space<hbm>> -> memref<1x10240x64xf32, #tpu.memory_space<hbm>>
      %dma_wait3A_391 = tpu.memref_squeeze %dma_wait3A_390 : memref<1x10240x64xf32, #tpu.memory_space<hbm>> -> memref<10240x64xf32, #tpu.memory_space<hbm>>
      %dma_wait3A_392 = arith.constant 0 : i32
      %dma_wait3A_393 = tpu.memref_slice %dma_wait3A_391[%add3A_28, %dma_wait3A_392] : memref<10240x64xf32, #tpu.memory_space<hbm>> -> memref<128x64xf32, #tpu.memory_space<hbm>>
      tpu.wait_dma2 semaphore(%run_scoped3A_353 : memref<!tpu.dma_semaphore, #tpu.memory_space<semaphore_mem>>) src(%dma_wait3A_393 : memref<128x64xf32, #tpu.memory_space<hbm>>) dst(%dma_wait3A_387 : memref<128x64xf32, #tpu.memory_space<vmem>>)
      tpu.yield
    }) : () -> ()
    %add3A_30 = arith.constant 512 : i32
    %add3A_31 = arith.addi %mul3A_0, %add3A_30 : i32
    %run_scoped3A_32 = arith.constant 1 : i32
    "tpu.region"() ({
      %run_scoped3A_353 = tpu.sem_alloc : memref<!tpu.dma_semaphore, #tpu.memory_space<semaphore_mem>>
      %dma_start3A_354 = arith.constant 0 : i32
      %dma_start3A_355 = arith.constant 0 : i32
      %dma_start3A_356 = tpu.memref_slice %arg14[%run_scoped3A_32, %dma_start3A_354, %dma_start3A_355] : memref<2x256x64xf32, #tpu.memory_space<vmem>> -> memref<1x128x64xf32, #tpu.memory_space<vmem>>
      %dma_start3A_357 = tpu.memref_squeeze %dma_start3A_356 : memref<1x128x64xf32, #tpu.memory_space<vmem>> -> memref<128x64xf32, #tpu.memory_space<vmem>>
      %dma_start3A_358 = arith.constant 0 : i32
      %dma_start3A_359 = tpu.memref_slice %arg17[%add3A_31, %dma_start3A_358] : memref<10240x64xf32, #tpu.memory_space<vmem_shared>> -> memref<128x64xf32, #tpu.memory_space<vmem_shared>>
      %dma_start3A_360 = arith.constant 0 : i32
      %dma_start3A_361 = tpu.memref_slice %arg17[%add3A_31, %dma_start3A_360] : memref<10240x64xf32, #tpu.memory_space<vmem_shared>> -> memref<128x64xf32, #tpu.memory_space<vmem_shared>>
      %dma_start3A_362 = arith.constant 0 : i32
      %dma_start3A_363 = arith.constant 0 : i32
      %dma_start3A_364 = tpu.memref_slice %arg14[%run_scoped3A_32, %dma_start3A_362, %dma_start3A_363] : memref<2x256x64xf32, #tpu.memory_space<vmem>> -> memref<1x128x64xf32, #tpu.memory_space<vmem>>
      %dma_start3A_365 = tpu.memref_squeeze %dma_start3A_364 : memref<1x128x64xf32, #tpu.memory_space<vmem>> -> memref<128x64xf32, #tpu.memory_space<vmem>>
      tpu.enqueue_dma source(%dma_start3A_365 : memref<128x64xf32, #tpu.memory_space<vmem>>) target(%dma_start3A_361 : memref<128x64xf32, #tpu.memory_space<vmem_shared>>) target_semaphore(%run_scoped3A_353 : memref<!tpu.dma_semaphore, #tpu.memory_space<semaphore_mem>>)
      %dma_wait3A_366 = arith.constant 0 : i32
      %dma_wait3A_367 = arith.constant 0 : i32
      %dma_wait3A_368 = tpu.memref_slice %arg14[%run_scoped3A_32, %dma_wait3A_366, %dma_wait3A_367] : memref<2x256x64xf32, #tpu.memory_space<vmem>> -> memref<1x128x64xf32, #tpu.memory_space<vmem>>
      %dma_wait3A_369 = tpu.memref_squeeze %dma_wait3A_368 : memref<1x128x64xf32, #tpu.memory_space<vmem>> -> memref<128x64xf32, #tpu.memory_space<vmem>>
      %dma_wait3A_370 = arith.constant 0 : i32
      %dma_wait3A_371 = tpu.memref_slice %arg17[%add3A_31, %dma_wait3A_370] : memref<10240x64xf32, #tpu.memory_space<vmem_shared>> -> memref<128x64xf32, #tpu.memory_space<vmem_shared>>
      %dma_wait3A_372 = arith.constant 0 : i32
      %dma_wait3A_373 = tpu.memref_slice %arg17[%add3A_31, %dma_wait3A_372] : memref<10240x64xf32, #tpu.memory_space<vmem_shared>> -> memref<128x64xf32, #tpu.memory_space<vmem_shared>>
      %dma_wait3A_374 = arith.constant 0 : i32
      %dma_wait3A_375 = arith.constant 0 : i32
      %dma_wait3A_376 = tpu.memref_slice %arg14[%run_scoped3A_32, %dma_wait3A_374, %dma_wait3A_375] : memref<2x256x64xf32, #tpu.memory_space<vmem>> -> memref<1x128x64xf32, #tpu.memory_space<vmem>>
      %dma_wait3A_377 = tpu.memref_squeeze %dma_wait3A_376 : memref<1x128x64xf32, #tpu.memory_space<vmem>> -> memref<128x64xf32, #tpu.memory_space<vmem>>
      tpu.wait_dma2 semaphore(%run_scoped3A_353 : memref<!tpu.dma_semaphore, #tpu.memory_space<semaphore_mem>>) src(%dma_wait3A_377 : memref<128x64xf32, #tpu.memory_space<vmem>>) dst(%dma_wait3A_373 : memref<128x64xf32, #tpu.memory_space<vmem_shared>>)
      tpu.yield
    }) : () -> ()
    %barrier3A = arith.constant 0 : index
    tpu.barrier barrier_id(%barrier3A)
    %mul3A_33 = arith.constant 160 : i32
    %mul3A_34 = arith.muli %arg1, %mul3A_33 : i32
    %add3A_35 = arith.constant 0 : i32
    %add3A_36 = arith.addi %mul3A_34, %add3A_35 : i32
    %mul3A_37 = arith.constant 128 : i32
    %mul3A_38 = arith.muli %add3A_36, %mul3A_37 : i32
    %add3A_39 = arith.constant 0 : i32
    %add3A_40 = arith.addi %mul3A_34, %add3A_39 : i32
    %dma_start3A = arith.constant 0 : i32
    %dma_start3A_41 = arith.constant 0 : i32
    %dma_start3A_42 = tpu.memref_slice %arg12[%dma_start3A, %dma_start3A_41] : memref<2x256xi32, #tpu.memory_space<vmem>> -> memref<1x256xi32, #tpu.memory_space<vmem>>
    %dma_start3A_43 = tpu.memref_squeeze %dma_start3A_42 : memref<1x256xi32, #tpu.memory_space<vmem>> -> memref<256xi32, #tpu.memory_space<vmem>>
    %dma_start3A_44 = tpu.memref_slice %arg3[%mul3A_38] : memref<327680xi32, #tpu.memory_space<hbm>> -> memref<256xi32, #tpu.memory_space<hbm>>
    %dma_start3A_45 = arith.constant 0 : i32
    %dma_start3A_46 = tpu.memref_slice %arg12[%dma_start3A, %dma_start3A_45] : memref<2x256xi32, #tpu.memory_space<vmem>> -> memref<1x256xi32, #tpu.memory_space<vmem>>
    %dma_start3A_47 = tpu.memref_squeeze %dma_start3A_46 : memref<1x256xi32, #tpu.memory_space<vmem>> -> memref<256xi32, #tpu.memory_space<vmem>>
    %dma_start3A_48 = tpu.memref_slice %arg3[%mul3A_38] : memref<327680xi32, #tpu.memory_space<hbm>> -> memref<256xi32, #tpu.memory_space<hbm>>
    tpu.enqueue_dma source(%dma_start3A_48 : memref<256xi32, #tpu.memory_space<hbm>>) target(%dma_start3A_47 : memref<256xi32, #tpu.memory_space<vmem>>) target_semaphore(%arg20 : memref<!tpu.dma_semaphore, #tpu.memory_space<semaphore_mem>>)
    %dma_start3A_49 = arith.constant 0 : i32
    %dma_start3A_50 = arith.constant 0 : i32
    %dma_start3A_51 = arith.constant 0 : i32
    %dma_start3A_52 = tpu.memref_slice %arg13[%dma_start3A_49, %dma_start3A_50, %dma_start3A_51] : memref<2x2x128xi32, #tpu.memory_space<vmem>> -> memref<1x2x128xi32, #tpu.memory_space<vmem>>
    %dma_start3A_53 = tpu.memref_squeeze %dma_start3A_52 : memref<1x2x128xi32, #tpu.memory_space<vmem>> -> memref<2x128xi32, #tpu.memory_space<vmem>>
    %dma_start3A_54 = arith.constant 0 : i32
    %dma_start3A_55 = tpu.memref_slice %arg4[%add3A_40, %dma_start3A_54] : memref<2560x128xi32, #tpu.memory_space<hbm>> -> memref<2x128xi32, #tpu.memory_space<hbm>>
    %dma_start3A_56 = arith.constant 0 : i32
    %dma_start3A_57 = arith.constant 0 : i32
    %dma_start3A_58 = tpu.memref_slice %arg13[%dma_start3A_49, %dma_start3A_56, %dma_start3A_57] : memref<2x2x128xi32, #tpu.memory_space<vmem>> -> memref<1x2x128xi32, #tpu.memory_space<vmem>>
    %dma_start3A_59 = tpu.memref_squeeze %dma_start3A_58 : memref<1x2x128xi32, #tpu.memory_space<vmem>> -> memref<2x128xi32, #tpu.memory_space<vmem>>
    %dma_start3A_60 = arith.constant 0 : i32
    %dma_start3A_61 = tpu.memref_slice %arg4[%add3A_40, %dma_start3A_60] : memref<2560x128xi32, #tpu.memory_space<hbm>> -> memref<2x128xi32, #tpu.memory_space<hbm>>
    tpu.enqueue_dma source(%dma_start3A_61 : memref<2x128xi32, #tpu.memory_space<hbm>>) target(%dma_start3A_59 : memref<2x128xi32, #tpu.memory_space<vmem>>) target_semaphore(%arg20 : memref<!tpu.dma_semaphore, #tpu.memory_space<semaphore_mem>>)
    %add3A_62 = arith.constant 2 : i32
    %add3A_63 = arith.addi %mul3A_34, %add3A_62 : i32
    %mul3A_64 = arith.constant 128 : i32
    %mul3A_65 = arith.muli %add3A_63, %mul3A_64 : i32
    %add3A_66 = arith.constant 2 : i32
    %add3A_67 = arith.addi %mul3A_34, %add3A_66 : i32
    %dma_start3A_68 = arith.constant 1 : i32
    %dma_start3A_69 = arith.constant 0 : i32
    %dma_start3A_70 = tpu.memref_slice %arg12[%dma_start3A_68, %dma_start3A_69] : memref<2x256xi32, #tpu.memory_space<vmem>> -> memref<1x256xi32, #tpu.memory_space<vmem>>
    %dma_start3A_71 = tpu.memref_squeeze %dma_start3A_70 : memref<1x256xi32, #tpu.memory_space<vmem>> -> memref<256xi32, #tpu.memory_space<vmem>>
    %dma_start3A_72 = tpu.memref_slice %arg3[%mul3A_65] : memref<327680xi32, #tpu.memory_space<hbm>> -> memref<256xi32, #tpu.memory_space<hbm>>
    %dma_start3A_73 = arith.constant 0 : i32
    %dma_start3A_74 = tpu.memref_slice %arg12[%dma_start3A_68, %dma_start3A_73] : memref<2x256xi32, #tpu.memory_space<vmem>> -> memref<1x256xi32, #tpu.memory_space<vmem>>
    %dma_start3A_75 = tpu.memref_squeeze %dma_start3A_74 : memref<1x256xi32, #tpu.memory_space<vmem>> -> memref<256xi32, #tpu.memory_space<vmem>>
    %dma_start3A_76 = tpu.memref_slice %arg3[%mul3A_65] : memref<327680xi32, #tpu.memory_space<hbm>> -> memref<256xi32, #tpu.memory_space<hbm>>
    tpu.enqueue_dma source(%dma_start3A_76 : memref<256xi32, #tpu.memory_space<hbm>>) target(%dma_start3A_75 : memref<256xi32, #tpu.memory_space<vmem>>) target_semaphore(%arg21 : memref<!tpu.dma_semaphore, #tpu.memory_space<semaphore_mem>>)
    %dma_start3A_77 = arith.constant 1 : i32
    %dma_start3A_78 = arith.constant 0 : i32
    %dma_start3A_79 = arith.constant 0 : i32
    %dma_start3A_80 = tpu.memref_slice %arg13[%dma_start3A_77, %dma_start3A_78, %dma_start3A_79] : memref<2x2x128xi32, #tpu.memory_space<vmem>> -> memref<1x2x128xi32, #tpu.memory_space<vmem>>
    %dma_start3A_81 = tpu.memref_squeeze %dma_start3A_80 : memref<1x2x128xi32, #tpu.memory_space<vmem>> -> memref<2x128xi32, #tpu.memory_space<vmem>>
    %dma_start3A_82 = arith.constant 0 : i32
    %dma_start3A_83 = tpu.memref_slice %arg4[%add3A_67, %dma_start3A_82] : memref<2560x128xi32, #tpu.memory_space<hbm>> -> memref<2x128xi32, #tpu.memory_space<hbm>>
    %dma_start3A_84 = arith.constant 0 : i32
    %dma_start3A_85 = arith.constant 0 : i32
    %dma_start3A_86 = tpu.memref_slice %arg13[%dma_start3A_77, %dma_start3A_84, %dma_start3A_85] : memref<2x2x128xi32, #tpu.memory_space<vmem>> -> memref<1x2x128xi32, #tpu.memory_space<vmem>>
    %dma_start3A_87 = tpu.memref_squeeze %dma_start3A_86 : memref<1x2x128xi32, #tpu.memory_space<vmem>> -> memref<2x128xi32, #tpu.memory_space<vmem>>
    %dma_start3A_88 = arith.constant 0 : i32
    %dma_start3A_89 = tpu.memref_slice %arg4[%add3A_67, %dma_start3A_88] : memref<2560x128xi32, #tpu.memory_space<hbm>> -> memref<2x128xi32, #tpu.memory_space<hbm>>
    tpu.enqueue_dma source(%dma_start3A_89 : memref<2x128xi32, #tpu.memory_space<hbm>>) target(%dma_start3A_87 : memref<2x128xi32, #tpu.memory_space<vmem>>) target_semaphore(%arg21 : memref<!tpu.dma_semaphore, #tpu.memory_space<semaphore_mem>>)
    %add3A_90 = arith.constant 0 : i32
    %add3A_91 = arith.addi %mul3A_34, %add3A_90 : i32
    %mul3A_92 = arith.constant 128 : i32
    %mul3A_93 = arith.muli %add3A_91, %mul3A_92 : i32
    %add3A_94 = arith.constant 0 : i32
    %add3A_95 = arith.addi %mul3A_34, %add3A_94 : i32
    %dma_wait3A = arith.constant 0 : i32
    %dma_wait3A_96 = arith.constant 0 : i32
    %dma_wait3A_97 = tpu.memref_slice %arg12[%dma_wait3A, %dma_wait3A_96] : memref<2x256xi32, #tpu.memory_space<vmem>> -> memref<1x256xi32, #tpu.memory_space<vmem>>
    %dma_wait3A_98 = tpu.memref_squeeze %dma_wait3A_97 : memref<1x256xi32, #tpu.memory_space<vmem>> -> memref<256xi32, #tpu.memory_space<vmem>>
    %dma_wait3A_99 = tpu.memref_slice %arg3[%mul3A_93] : memref<327680xi32, #tpu.memory_space<hbm>> -> memref<256xi32, #tpu.memory_space<hbm>>
    %dma_wait3A_100 = arith.constant 0 : i32
    %dma_wait3A_101 = tpu.memref_slice %arg12[%dma_wait3A, %dma_wait3A_100] : memref<2x256xi32, #tpu.memory_space<vmem>> -> memref<1x256xi32, #tpu.memory_space<vmem>>
    %dma_wait3A_102 = tpu.memref_squeeze %dma_wait3A_101 : memref<1x256xi32, #tpu.memory_space<vmem>> -> memref<256xi32, #tpu.memory_space<vmem>>
    %dma_wait3A_103 = tpu.memref_slice %arg3[%mul3A_93] : memref<327680xi32, #tpu.memory_space<hbm>> -> memref<256xi32, #tpu.memory_space<hbm>>
    tpu.wait_dma2 semaphore(%arg20 : memref<!tpu.dma_semaphore, #tpu.memory_space<semaphore_mem>>) src(%dma_wait3A_103 : memref<256xi32, #tpu.memory_space<hbm>>) dst(%dma_wait3A_102 : memref<256xi32, #tpu.memory_space<vmem>>)
    %dma_wait3A_104 = arith.constant 0 : i32
    %dma_wait3A_105 = arith.constant 0 : i32
    %dma_wait3A_106 = arith.constant 0 : i32
    %dma_wait3A_107 = tpu.memref_slice %arg13[%dma_wait3A_104, %dma_wait3A_105, %dma_wait3A_106] : memref<2x2x128xi32, #tpu.memory_space<vmem>> -> memref<1x2x128xi32, #tpu.memory_space<vmem>>
    %dma_wait3A_108 = tpu.memref_squeeze %dma_wait3A_107 : memref<1x2x128xi32, #tpu.memory_space<vmem>> -> memref<2x128xi32, #tpu.memory_space<vmem>>
    %dma_wait3A_109 = arith.constant 0 : i32
    %dma_wait3A_110 = tpu.memref_slice %arg4[%add3A_95, %dma_wait3A_109] : memref<2560x128xi32, #tpu.memory_space<hbm>> -> memref<2x128xi32, #tpu.memory_space<hbm>>
    %dma_wait3A_111 = arith.constant 0 : i32
    %dma_wait3A_112 = arith.constant 0 : i32
    %dma_wait3A_113 = tpu.memref_slice %arg13[%dma_wait3A_104, %dma_wait3A_111, %dma_wait3A_112] : memref<2x2x128xi32, #tpu.memory_space<vmem>> -> memref<1x2x128xi32, #tpu.memory_space<vmem>>
    %dma_wait3A_114 = tpu.memref_squeeze %dma_wait3A_113 : memref<1x2x128xi32, #tpu.memory_space<vmem>> -> memref<2x128xi32, #tpu.memory_space<vmem>>
    %dma_wait3A_115 = arith.constant 0 : i32
    %dma_wait3A_116 = tpu.memref_slice %arg4[%add3A_95, %dma_wait3A_115] : memref<2560x128xi32, #tpu.memory_space<hbm>> -> memref<2x128xi32, #tpu.memory_space<hbm>>
    tpu.wait_dma2 semaphore(%arg20 : memref<!tpu.dma_semaphore, #tpu.memory_space<semaphore_mem>>) src(%dma_wait3A_116 : memref<2x128xi32, #tpu.memory_space<hbm>>) dst(%dma_wait3A_114 : memref<2x128xi32, #tpu.memory_space<vmem>>)
    %dma_start3A_117 = arith.constant 0 : i32
    %dma_start3A_118 = arith.constant 0 : i32
    %dma_start3A_119 = arith.constant 0 : i32
    %dma_start3A_120 = arith.constant 0 : i32
    %dma_start3A_121 = tpu.memref_slice %arg14[%dma_start3A_118, %dma_start3A_119, %dma_start3A_120] : memref<2x256x64xf32, #tpu.memory_space<vmem>> -> memref<1x256x64xf32, #tpu.memory_space<vmem>>
    %dma_start3A_122 = tpu.memref_squeeze %dma_start3A_121 : memref<1x256x64xf32, #tpu.memory_space<vmem>> -> memref<256x64xf32, #tpu.memory_space<vmem>>
    %dma_start3A_123 = arith.constant 0 : i32
    %dma_start3A_124 = tpu.memref_slice %arg12[%dma_start3A_117, %dma_start3A_123] : memref<2x256xi32, #tpu.memory_space<vmem>> -> memref<1x256xi32, #tpu.memory_space<vmem>>
    %dma_start3A_125 = tpu.memref_squeeze %dma_start3A_124 : memref<1x256xi32, #tpu.memory_space<vmem>> -> memref<256xi32, #tpu.memory_space<vmem>>
    %dma_start3A_126 = arith.constant 0 : i32
    %dma_start3A_127 = arith.constant 0 : i32
    %dma_start3A_128 = tpu.memref_slice %arg2[%arg0, %dma_start3A_126, %dma_start3A_127] : memref<2x10240x64xf32, #tpu.memory_space<hbm>> -> memref<1x10240x64xf32, #tpu.memory_space<hbm>>
    %dma_start3A_129 = tpu.memref_squeeze %dma_start3A_128 : memref<1x10240x64xf32, #tpu.memory_space<hbm>> -> memref<10240x64xf32, #tpu.memory_space<hbm>>
    %dma_start3A_130 = arith.constant 0 : i32
    %dma_start3A_131 = arith.constant 0 : i32
    %dma_start3A_132 = tpu.memref_slice %dma_start3A_129[%dma_start3A_130, %dma_start3A_131] : memref<10240x64xf32, #tpu.memory_space<hbm>> -> memref<10240x64xf32, #tpu.memory_space<hbm>>
    tpu.enqueue_indirect_dma source(%dma_start3A_132 : memref<10240x64xf32, #tpu.memory_space<hbm>>) target(%dma_start3A_122 : memref<256x64xf32, #tpu.memory_space<vmem>>) offsets(%dma_start3A_125 : memref<256xi32, #tpu.memory_space<vmem>>) semaphore(%arg22 : memref<!tpu.dma_semaphore, #tpu.memory_space<semaphore_mem>>)
    %add3A_133 = arith.constant 2 : i32
    %add3A_134 = arith.addi %mul3A_34, %add3A_133 : i32
    %mul3A_135 = arith.constant 128 : i32
    %mul3A_136 = arith.muli %add3A_134, %mul3A_135 : i32
    %add3A_137 = arith.constant 2 : i32
    %add3A_138 = arith.addi %mul3A_34, %add3A_137 : i32
    %dma_wait3A_139 = arith.constant 1 : i32
    %dma_wait3A_140 = arith.constant 0 : i32
    %dma_wait3A_141 = tpu.memref_slice %arg12[%dma_wait3A_139, %dma_wait3A_140] : memref<2x256xi32, #tpu.memory_space<vmem>> -> memref<1x256xi32, #tpu.memory_space<vmem>>
    %dma_wait3A_142 = tpu.memref_squeeze %dma_wait3A_141 : memref<1x256xi32, #tpu.memory_space<vmem>> -> memref<256xi32, #tpu.memory_space<vmem>>
    %dma_wait3A_143 = tpu.memref_slice %arg3[%mul3A_136] : memref<327680xi32, #tpu.memory_space<hbm>> -> memref<256xi32, #tpu.memory_space<hbm>>
    %dma_wait3A_144 = arith.constant 0 : i32
    %dma_wait3A_145 = tpu.memref_slice %arg12[%dma_wait3A_139, %dma_wait3A_144] : memref<2x256xi32, #tpu.memory_space<vmem>> -> memref<1x256xi32, #tpu.memory_space<vmem>>
    %dma_wait3A_146 = tpu.memref_squeeze %dma_wait3A_145 : memref<1x256xi32, #tpu.memory_space<vmem>> -> memref<256xi32, #tpu.memory_space<vmem>>
    %dma_wait3A_147 = tpu.memref_slice %arg3[%mul3A_136] : memref<327680xi32, #tpu.memory_space<hbm>> -> memref<256xi32, #tpu.memory_space<hbm>>
    tpu.wait_dma2 semaphore(%arg21 : memref<!tpu.dma_semaphore, #tpu.memory_space<semaphore_mem>>) src(%dma_wait3A_147 : memref<256xi32, #tpu.memory_space<hbm>>) dst(%dma_wait3A_146 : memref<256xi32, #tpu.memory_space<vmem>>)
    %dma_wait3A_148 = arith.constant 1 : i32
    %dma_wait3A_149 = arith.constant 0 : i32
    %dma_wait3A_150 = arith.constant 0 : i32
    %dma_wait3A_151 = tpu.memref_slice %arg13[%dma_wait3A_148, %dma_wait3A_149, %dma_wait3A_150] : memref<2x2x128xi32, #tpu.memory_space<vmem>> -> memref<1x2x128xi32, #tpu.memory_space<vmem>>
    %dma_wait3A_152 = tpu.memref_squeeze %dma_wait3A_151 : memref<1x2x128xi32, #tpu.memory_space<vmem>> -> memref<2x128xi32, #tpu.memory_space<vmem>>
    %dma_wait3A_153 = arith.constant 0 : i32
    %dma_wait3A_154 = tpu.memref_slice %arg4[%add3A_138, %dma_wait3A_153] : memref<2560x128xi32, #tpu.memory_space<hbm>> -> memref<2x128xi32, #tpu.memory_space<hbm>>
    %dma_wait3A_155 = arith.constant 0 : i32
    %dma_wait3A_156 = arith.constant 0 : i32
    %dma_wait3A_157 = tpu.memref_slice %arg13[%dma_wait3A_148, %dma_wait3A_155, %dma_wait3A_156] : memref<2x2x128xi32, #tpu.memory_space<vmem>> -> memref<1x2x128xi32, #tpu.memory_space<vmem>>
    %dma_wait3A_158 = tpu.memref_squeeze %dma_wait3A_157 : memref<1x2x128xi32, #tpu.memory_space<vmem>> -> memref<2x128xi32, #tpu.memory_space<vmem>>
    %dma_wait3A_159 = arith.constant 0 : i32
    %dma_wait3A_160 = tpu.memref_slice %arg4[%add3A_138, %dma_wait3A_159] : memref<2560x128xi32, #tpu.memory_space<hbm>> -> memref<2x128xi32, #tpu.memory_space<hbm>>
    tpu.wait_dma2 semaphore(%arg21 : memref<!tpu.dma_semaphore, #tpu.memory_space<semaphore_mem>>) src(%dma_wait3A_160 : memref<2x128xi32, #tpu.memory_space<hbm>>) dst(%dma_wait3A_158 : memref<2x128xi32, #tpu.memory_space<vmem>>)
    %dma_start3A_161 = arith.constant 1 : i32
    %dma_start3A_162 = arith.constant 1 : i32
    %dma_start3A_163 = arith.constant 0 : i32
    %dma_start3A_164 = arith.constant 0 : i32
    %dma_start3A_165 = tpu.memref_slice %arg14[%dma_start3A_162, %dma_start3A_163, %dma_start3A_164] : memref<2x256x64xf32, #tpu.memory_space<vmem>> -> memref<1x256x64xf32, #tpu.memory_space<vmem>>
    %dma_start3A_166 = tpu.memref_squeeze %dma_start3A_165 : memref<1x256x64xf32, #tpu.memory_space<vmem>> -> memref<256x64xf32, #tpu.memory_space<vmem>>
    %dma_start3A_167 = arith.constant 0 : i32
    %dma_start3A_168 = tpu.memref_slice %arg12[%dma_start3A_161, %dma_start3A_167] : memref<2x256xi32, #tpu.memory_space<vmem>> -> memref<1x256xi32, #tpu.memory_space<vmem>>
    %dma_start3A_169 = tpu.memref_squeeze %dma_start3A_168 : memref<1x256xi32, #tpu.memory_space<vmem>> -> memref<256xi32, #tpu.memory_space<vmem>>
    %dma_start3A_170 = arith.constant 0 : i32
    %dma_start3A_171 = arith.constant 0 : i32
    %dma_start3A_172 = tpu.memref_slice %arg2[%arg0, %dma_start3A_170, %dma_start3A_171] : memref<2x10240x64xf32, #tpu.memory_space<hbm>> -> memref<1x10240x64xf32, #tpu.memory_space<hbm>>
    %dma_start3A_173 = tpu.memref_squeeze %dma_start3A_172 : memref<1x10240x64xf32, #tpu.memory_space<hbm>> -> memref<10240x64xf32, #tpu.memory_space<hbm>>
    %dma_start3A_174 = arith.constant 0 : i32
    %dma_start3A_175 = arith.constant 0 : i32
    %dma_start3A_176 = tpu.memref_slice %dma_start3A_173[%dma_start3A_174, %dma_start3A_175] : memref<10240x64xf32, #tpu.memory_space<hbm>> -> memref<10240x64xf32, #tpu.memory_space<hbm>>
    tpu.enqueue_indirect_dma source(%dma_start3A_176 : memref<10240x64xf32, #tpu.memory_space<hbm>>) target(%dma_start3A_166 : memref<256x64xf32, #tpu.memory_space<vmem>>) offsets(%dma_start3A_169 : memref<256xi32, #tpu.memory_space<vmem>>) semaphore(%arg23 : memref<!tpu.dma_semaphore, #tpu.memory_space<semaphore_mem>>)
    %scan3A = arith.constant 0 : i32
    %scan3A_177 = arith.constant 39 : i32
    %scan3A_178 = arith.addi %scan3A, %scan3A_177 : i32
    %scan3A_179 = arith.constant 1 : i32
    scf.for %scan3A_353 = %scan3A to %scan3A_178 step %scan3A_179  : i32 {
      %mul3A_354 = arith.constant 2 : i32
      %mul3A_355 = arith.muli %scan3A_353, %mul3A_354 : i32
      %add3A_356 = arith.constant 0 : i32
      %add3A_357 = arith.addi %add3A_356, %mul3A_355 : i32
      %add3A_358 = arith.constant 0 : i32
      %add3A_359 = arith.addi %add3A_357, %add3A_358 : i32
      %dma_wait3A_360 = arith.constant 0 : i32
      %dma_wait3A_361 = arith.constant 0 : i32
      %dma_wait3A_362 = arith.constant 0 : i32
      %dma_wait3A_363 = arith.constant 0 : i32
      %dma_wait3A_364 = tpu.memref_slice %arg14[%dma_wait3A_361, %dma_wait3A_362, %dma_wait3A_363] : memref<2x256x64xf32, #tpu.memory_space<vmem>> -> memref<1x256x64xf32, #tpu.memory_space<vmem>>
      %dma_wait3A_365 = tpu.memref_squeeze %dma_wait3A_364 : memref<1x256x64xf32, #tpu.memory_space<vmem>> -> memref<256x64xf32, #tpu.memory_space<vmem>>
      %dma_wait3A_366 = arith.constant 0 : i32
      %dma_wait3A_367 = tpu.memref_slice %arg12[%dma_wait3A_360, %dma_wait3A_366] : memref<2x256xi32, #tpu.memory_space<vmem>> -> memref<1x256xi32, #tpu.memory_space<vmem>>
      %dma_wait3A_368 = tpu.memref_squeeze %dma_wait3A_367 : memref<1x256xi32, #tpu.memory_space<vmem>> -> memref<256xi32, #tpu.memory_space<vmem>>
      %dma_wait3A_369 = arith.constant 0 : i32
      %dma_wait3A_370 = arith.constant 0 : i32
      %dma_wait3A_371 = tpu.memref_slice %arg17[%dma_wait3A_369, %dma_wait3A_370] : memref<10240x64xf32, #tpu.memory_space<vmem_shared>> -> memref<10240x64xf32, #tpu.memory_space<vmem_shared>>
      tpu.wait_indirect_dma semaphore(%arg22 : memref<!tpu.dma_semaphore, #tpu.memory_space<semaphore_mem>>) src(%dma_wait3A_371 : memref<10240x64xf32, #tpu.memory_space<vmem_shared>>) dst(%dma_wait3A_365 : memref<256x64xf32, #tpu.memory_space<vmem>>)
      %dma_start3A_372 = arith.constant 0 : i32
      %dma_start3A_373 = arith.constant 0 : i32
      %dma_start3A_374 = arith.constant 0 : i32
      %dma_start3A_375 = arith.constant 0 : i32
      %dma_start3A_376 = arith.constant 0 : i32
      %dma_start3A_377 = tpu.memref_slice %arg14[%dma_start3A_372, %dma_start3A_375, %dma_start3A_376] : memref<2x256x64xf32, #tpu.memory_space<vmem>> -> memref<1x128x64xf32, #tpu.memory_space<vmem>>
      %dma_start3A_378 = tpu.memref_squeeze %dma_start3A_377 : memref<1x128x64xf32, #tpu.memory_space<vmem>> -> memref<128x64xf32, #tpu.memory_space<vmem>>
      %dma_start3A_379 = arith.constant 0 : i32
      %dma_start3A_380 = tpu.memref_slice %arg13[%dma_start3A_373, %dma_start3A_374, %dma_start3A_379] : memref<2x2x128xi32, #tpu.memory_space<vmem>> -> memref<1x1x128xi32, #tpu.memory_space<vmem>>
      %dma_start3A_381 = tpu.memref_squeeze %dma_start3A_380 : memref<1x1x128xi32, #tpu.memory_space<vmem>> -> memref<128xi32, #tpu.memory_space<vmem>>
      %dma_start3A_382 = arith.constant 0 : i32
      %dma_start3A_383 = arith.constant 0 : i32
      %dma_start3A_384 = tpu.memref_slice %arg18[%dma_start3A_382, %dma_start3A_383] : memref<10240x64xf32, #tpu.memory_space<vmem_shared>> -> memref<10240x64xf32, #tpu.memory_space<vmem_shared>>
      tpu.enqueue_indirect_dma source(%dma_start3A_378 : memref<128x64xf32, #tpu.memory_space<vmem>>) target(%dma_start3A_384 : memref<10240x64xf32, #tpu.memory_space<vmem_shared>>) offsets(%dma_start3A_381 : memref<128xi32, #tpu.memory_space<vmem>>) semaphore(%arg24 : memref<!tpu.dma_semaphore, #tpu.memory_space<semaphore_mem>>) {add = true}
      %dma_start3A_385 = arith.constant 0 : i32
      %dma_start3A_386 = arith.constant 0 : i32
      %dma_start3A_387 = arith.constant 1 : i32
      %dma_start3A_388 = arith.constant 128 : i32
      %dma_start3A_389 = arith.constant 0 : i32
      %dma_start3A_390 = tpu.memref_slice %arg14[%dma_start3A_385, %dma_start3A_388, %dma_start3A_389] : memref<2x256x64xf32, #tpu.memory_space<vmem>> -> memref<1x128x64xf32, #tpu.memory_space<vmem>>
      %dma_start3A_391 = tpu.memref_squeeze %dma_start3A_390 : memref<1x128x64xf32, #tpu.memory_space<vmem>> -> memref<128x64xf32, #tpu.memory_space<vmem>>
      %dma_start3A_392 = arith.constant 0 : i32
      %dma_start3A_393 = tpu.memref_slice %arg13[%dma_start3A_386, %dma_start3A_387, %dma_start3A_392] : memref<2x2x128xi32, #tpu.memory_space<vmem>> -> memref<1x1x128xi32, #tpu.memory_space<vmem>>
      %dma_start3A_394 = tpu.memref_squeeze %dma_start3A_393 : memref<1x1x128xi32, #tpu.memory_space<vmem>> -> memref<128xi32, #tpu.memory_space<vmem>>
      %dma_start3A_395 = arith.constant 0 : i32
      %dma_start3A_396 = arith.constant 0 : i32
      %dma_start3A_397 = tpu.memref_slice %arg18[%dma_start3A_395, %dma_start3A_396] : memref<10240x64xf32, #tpu.memory_space<vmem_shared>> -> memref<10240x64xf32, #tpu.memory_space<vmem_shared>>
      tpu.enqueue_indirect_dma source(%dma_start3A_391 : memref<128x64xf32, #tpu.memory_space<vmem>>) target(%dma_start3A_397 : memref<10240x64xf32, #tpu.memory_space<vmem_shared>>) offsets(%dma_start3A_394 : memref<128xi32, #tpu.memory_space<vmem>>) semaphore(%arg24 : memref<!tpu.dma_semaphore, #tpu.memory_space<semaphore_mem>>) {add = true}
      %lt3A = arith.constant 40 : i32
      %lt3A_398 = arith.cmpi slt, %add3A_359, %lt3A : i32
      %eq3A_399 = arith.constant 0 : i32
      %eq3A_400 = arith.cmpi eq, %arg0, %eq3A_399 : i32
      %eq3A_401 = arith.xori %lt3A_398, %eq3A_400 : i1
      %eq3A_402 = arith.constant true
      %eq3A_403 = arith.xori %eq3A_401, %eq3A_402 : i1
      %convert_element_type3A_404 = arith.extui %eq3A_403 : i1 to i32
      %cond3A_405 = arith.constant 0 : i32
      %cond3A_406 = arith.cmpi ne, %convert_element_type3A_404, %cond3A_405 : i32
      scf.if %cond3A_406 {
        %dma_start3A_684 = arith.constant 0 : i32
        %dma_start3A_685 = arith.constant 0 : i32
        %dma_start3A_686 = arith.constant 0 : i32
        %dma_start3A_687 = tpu.memref_slice %arg13[%dma_start3A_684, %dma_start3A_685, %dma_start3A_686] : memref<2x2x128xi32, #tpu.memory_space<vmem>> -> memref<1x1x128xi32, #tpu.memory_space<vmem>>
        %dma_start3A_688 = tpu.memref_squeeze %dma_start3A_687 : memref<1x1x128xi32, #tpu.memory_space<vmem>> -> memref<128xi32, #tpu.memory_space<vmem>>
        %dma_start3A_689 = arith.constant 0 : i32
        %dma_start3A_690 = tpu.memref_slice %arg19[%dma_start3A_689] : memref<10240xf32, #tpu.memory_space<vmem_shared>> -> memref<10240xf32, #tpu.memory_space<vmem_shared>>
        tpu.enqueue_indirect_dma source(%arg15 : memref<128xf32, #tpu.memory_space<vmem>>) target(%dma_start3A_690 : memref<10240xf32, #tpu.memory_space<vmem_shared>>) offsets(%dma_start3A_688 : memref<128xi32, #tpu.memory_space<vmem>>) semaphore(%arg24 : memref<!tpu.dma_semaphore, #tpu.memory_space<semaphore_mem>>) {add = true}
        %dma_start3A_691 = arith.constant 0 : i32
        %dma_start3A_692 = arith.constant 1 : i32
        %dma_start3A_693 = arith.constant 0 : i32
        %dma_start3A_694 = tpu.memref_slice %arg13[%dma_start3A_691, %dma_start3A_692, %dma_start3A_693] : memref<2x2x128xi32, #tpu.memory_space<vmem>> -> memref<1x1x128xi32, #tpu.memory_space<vmem>>
        %dma_start3A_695 = tpu.memref_squeeze %dma_start3A_694 : memref<1x1x128xi32, #tpu.memory_space<vmem>> -> memref<128xi32, #tpu.memory_space<vmem>>
        %dma_start3A_696 = arith.constant 0 : i32
        %dma_start3A_697 = tpu.memref_slice %arg19[%dma_start3A_696] : memref<10240xf32, #tpu.memory_space<vmem_shared>> -> memref<10240xf32, #tpu.memory_space<vmem_shared>>
        tpu.enqueue_indirect_dma source(%arg15 : memref<128xf32, #tpu.memory_space<vmem>>) target(%dma_start3A_697 : memref<10240xf32, #tpu.memory_space<vmem_shared>>) offsets(%dma_start3A_695 : memref<128xi32, #tpu.memory_space<vmem>>) semaphore(%arg24 : memref<!tpu.dma_semaphore, #tpu.memory_space<semaphore_mem>>) {add = true}
      } else {
      }
      %add3A_407 = arith.constant 1 : i32
      %add3A_408 = arith.addi %add3A_357, %add3A_407 : i32
      %dma_wait3A_409 = arith.constant 1 : i32
      %dma_wait3A_410 = arith.constant 1 : i32
      %dma_wait3A_411 = arith.constant 0 : i32
      %dma_wait3A_412 = arith.constant 0 : i32
      %dma_wait3A_413 = tpu.memref_slice %arg14[%dma_wait3A_410, %dma_wait3A_411, %dma_wait3A_412] : memref<2x256x64xf32, #tpu.memory_space<vmem>> -> memref<1x256x64xf32, #tpu.memory_space<vmem>>
      %dma_wait3A_414 = tpu.memref_squeeze %dma_wait3A_413 : memref<1x256x64xf32, #tpu.memory_space<vmem>> -> memref<256x64xf32, #tpu.memory_space<vmem>>
      %dma_wait3A_415 = arith.constant 0 : i32
      %dma_wait3A_416 = tpu.memref_slice %arg12[%dma_wait3A_409, %dma_wait3A_415] : memref<2x256xi32, #tpu.memory_space<vmem>> -> memref<1x256xi32, #tpu.memory_space<vmem>>
      %dma_wait3A_417 = tpu.memref_squeeze %dma_wait3A_416 : memref<1x256xi32, #tpu.memory_space<vmem>> -> memref<256xi32, #tpu.memory_space<vmem>>
      %dma_wait3A_418 = arith.constant 0 : i32
      %dma_wait3A_419 = arith.constant 0 : i32
      %dma_wait3A_420 = tpu.memref_slice %arg17[%dma_wait3A_418, %dma_wait3A_419] : memref<10240x64xf32, #tpu.memory_space<vmem_shared>> -> memref<10240x64xf32, #tpu.memory_space<vmem_shared>>
      tpu.wait_indirect_dma semaphore(%arg23 : memref<!tpu.dma_semaphore, #tpu.memory_space<semaphore_mem>>) src(%dma_wait3A_420 : memref<10240x64xf32, #tpu.memory_space<vmem_shared>>) dst(%dma_wait3A_414 : memref<256x64xf32, #tpu.memory_space<vmem>>)
      %dma_start3A_421 = arith.constant 1 : i32
      %dma_start3A_422 = arith.constant 1 : i32
      %dma_start3A_423 = arith.constant 0 : i32
      %dma_start3A_424 = arith.constant 0 : i32
      %dma_start3A_425 = arith.constant 0 : i32
      %dma_start3A_426 = tpu.memref_slice %arg14[%dma_start3A_421, %dma_start3A_424, %dma_start3A_425] : memref<2x256x64xf32, #tpu.memory_space<vmem>> -> memref<1x128x64xf32, #tpu.memory_space<vmem>>
      %dma_start3A_427 = tpu.memref_squeeze %dma_start3A_426 : memref<1x128x64xf32, #tpu.memory_space<vmem>> -> memref<128x64xf32, #tpu.memory_space<vmem>>
      %dma_start3A_428 = arith.constant 0 : i32
      %dma_start3A_429 = tpu.memref_slice %arg13[%dma_start3A_422, %dma_start3A_423, %dma_start3A_428] : memref<2x2x128xi32, #tpu.memory_space<vmem>> -> memref<1x1x128xi32, #tpu.memory_space<vmem>>
      %dma_start3A_430 = tpu.memref_squeeze %dma_start3A_429 : memref<1x1x128xi32, #tpu.memory_space<vmem>> -> memref<128xi32, #tpu.memory_space<vmem>>
      %dma_start3A_431 = arith.constant 0 : i32
      %dma_start3A_432 = arith.constant 0 : i32
      %dma_start3A_433 = tpu.memref_slice %arg18[%dma_start3A_431, %dma_start3A_432] : memref<10240x64xf32, #tpu.memory_space<vmem_shared>> -> memref<10240x64xf32, #tpu.memory_space<vmem_shared>>
      tpu.enqueue_indirect_dma source(%dma_start3A_427 : memref<128x64xf32, #tpu.memory_space<vmem>>) target(%dma_start3A_433 : memref<10240x64xf32, #tpu.memory_space<vmem_shared>>) offsets(%dma_start3A_430 : memref<128xi32, #tpu.memory_space<vmem>>) semaphore(%arg25 : memref<!tpu.dma_semaphore, #tpu.memory_space<semaphore_mem>>) {add = true}
      %dma_start3A_434 = arith.constant 1 : i32
      %dma_start3A_435 = arith.constant 1 : i32
      %dma_start3A_436 = arith.constant 1 : i32
      %dma_start3A_437 = arith.constant 128 : i32
      %dma_start3A_438 = arith.constant 0 : i32
      %dma_start3A_439 = tpu.memref_slice %arg14[%dma_start3A_434, %dma_start3A_437, %dma_start3A_438] : memref<2x256x64xf32, #tpu.memory_space<vmem>> -> memref<1x128x64xf32, #tpu.memory_space<vmem>>
      %dma_start3A_440 = tpu.memref_squeeze %dma_start3A_439 : memref<1x128x64xf32, #tpu.memory_space<vmem>> -> memref<128x64xf32, #tpu.memory_space<vmem>>
      %dma_start3A_441 = arith.constant 0 : i32
      %dma_start3A_442 = tpu.memref_slice %arg13[%dma_start3A_435, %dma_start3A_436, %dma_start3A_441] : memref<2x2x128xi32, #tpu.memory_space<vmem>> -> memref<1x1x128xi32, #tpu.memory_space<vmem>>
      %dma_start3A_443 = tpu.memref_squeeze %dma_start3A_442 : memref<1x1x128xi32, #tpu.memory_space<vmem>> -> memref<128xi32, #tpu.memory_space<vmem>>
      %dma_start3A_444 = arith.constant 0 : i32
      %dma_start3A_445 = arith.constant 0 : i32
      %dma_start3A_446 = tpu.memref_slice %arg18[%dma_start3A_444, %dma_start3A_445] : memref<10240x64xf32, #tpu.memory_space<vmem_shared>> -> memref<10240x64xf32, #tpu.memory_space<vmem_shared>>
      tpu.enqueue_indirect_dma source(%dma_start3A_440 : memref<128x64xf32, #tpu.memory_space<vmem>>) target(%dma_start3A_446 : memref<10240x64xf32, #tpu.memory_space<vmem_shared>>) offsets(%dma_start3A_443 : memref<128xi32, #tpu.memory_space<vmem>>) semaphore(%arg25 : memref<!tpu.dma_semaphore, #tpu.memory_space<semaphore_mem>>) {add = true}
      %lt3A_447 = arith.constant 40 : i32
      %lt3A_448 = arith.cmpi slt, %add3A_408, %lt3A_447 : i32
      %eq3A_449 = arith.constant 0 : i32
      %eq3A_450 = arith.cmpi eq, %arg0, %eq3A_449 : i32
      %eq3A_451 = arith.xori %lt3A_448, %eq3A_450 : i1
      %eq3A_452 = arith.constant true
      %eq3A_453 = arith.xori %eq3A_451, %eq3A_452 : i1
      %convert_element_type3A_454 = arith.extui %eq3A_453 : i1 to i32
      %cond3A_455 = arith.constant 0 : i32
      %cond3A_456 = arith.cmpi ne, %convert_element_type3A_454, %cond3A_455 : i32
      scf.if %cond3A_456 {
        %dma_start3A_684 = arith.constant 1 : i32
        %dma_start3A_685 = arith.constant 0 : i32
        %dma_start3A_686 = arith.constant 0 : i32
        %dma_start3A_687 = tpu.memref_slice %arg13[%dma_start3A_684, %dma_start3A_685, %dma_start3A_686] : memref<2x2x128xi32, #tpu.memory_space<vmem>> -> memref<1x1x128xi32, #tpu.memory_space<vmem>>
        %dma_start3A_688 = tpu.memref_squeeze %dma_start3A_687 : memref<1x1x128xi32, #tpu.memory_space<vmem>> -> memref<128xi32, #tpu.memory_space<vmem>>
        %dma_start3A_689 = arith.constant 0 : i32
        %dma_start3A_690 = tpu.memref_slice %arg19[%dma_start3A_689] : memref<10240xf32, #tpu.memory_space<vmem_shared>> -> memref<10240xf32, #tpu.memory_space<vmem_shared>>
        tpu.enqueue_indirect_dma source(%arg15 : memref<128xf32, #tpu.memory_space<vmem>>) target(%dma_start3A_690 : memref<10240xf32, #tpu.memory_space<vmem_shared>>) offsets(%dma_start3A_688 : memref<128xi32, #tpu.memory_space<vmem>>) semaphore(%arg25 : memref<!tpu.dma_semaphore, #tpu.memory_space<semaphore_mem>>) {add = true}
        %dma_start3A_691 = arith.constant 1 : i32
        %dma_start3A_692 = arith.constant 1 : i32
        %dma_start3A_693 = arith.constant 0 : i32
        %dma_start3A_694 = tpu.memref_slice %arg13[%dma_start3A_691, %dma_start3A_692, %dma_start3A_693] : memref<2x2x128xi32, #tpu.memory_space<vmem>> -> memref<1x1x128xi32, #tpu.memory_space<vmem>>
        %dma_start3A_695 = tpu.memref_squeeze %dma_start3A_694 : memref<1x1x128xi32, #tpu.memory_space<vmem>> -> memref<128xi32, #tpu.memory_space<vmem>>
        %dma_start3A_696 = arith.constant 0 : i32
        %dma_start3A_697 = tpu.memref_slice %arg19[%dma_start3A_696] : memref<10240xf32, #tpu.memory_space<vmem_shared>> -> memref<10240xf32, #tpu.memory_space<vmem_shared>>
        tpu.enqueue_indirect_dma source(%arg15 : memref<128xf32, #tpu.memory_space<vmem>>) target(%dma_start3A_697 : memref<10240xf32, #tpu.memory_space<vmem_shared>>) offsets(%dma_start3A_695 : memref<128xi32, #tpu.memory_space<vmem>>) semaphore(%arg25 : memref<!tpu.dma_semaphore, #tpu.memory_space<semaphore_mem>>) {add = true}
      } else {
      }
      %add3A_457 = arith.constant 0 : i32
      %add3A_458 = arith.addi %add3A_357, %add3A_457 : i32
      %dma_wait3A_459 = arith.constant 0 : i32
      %dma_wait3A_460 = arith.constant 0 : i32
      %dma_wait3A_461 = arith.constant 0 : i32
      %dma_wait3A_462 = arith.constant 0 : i32
      %dma_wait3A_463 = arith.constant 0 : i32
      %dma_wait3A_464 = tpu.memref_slice %arg14[%dma_wait3A_459, %dma_wait3A_462, %dma_wait3A_463] : memref<2x256x64xf32, #tpu.memory_space<vmem>> -> memref<1x128x64xf32, #tpu.memory_space<vmem>>
      %dma_wait3A_465 = tpu.memref_squeeze %dma_wait3A_464 : memref<1x128x64xf32, #tpu.memory_space<vmem>> -> memref<128x64xf32, #tpu.memory_space<vmem>>
      %dma_wait3A_466 = arith.constant 0 : i32
      %dma_wait3A_467 = tpu.memref_slice %arg13[%dma_wait3A_460, %dma_wait3A_461, %dma_wait3A_466] : memref<2x2x128xi32, #tpu.memory_space<vmem>> -> memref<1x1x128xi32, #tpu.memory_space<vmem>>
      %dma_wait3A_468 = tpu.memref_squeeze %dma_wait3A_467 : memref<1x1x128xi32, #tpu.memory_space<vmem>> -> memref<128xi32, #tpu.memory_space<vmem>>
      %dma_wait3A_469 = arith.constant 0 : i32
      %dma_wait3A_470 = arith.constant 0 : i32
      %dma_wait3A_471 = tpu.memref_slice %arg18[%dma_wait3A_469, %dma_wait3A_470] : memref<10240x64xf32, #tpu.memory_space<vmem_shared>> -> memref<10240x64xf32, #tpu.memory_space<vmem_shared>>
      tpu.wait_indirect_dma semaphore(%arg24 : memref<!tpu.dma_semaphore, #tpu.memory_space<semaphore_mem>>) src(%dma_wait3A_465 : memref<128x64xf32, #tpu.memory_space<vmem>>) dst(%dma_wait3A_471 : memref<10240x64xf32, #tpu.memory_space<vmem_shared>>)
      %dma_wait3A_472 = arith.constant 0 : i32
      %dma_wait3A_473 = arith.constant 0 : i32
      %dma_wait3A_474 = arith.constant 1 : i32
      %dma_wait3A_475 = arith.constant 128 : i32
      %dma_wait3A_476 = arith.constant 0 : i32
      %dma_wait3A_477 = tpu.memref_slice %arg14[%dma_wait3A_472, %dma_wait3A_475, %dma_wait3A_476] : memref<2x256x64xf32, #tpu.memory_space<vmem>> -> memref<1x128x64xf32, #tpu.memory_space<vmem>>
      %dma_wait3A_478 = tpu.memref_squeeze %dma_wait3A_477 : memref<1x128x64xf32, #tpu.memory_space<vmem>> -> memref<128x64xf32, #tpu.memory_space<vmem>>
      %dma_wait3A_479 = arith.constant 0 : i32
      %dma_wait3A_480 = tpu.memref_slice %arg13[%dma_wait3A_473, %dma_wait3A_474, %dma_wait3A_479] : memref<2x2x128xi32, #tpu.memory_space<vmem>> -> memref<1x1x128xi32, #tpu.memory_space<vmem>>
      %dma_wait3A_481 = tpu.memref_squeeze %dma_wait3A_480 : memref<1x1x128xi32, #tpu.memory_space<vmem>> -> memref<128xi32, #tpu.memory_space<vmem>>
      %dma_wait3A_482 = arith.constant 0 : i32
      %dma_wait3A_483 = arith.constant 0 : i32
      %dma_wait3A_484 = tpu.memref_slice %arg18[%dma_wait3A_482, %dma_wait3A_483] : memref<10240x64xf32, #tpu.memory_space<vmem_shared>> -> memref<10240x64xf32, #tpu.memory_space<vmem_shared>>
      tpu.wait_indirect_dma semaphore(%arg24 : memref<!tpu.dma_semaphore, #tpu.memory_space<semaphore_mem>>) src(%dma_wait3A_478 : memref<128x64xf32, #tpu.memory_space<vmem>>) dst(%dma_wait3A_484 : memref<10240x64xf32, #tpu.memory_space<vmem_shared>>)
      %lt3A_485 = arith.constant 40 : i32
      %lt3A_486 = arith.cmpi slt, %add3A_458, %lt3A_485 : i32
      %eq3A_487 = arith.constant 0 : i32
      %eq3A_488 = arith.cmpi eq, %arg0, %eq3A_487 : i32
      %eq3A_489 = arith.xori %lt3A_486, %eq3A_488 : i1
      %eq3A_490 = arith.constant true
      %eq3A_491 = arith.xori %eq3A_489, %eq3A_490 : i1
      %convert_element_type3A_492 = arith.extui %eq3A_491 : i1 to i32
      %cond3A_493 = arith.constant 0 : i32
      %cond3A_494 = arith.cmpi ne, %convert_element_type3A_492, %cond3A_493 : i32
      scf.if %cond3A_494 {
        %dma_wait3A_684 = arith.constant 0 : i32
        %dma_wait3A_685 = arith.constant 0 : i32
        %dma_wait3A_686 = arith.constant 0 : i32
        %dma_wait3A_687 = tpu.memref_slice %arg13[%dma_wait3A_684, %dma_wait3A_685, %dma_wait3A_686] : memref<2x2x128xi32, #tpu.memory_space<vmem>> -> memref<1x1x128xi32, #tpu.memory_space<vmem>>
        %dma_wait3A_688 = tpu.memref_squeeze %dma_wait3A_687 : memref<1x1x128xi32, #tpu.memory_space<vmem>> -> memref<128xi32, #tpu.memory_space<vmem>>
        %dma_wait3A_689 = arith.constant 0 : i32
        %dma_wait3A_690 = tpu.memref_slice %arg19[%dma_wait3A_689] : memref<10240xf32, #tpu.memory_space<vmem_shared>> -> memref<10240xf32, #tpu.memory_space<vmem_shared>>
        tpu.wait_indirect_dma semaphore(%arg24 : memref<!tpu.dma_semaphore, #tpu.memory_space<semaphore_mem>>) src(%arg15 : memref<128xf32, #tpu.memory_space<vmem>>) dst(%dma_wait3A_690 : memref<10240xf32, #tpu.memory_space<vmem_shared>>)
        %dma_wait3A_691 = arith.constant 0 : i32
        %dma_wait3A_692 = arith.constant 1 : i32
        %dma_wait3A_693 = arith.constant 0 : i32
        %dma_wait3A_694 = tpu.memref_slice %arg13[%dma_wait3A_691, %dma_wait3A_692, %dma_wait3A_693] : memref<2x2x128xi32, #tpu.memory_space<vmem>> -> memref<1x1x128xi32, #tpu.memory_space<vmem>>
        %dma_wait3A_695 = tpu.memref_squeeze %dma_wait3A_694 : memref<1x1x128xi32, #tpu.memory_space<vmem>> -> memref<128xi32, #tpu.memory_space<vmem>>
        %dma_wait3A_696 = arith.constant 0 : i32
        %dma_wait3A_697 = tpu.memref_slice %arg19[%dma_wait3A_696] : memref<10240xf32, #tpu.memory_space<vmem_shared>> -> memref<10240xf32, #tpu.memory_space<vmem_shared>>
        tpu.wait_indirect_dma semaphore(%arg24 : memref<!tpu.dma_semaphore, #tpu.memory_space<semaphore_mem>>) src(%arg15 : memref<128xf32, #tpu.memory_space<vmem>>) dst(%dma_wait3A_697 : memref<10240xf32, #tpu.memory_space<vmem_shared>>)
      } else {
      }
      %add3A_495 = arith.constant 2 : i32
      %add3A_496 = arith.addi %add3A_458, %add3A_495 : i32
      %mul3A_497 = arith.constant 2 : i32
      %mul3A_498 = arith.muli %add3A_496, %mul3A_497 : i32
      %add3A_499 = arith.addi %mul3A_34, %mul3A_498 : i32
      %mul3A_500 = arith.constant 128 : i32
      %mul3A_501 = arith.muli %add3A_499, %mul3A_500 : i32
      %mul3A_502 = arith.constant 2 : i32
      %mul3A_503 = arith.muli %add3A_496, %mul3A_502 : i32
      %add3A_504 = arith.addi %mul3A_34, %mul3A_503 : i32
      %dma_start3A_505 = arith.constant 0 : i32
      %dma_start3A_506 = arith.constant 0 : i32
      %dma_start3A_507 = tpu.memref_slice %arg12[%dma_start3A_505, %dma_start3A_506] : memref<2x256xi32, #tpu.memory_space<vmem>> -> memref<1x256xi32, #tpu.memory_space<vmem>>
      %dma_start3A_508 = tpu.memref_squeeze %dma_start3A_507 : memref<1x256xi32, #tpu.memory_space<vmem>> -> memref<256xi32, #tpu.memory_space<vmem>>
      %dma_start3A_509 = tpu.memref_slice %arg3[%mul3A_501] : memref<327680xi32, #tpu.memory_space<hbm>> -> memref<256xi32, #tpu.memory_space<hbm>>
      %dma_start3A_510 = arith.constant 0 : i32
      %dma_start3A_511 = tpu.memref_slice %arg12[%dma_start3A_505, %dma_start3A_510] : memref<2x256xi32, #tpu.memory_space<vmem>> -> memref<1x256xi32, #tpu.memory_space<vmem>>
      %dma_start3A_512 = tpu.memref_squeeze %dma_start3A_511 : memref<1x256xi32, #tpu.memory_space<vmem>> -> memref<256xi32, #tpu.memory_space<vmem>>
      %dma_start3A_513 = tpu.memref_slice %arg3[%mul3A_501] : memref<327680xi32, #tpu.memory_space<hbm>> -> memref<256xi32, #tpu.memory_space<hbm>>
      tpu.enqueue_dma source(%dma_start3A_513 : memref<256xi32, #tpu.memory_space<hbm>>) target(%dma_start3A_512 : memref<256xi32, #tpu.memory_space<vmem>>) target_semaphore(%arg20 : memref<!tpu.dma_semaphore, #tpu.memory_space<semaphore_mem>>)
      %dma_start3A_514 = arith.constant 0 : i32
      %dma_start3A_515 = arith.constant 0 : i32
      %dma_start3A_516 = arith.constant 0 : i32
      %dma_start3A_517 = tpu.memref_slice %arg13[%dma_start3A_514, %dma_start3A_515, %dma_start3A_516] : memref<2x2x128xi32, #tpu.memory_space<vmem>> -> memref<1x2x128xi32, #tpu.memory_space<vmem>>
      %dma_start3A_518 = tpu.memref_squeeze %dma_start3A_517 : memref<1x2x128xi32, #tpu.memory_space<vmem>> -> memref<2x128xi32, #tpu.memory_space<vmem>>
      %dma_start3A_519 = arith.constant 0 : i32
      %dma_start3A_520 = tpu.memref_slice %arg4[%add3A_504, %dma_start3A_519] : memref<2560x128xi32, #tpu.memory_space<hbm>> -> memref<2x128xi32, #tpu.memory_space<hbm>>
      %dma_start3A_521 = arith.constant 0 : i32
      %dma_start3A_522 = arith.constant 0 : i32
      %dma_start3A_523 = tpu.memref_slice %arg13[%dma_start3A_514, %dma_start3A_521, %dma_start3A_522] : memref<2x2x128xi32, #tpu.memory_space<vmem>> -> memref<1x2x128xi32, #tpu.memory_space<vmem>>
      %dma_start3A_524 = tpu.memref_squeeze %dma_start3A_523 : memref<1x2x128xi32, #tpu.memory_space<vmem>> -> memref<2x128xi32, #tpu.memory_space<vmem>>
      %dma_start3A_525 = arith.constant 0 : i32
      %dma_start3A_526 = tpu.memref_slice %arg4[%add3A_504, %dma_start3A_525] : memref<2560x128xi32, #tpu.memory_space<hbm>> -> memref<2x128xi32, #tpu.memory_space<hbm>>
      tpu.enqueue_dma source(%dma_start3A_526 : memref<2x128xi32, #tpu.memory_space<hbm>>) target(%dma_start3A_524 : memref<2x128xi32, #tpu.memory_space<vmem>>) target_semaphore(%arg20 : memref<!tpu.dma_semaphore, #tpu.memory_space<semaphore_mem>>)
      %add3A_527 = arith.constant 2 : i32
      %add3A_528 = arith.addi %add3A_458, %add3A_527 : i32
      %mul3A_529 = arith.constant 2 : i32
      %mul3A_530 = arith.muli %add3A_528, %mul3A_529 : i32
      %add3A_531 = arith.addi %mul3A_34, %mul3A_530 : i32
      %mul3A_532 = arith.constant 128 : i32
      %mul3A_533 = arith.muli %add3A_531, %mul3A_532 : i32
      %mul3A_534 = arith.constant 2 : i32
      %mul3A_535 = arith.muli %add3A_528, %mul3A_534 : i32
      %add3A_536 = arith.addi %mul3A_34, %mul3A_535 : i32
      %dma_wait3A_537 = arith.constant 0 : i32
      %dma_wait3A_538 = arith.constant 0 : i32
      %dma_wait3A_539 = tpu.memref_slice %arg12[%dma_wait3A_537, %dma_wait3A_538] : memref<2x256xi32, #tpu.memory_space<vmem>> -> memref<1x256xi32, #tpu.memory_space<vmem>>
      %dma_wait3A_540 = tpu.memref_squeeze %dma_wait3A_539 : memref<1x256xi32, #tpu.memory_space<vmem>> -> memref<256xi32, #tpu.memory_space<vmem>>
      %dma_wait3A_541 = tpu.memref_slice %arg3[%mul3A_533] : memref<327680xi32, #tpu.memory_space<hbm>> -> memref<256xi32, #tpu.memory_space<hbm>>
      %dma_wait3A_542 = arith.constant 0 : i32
      %dma_wait3A_543 = tpu.memref_slice %arg12[%dma_wait3A_537, %dma_wait3A_542] : memref<2x256xi32, #tpu.memory_space<vmem>> -> memref<1x256xi32, #tpu.memory_space<vmem>>
      %dma_wait3A_544 = tpu.memref_squeeze %dma_wait3A_543 : memref<1x256xi32, #tpu.memory_space<vmem>> -> memref<256xi32, #tpu.memory_space<vmem>>
      %dma_wait3A_545 = tpu.memref_slice %arg3[%mul3A_533] : memref<327680xi32, #tpu.memory_space<hbm>> -> memref<256xi32, #tpu.memory_space<hbm>>
      tpu.wait_dma2 semaphore(%arg20 : memref<!tpu.dma_semaphore, #tpu.memory_space<semaphore_mem>>) src(%dma_wait3A_545 : memref<256xi32, #tpu.memory_space<hbm>>) dst(%dma_wait3A_544 : memref<256xi32, #tpu.memory_space<vmem>>)
      %dma_wait3A_546 = arith.constant 0 : i32
      %dma_wait3A_547 = arith.constant 0 : i32
      %dma_wait3A_548 = arith.constant 0 : i32
      %dma_wait3A_549 = tpu.memref_slice %arg13[%dma_wait3A_546, %dma_wait3A_547, %dma_wait3A_548] : memref<2x2x128xi32, #tpu.memory_space<vmem>> -> memref<1x2x128xi32, #tpu.memory_space<vmem>>
      %dma_wait3A_550 = tpu.memref_squeeze %dma_wait3A_549 : memref<1x2x128xi32, #tpu.memory_space<vmem>> -> memref<2x128xi32, #tpu.memory_space<vmem>>
      %dma_wait3A_551 = arith.constant 0 : i32
      %dma_wait3A_552 = tpu.memref_slice %arg4[%add3A_536, %dma_wait3A_551] : memref<2560x128xi32, #tpu.memory_space<hbm>> -> memref<2x128xi32, #tpu.memory_space<hbm>>
      %dma_wait3A_553 = arith.constant 0 : i32
      %dma_wait3A_554 = arith.constant 0 : i32
      %dma_wait3A_555 = tpu.memref_slice %arg13[%dma_wait3A_546, %dma_wait3A_553, %dma_wait3A_554] : memref<2x2x128xi32, #tpu.memory_space<vmem>> -> memref<1x2x128xi32, #tpu.memory_space<vmem>>
      %dma_wait3A_556 = tpu.memref_squeeze %dma_wait3A_555 : memref<1x2x128xi32, #tpu.memory_space<vmem>> -> memref<2x128xi32, #tpu.memory_space<vmem>>
      %dma_wait3A_557 = arith.constant 0 : i32
      %dma_wait3A_558 = tpu.memref_slice %arg4[%add3A_536, %dma_wait3A_557] : memref<2560x128xi32, #tpu.memory_space<hbm>> -> memref<2x128xi32, #tpu.memory_space<hbm>>
      tpu.wait_dma2 semaphore(%arg20 : memref<!tpu.dma_semaphore, #tpu.memory_space<semaphore_mem>>) src(%dma_wait3A_558 : memref<2x128xi32, #tpu.memory_space<hbm>>) dst(%dma_wait3A_556 : memref<2x128xi32, #tpu.memory_space<vmem>>)
      %add3A_559 = arith.constant 2 : i32
      %add3A_560 = arith.addi %add3A_458, %add3A_559 : i32
      %lt3A_561 = arith.constant 46 : i32
      %lt3A_562 = arith.cmpi slt, %add3A_560, %lt3A_561 : i32
      %convert_element_type3A_563 = arith.extui %lt3A_562 : i1 to i32
      %cond3A_564 = arith.constant 0 : i32
      %cond3A_565 = arith.cmpi ne, %convert_element_type3A_563, %cond3A_564 : i32
      scf.if %cond3A_565 {
        %dma_start3A_684 = arith.constant 0 : i32
        %dma_start3A_685 = arith.constant 0 : i32
        %dma_start3A_686 = arith.constant 0 : i32
        %dma_start3A_687 = arith.constant 0 : i32
        %dma_start3A_688 = tpu.memref_slice %arg14[%dma_start3A_685, %dma_start3A_686, %dma_start3A_687] : memref<2x256x64xf32, #tpu.memory_space<vmem>> -> memref<1x256x64xf32, #tpu.memory_space<vmem>>
        %dma_start3A_689 = tpu.memref_squeeze %dma_start3A_688 : memref<1x256x64xf32, #tpu.memory_space<vmem>> -> memref<256x64xf32, #tpu.memory_space<vmem>>
        %dma_start3A_690 = arith.constant 0 : i32
        %dma_start3A_691 = tpu.memref_slice %arg12[%dma_start3A_684, %dma_start3A_690] : memref<2x256xi32, #tpu.memory_space<vmem>> -> memref<1x256xi32, #tpu.memory_space<vmem>>
        %dma_start3A_692 = tpu.memref_squeeze %dma_start3A_691 : memref<1x256xi32, #tpu.memory_space<vmem>> -> memref<256xi32, #tpu.memory_space<vmem>>
        %dma_start3A_693 = arith.constant 0 : i32
        %dma_start3A_694 = arith.constant 0 : i32
        %dma_start3A_695 = tpu.memref_slice %arg2[%arg0, %dma_start3A_693, %dma_start3A_694] : memref<2x10240x64xf32, #tpu.memory_space<hbm>> -> memref<1x10240x64xf32, #tpu.memory_space<hbm>>
        %dma_start3A_696 = tpu.memref_squeeze %dma_start3A_695 : memref<1x10240x64xf32, #tpu.memory_space<hbm>> -> memref<10240x64xf32, #tpu.memory_space<hbm>>
        %dma_start3A_697 = arith.constant 0 : i32
        %dma_start3A_698 = arith.constant 0 : i32
        %dma_start3A_699 = tpu.memref_slice %dma_start3A_696[%dma_start3A_697, %dma_start3A_698] : memref<10240x64xf32, #tpu.memory_space<hbm>> -> memref<10240x64xf32, #tpu.memory_space<hbm>>
        tpu.enqueue_indirect_dma source(%dma_start3A_699 : memref<10240x64xf32, #tpu.memory_space<hbm>>) target(%dma_start3A_689 : memref<256x64xf32, #tpu.memory_space<vmem>>) offsets(%dma_start3A_692 : memref<256xi32, #tpu.memory_space<vmem>>) semaphore(%arg22 : memref<!tpu.dma_semaphore, #tpu.memory_space<semaphore_mem>>)
      } else {
      }
      %ge3A = arith.constant 46 : i32
      %ge3A_566 = arith.cmpi sge, %add3A_560, %ge3A : i32
      %convert_element_type3A_567 = arith.extui %ge3A_566 : i1 to i32
      %cond3A_568 = arith.constant 0 : i32
      %cond3A_569 = arith.cmpi ne, %convert_element_type3A_567, %cond3A_568 : i32
      scf.if %cond3A_569 {
        %dma_start3A_684 = arith.constant 0 : i32
        %dma_start3A_685 = arith.constant 0 : i32
        %dma_start3A_686 = arith.constant 0 : i32
        %dma_start3A_687 = arith.constant 0 : i32
        %dma_start3A_688 = tpu.memref_slice %arg14[%dma_start3A_685, %dma_start3A_686, %dma_start3A_687] : memref<2x256x64xf32, #tpu.memory_space<vmem>> -> memref<1x256x64xf32, #tpu.memory_space<vmem>>
        %dma_start3A_689 = tpu.memref_squeeze %dma_start3A_688 : memref<1x256x64xf32, #tpu.memory_space<vmem>> -> memref<256x64xf32, #tpu.memory_space<vmem>>
        %dma_start3A_690 = arith.constant 0 : i32
        %dma_start3A_691 = tpu.memref_slice %arg12[%dma_start3A_684, %dma_start3A_690] : memref<2x256xi32, #tpu.memory_space<vmem>> -> memref<1x256xi32, #tpu.memory_space<vmem>>
        %dma_start3A_692 = tpu.memref_squeeze %dma_start3A_691 : memref<1x256xi32, #tpu.memory_space<vmem>> -> memref<256xi32, #tpu.memory_space<vmem>>
        %dma_start3A_693 = arith.constant 0 : i32
        %dma_start3A_694 = arith.constant 0 : i32
        %dma_start3A_695 = tpu.memref_slice %arg17[%dma_start3A_693, %dma_start3A_694] : memref<10240x64xf32, #tpu.memory_space<vmem_shared>> -> memref<10240x64xf32, #tpu.memory_space<vmem_shared>>
        tpu.enqueue_indirect_dma source(%dma_start3A_695 : memref<10240x64xf32, #tpu.memory_space<vmem_shared>>) target(%dma_start3A_689 : memref<256x64xf32, #tpu.memory_space<vmem>>) offsets(%dma_start3A_692 : memref<256xi32, #tpu.memory_space<vmem>>) semaphore(%arg22 : memref<!tpu.dma_semaphore, #tpu.memory_space<semaphore_mem>>)
      } else {
      }
      %add3A_570 = arith.constant 1 : i32
      %add3A_571 = arith.addi %add3A_357, %add3A_570 : i32
      %dma_wait3A_572 = arith.constant 1 : i32
      %dma_wait3A_573 = arith.constant 1 : i32
      %dma_wait3A_574 = arith.constant 0 : i32
      %dma_wait3A_575 = arith.constant 0 : i32
      %dma_wait3A_576 = arith.constant 0 : i32
      %dma_wait3A_577 = tpu.memref_slice %arg14[%dma_wait3A_572, %dma_wait3A_575, %dma_wait3A_576] : memref<2x256x64xf32, #tpu.memory_space<vmem>> -> memref<1x128x64xf32, #tpu.memory_space<vmem>>
      %dma_wait3A_578 = tpu.memref_squeeze %dma_wait3A_577 : memref<1x128x64xf32, #tpu.memory_space<vmem>> -> memref<128x64xf32, #tpu.memory_space<vmem>>
      %dma_wait3A_579 = arith.constant 0 : i32
      %dma_wait3A_580 = tpu.memref_slice %arg13[%dma_wait3A_573, %dma_wait3A_574, %dma_wait3A_579] : memref<2x2x128xi32, #tpu.memory_space<vmem>> -> memref<1x1x128xi32, #tpu.memory_space<vmem>>
      %dma_wait3A_581 = tpu.memref_squeeze %dma_wait3A_580 : memref<1x1x128xi32, #tpu.memory_space<vmem>> -> memref<128xi32, #tpu.memory_space<vmem>>
      %dma_wait3A_582 = arith.constant 0 : i32
      %dma_wait3A_583 = arith.constant 0 : i32
      %dma_wait3A_584 = tpu.memref_slice %arg18[%dma_wait3A_582, %dma_wait3A_583] : memref<10240x64xf32, #tpu.memory_space<vmem_shared>> -> memref<10240x64xf32, #tpu.memory_space<vmem_shared>>
      tpu.wait_indirect_dma semaphore(%arg25 : memref<!tpu.dma_semaphore, #tpu.memory_space<semaphore_mem>>) src(%dma_wait3A_578 : memref<128x64xf32, #tpu.memory_space<vmem>>) dst(%dma_wait3A_584 : memref<10240x64xf32, #tpu.memory_space<vmem_shared>>)
      %dma_wait3A_585 = arith.constant 1 : i32
      %dma_wait3A_586 = arith.constant 1 : i32
      %dma_wait3A_587 = arith.constant 1 : i32
      %dma_wait3A_588 = arith.constant 128 : i32
      %dma_wait3A_589 = arith.constant 0 : i32
      %dma_wait3A_590 = tpu.memref_slice %arg14[%dma_wait3A_585, %dma_wait3A_588, %dma_wait3A_589] : memref<2x256x64xf32, #tpu.memory_space<vmem>> -> memref<1x128x64xf32, #tpu.memory_space<vmem>>
      %dma_wait3A_591 = tpu.memref_squeeze %dma_wait3A_590 : memref<1x128x64xf32, #tpu.memory_space<vmem>> -> memref<128x64xf32, #tpu.memory_space<vmem>>
      %dma_wait3A_592 = arith.constant 0 : i32
      %dma_wait3A_593 = tpu.memref_slice %arg13[%dma_wait3A_586, %dma_wait3A_587, %dma_wait3A_592] : memref<2x2x128xi32, #tpu.memory_space<vmem>> -> memref<1x1x128xi32, #tpu.memory_space<vmem>>
      %dma_wait3A_594 = tpu.memref_squeeze %dma_wait3A_593 : memref<1x1x128xi32, #tpu.memory_space<vmem>> -> memref<128xi32, #tpu.memory_space<vmem>>
      %dma_wait3A_595 = arith.constant 0 : i32
      %dma_wait3A_596 = arith.constant 0 : i32
      %dma_wait3A_597 = tpu.memref_slice %arg18[%dma_wait3A_595, %dma_wait3A_596] : memref<10240x64xf32, #tpu.memory_space<vmem_shared>> -> memref<10240x64xf32, #tpu.memory_space<vmem_shared>>
      tpu.wait_indirect_dma semaphore(%arg25 : memref<!tpu.dma_semaphore, #tpu.memory_space<semaphore_mem>>) src(%dma_wait3A_591 : memref<128x64xf32, #tpu.memory_space<vmem>>) dst(%dma_wait3A_597 : memref<10240x64xf32, #tpu.memory_space<vmem_shared>>)
      %lt3A_598 = arith.constant 40 : i32
      %lt3A_599 = arith.cmpi slt, %add3A_571, %lt3A_598 : i32
      %eq3A_600 = arith.constant 0 : i32
      %eq3A_601 = arith.cmpi eq, %arg0, %eq3A_600 : i32
      %eq3A_602 = arith.xori %lt3A_599, %eq3A_601 : i1
      %eq3A_603 = arith.constant true
      %eq3A_604 = arith.xori %eq3A_602, %eq3A_603 : i1
      %convert_element_type3A_605 = arith.extui %eq3A_604 : i1 to i32
      %cond3A_606 = arith.constant 0 : i32
      %cond3A_607 = arith.cmpi ne, %convert_element_type3A_605, %cond3A_606 : i32
      scf.if %cond3A_607 {
        %dma_wait3A_684 = arith.constant 1 : i32
        %dma_wait3A_685 = arith.constant 0 : i32
        %dma_wait3A_686 = arith.constant 0 : i32
        %dma_wait3A_687 = tpu.memref_slice %arg13[%dma_wait3A_684, %dma_wait3A_685, %dma_wait3A_686] : memref<2x2x128xi32, #tpu.memory_space<vmem>> -> memref<1x1x128xi32, #tpu.memory_space<vmem>>
        %dma_wait3A_688 = tpu.memref_squeeze %dma_wait3A_687 : memref<1x1x128xi32, #tpu.memory_space<vmem>> -> memref<128xi32, #tpu.memory_space<vmem>>
        %dma_wait3A_689 = arith.constant 0 : i32
        %dma_wait3A_690 = tpu.memref_slice %arg19[%dma_wait3A_689] : memref<10240xf32, #tpu.memory_space<vmem_shared>> -> memref<10240xf32, #tpu.memory_space<vmem_shared>>
        tpu.wait_indirect_dma semaphore(%arg25 : memref<!tpu.dma_semaphore, #tpu.memory_space<semaphore_mem>>) src(%arg15 : memref<128xf32, #tpu.memory_space<vmem>>) dst(%dma_wait3A_690 : memref<10240xf32, #tpu.memory_space<vmem_shared>>)
        %dma_wait3A_691 = arith.constant 1 : i32
        %dma_wait3A_692 = arith.constant 1 : i32
        %dma_wait3A_693 = arith.constant 0 : i32
        %dma_wait3A_694 = tpu.memref_slice %arg13[%dma_wait3A_691, %dma_wait3A_692, %dma_wait3A_693] : memref<2x2x128xi32, #tpu.memory_space<vmem>> -> memref<1x1x128xi32, #tpu.memory_space<vmem>>
        %dma_wait3A_695 = tpu.memref_squeeze %dma_wait3A_694 : memref<1x1x128xi32, #tpu.memory_space<vmem>> -> memref<128xi32, #tpu.memory_space<vmem>>
        %dma_wait3A_696 = arith.constant 0 : i32
        %dma_wait3A_697 = tpu.memref_slice %arg19[%dma_wait3A_696] : memref<10240xf32, #tpu.memory_space<vmem_shared>> -> memref<10240xf32, #tpu.memory_space<vmem_shared>>
        tpu.wait_indirect_dma semaphore(%arg25 : memref<!tpu.dma_semaphore, #tpu.memory_space<semaphore_mem>>) src(%arg15 : memref<128xf32, #tpu.memory_space<vmem>>) dst(%dma_wait3A_697 : memref<10240xf32, #tpu.memory_space<vmem_shared>>)
      } else {
      }
      %add3A_608 = arith.constant 2 : i32
      %add3A_609 = arith.addi %add3A_571, %add3A_608 : i32
      %mul3A_610 = arith.constant 2 : i32
      %mul3A_611 = arith.muli %add3A_609, %mul3A_610 : i32
      %add3A_612 = arith.addi %mul3A_34, %mul3A_611 : i32
      %mul3A_613 = arith.constant 128 : i32
      %mul3A_614 = arith.muli %add3A_612, %mul3A_613 : i32
      %mul3A_615 = arith.constant 2 : i32
      %mul3A_616 = arith.muli %add3A_609, %mul3A_615 : i32
      %add3A_617 = arith.addi %mul3A_34, %mul3A_616 : i32
      %dma_start3A_618 = arith.constant 1 : i32
      %dma_start3A_619 = arith.constant 0 : i32
      %dma_start3A_620 = tpu.memref_slice %arg12[%dma_start3A_618, %dma_start3A_619] : memref<2x256xi32, #tpu.memory_space<vmem>> -> memref<1x256xi32, #tpu.memory_space<vmem>>
      %dma_start3A_621 = tpu.memref_squeeze %dma_start3A_620 : memref<1x256xi32, #tpu.memory_space<vmem>> -> memref<256xi32, #tpu.memory_space<vmem>>
      %dma_start3A_622 = tpu.memref_slice %arg3[%mul3A_614] : memref<327680xi32, #tpu.memory_space<hbm>> -> memref<256xi32, #tpu.memory_space<hbm>>
      %dma_start3A_623 = arith.constant 0 : i32
      %dma_start3A_624 = tpu.memref_slice %arg12[%dma_start3A_618, %dma_start3A_623] : memref<2x256xi32, #tpu.memory_space<vmem>> -> memref<1x256xi32, #tpu.memory_space<vmem>>
      %dma_start3A_625 = tpu.memref_squeeze %dma_start3A_624 : memref<1x256xi32, #tpu.memory_space<vmem>> -> memref<256xi32, #tpu.memory_space<vmem>>
      %dma_start3A_626 = tpu.memref_slice %arg3[%mul3A_614] : memref<327680xi32, #tpu.memory_space<hbm>> -> memref<256xi32, #tpu.memory_space<hbm>>
      tpu.enqueue_dma source(%dma_start3A_626 : memref<256xi32, #tpu.memory_space<hbm>>) target(%dma_start3A_625 : memref<256xi32, #tpu.memory_space<vmem>>) target_semaphore(%arg21 : memref<!tpu.dma_semaphore, #tpu.memory_space<semaphore_mem>>)
      %dma_start3A_627 = arith.constant 1 : i32
      %dma_start3A_628 = arith.constant 0 : i32
      %dma_start3A_629 = arith.constant 0 : i32
      %dma_start3A_630 = tpu.memref_slice %arg13[%dma_start3A_627, %dma_start3A_628, %dma_start3A_629] : memref<2x2x128xi32, #tpu.memory_space<vmem>> -> memref<1x2x128xi32, #tpu.memory_space<vmem>>
      %dma_start3A_631 = tpu.memref_squeeze %dma_start3A_630 : memref<1x2x128xi32, #tpu.memory_space<vmem>> -> memref<2x128xi32, #tpu.memory_space<vmem>>
      %dma_start3A_632 = arith.constant 0 : i32
      %dma_start3A_633 = tpu.memref_slice %arg4[%add3A_617, %dma_start3A_632] : memref<2560x128xi32, #tpu.memory_space<hbm>> -> memref<2x128xi32, #tpu.memory_space<hbm>>
      %dma_start3A_634 = arith.constant 0 : i32
      %dma_start3A_635 = arith.constant 0 : i32
      %dma_start3A_636 = tpu.memref_slice %arg13[%dma_start3A_627, %dma_start3A_634, %dma_start3A_635] : memref<2x2x128xi32, #tpu.memory_space<vmem>> -> memref<1x2x128xi32, #tpu.memory_space<vmem>>
      %dma_start3A_637 = tpu.memref_squeeze %dma_start3A_636 : memref<1x2x128xi32, #tpu.memory_space<vmem>> -> memref<2x128xi32, #tpu.memory_space<vmem>>
      %dma_start3A_638 = arith.constant 0 : i32
      %dma_start3A_639 = tpu.memref_slice %arg4[%add3A_617, %dma_start3A_638] : memref<2560x128xi32, #tpu.memory_space<hbm>> -> memref<2x128xi32, #tpu.memory_space<hbm>>
      tpu.enqueue_dma source(%dma_start3A_639 : memref<2x128xi32, #tpu.memory_space<hbm>>) target(%dma_start3A_637 : memref<2x128xi32, #tpu.memory_space<vmem>>) target_semaphore(%arg21 : memref<!tpu.dma_semaphore, #tpu.memory_space<semaphore_mem>>)
      %add3A_640 = arith.constant 2 : i32
      %add3A_641 = arith.addi %add3A_571, %add3A_640 : i32
      %mul3A_642 = arith.constant 2 : i32
      %mul3A_643 = arith.muli %add3A_641, %mul3A_642 : i32
      %add3A_644 = arith.addi %mul3A_34, %mul3A_643 : i32
      %mul3A_645 = arith.constant 128 : i32
      %mul3A_646 = arith.muli %add3A_644, %mul3A_645 : i32
      %mul3A_647 = arith.constant 2 : i32
      %mul3A_648 = arith.muli %add3A_641, %mul3A_647 : i32
      %add3A_649 = arith.addi %mul3A_34, %mul3A_648 : i32
      %dma_wait3A_650 = arith.constant 1 : i32
      %dma_wait3A_651 = arith.constant 0 : i32
      %dma_wait3A_652 = tpu.memref_slice %arg12[%dma_wait3A_650, %dma_wait3A_651] : memref<2x256xi32, #tpu.memory_space<vmem>> -> memref<1x256xi32, #tpu.memory_space<vmem>>
      %dma_wait3A_653 = tpu.memref_squeeze %dma_wait3A_652 : memref<1x256xi32, #tpu.memory_space<vmem>> -> memref<256xi32, #tpu.memory_space<vmem>>
      %dma_wait3A_654 = tpu.memref_slice %arg3[%mul3A_646] : memref<327680xi32, #tpu.memory_space<hbm>> -> memref<256xi32, #tpu.memory_space<hbm>>
      %dma_wait3A_655 = arith.constant 0 : i32
      %dma_wait3A_656 = tpu.memref_slice %arg12[%dma_wait3A_650, %dma_wait3A_655] : memref<2x256xi32, #tpu.memory_space<vmem>> -> memref<1x256xi32, #tpu.memory_space<vmem>>
      %dma_wait3A_657 = tpu.memref_squeeze %dma_wait3A_656 : memref<1x256xi32, #tpu.memory_space<vmem>> -> memref<256xi32, #tpu.memory_space<vmem>>
      %dma_wait3A_658 = tpu.memref_slice %arg3[%mul3A_646] : memref<327680xi32, #tpu.memory_space<hbm>> -> memref<256xi32, #tpu.memory_space<hbm>>
      tpu.wait_dma2 semaphore(%arg21 : memref<!tpu.dma_semaphore, #tpu.memory_space<semaphore_mem>>) src(%dma_wait3A_658 : memref<256xi32, #tpu.memory_space<hbm>>) dst(%dma_wait3A_657 : memref<256xi32, #tpu.memory_space<vmem>>)
      %dma_wait3A_659 = arith.constant 1 : i32
      %dma_wait3A_660 = arith.constant 0 : i32
      %dma_wait3A_661 = arith.constant 0 : i32
      %dma_wait3A_662 = tpu.memref_slice %arg13[%dma_wait3A_659, %dma_wait3A_660, %dma_wait3A_661] : memref<2x2x128xi32, #tpu.memory_space<vmem>> -> memref<1x2x128xi32, #tpu.memory_space<vmem>>
      %dma_wait3A_663 = tpu.memref_squeeze %dma_wait3A_662 : memref<1x2x128xi32, #tpu.memory_space<vmem>> -> memref<2x128xi32, #tpu.memory_space<vmem>>
      %dma_wait3A_664 = arith.constant 0 : i32
      %dma_wait3A_665 = tpu.memref_slice %arg4[%add3A_649, %dma_wait3A_664] : memref<2560x128xi32, #tpu.memory_space<hbm>> -> memref<2x128xi32, #tpu.memory_space<hbm>>
      %dma_wait3A_666 = arith.constant 0 : i32
      %dma_wait3A_667 = arith.constant 0 : i32
      %dma_wait3A_668 = tpu.memref_slice %arg13[%dma_wait3A_659, %dma_wait3A_666, %dma_wait3A_667] : memref<2x2x128xi32, #tpu.memory_space<vmem>> -> memref<1x2x128xi32, #tpu.memory_space<vmem>>
      %dma_wait3A_669 = tpu.memref_squeeze %dma_wait3A_668 : memref<1x2x128xi32, #tpu.memory_space<vmem>> -> memref<2x128xi32, #tpu.memory_space<vmem>>
      %dma_wait3A_670 = arith.constant 0 : i32
      %dma_wait3A_671 = tpu.memref_slice %arg4[%add3A_649, %dma_wait3A_670] : memref<2560x128xi32, #tpu.memory_space<hbm>> -> memref<2x128xi32, #tpu.memory_space<hbm>>
      tpu.wait_dma2 semaphore(%arg21 : memref<!tpu.dma_semaphore, #tpu.memory_space<semaphore_mem>>) src(%dma_wait3A_671 : memref<2x128xi32, #tpu.memory_space<hbm>>) dst(%dma_wait3A_669 : memref<2x128xi32, #tpu.memory_space<vmem>>)
      %add3A_672 = arith.constant 2 : i32
      %add3A_673 = arith.addi %add3A_571, %add3A_672 : i32
      %lt3A_674 = arith.constant 46 : i32
      %lt3A_675 = arith.cmpi slt, %add3A_673, %lt3A_674 : i32
      %convert_element_type3A_676 = arith.extui %lt3A_675 : i1 to i32
      %cond3A_677 = arith.constant 0 : i32
      %cond3A_678 = arith.cmpi ne, %convert_element_type3A_676, %cond3A_677 : i32
      scf.if %cond3A_678 {
        %dma_start3A_684 = arith.constant 1 : i32
        %dma_start3A_685 = arith.constant 1 : i32
        %dma_start3A_686 = arith.constant 0 : i32
        %dma_start3A_687 = arith.constant 0 : i32
        %dma_start3A_688 = tpu.memref_slice %arg14[%dma_start3A_685, %dma_start3A_686, %dma_start3A_687] : memref<2x256x64xf32, #tpu.memory_space<vmem>> -> memref<1x256x64xf32, #tpu.memory_space<vmem>>
        %dma_start3A_689 = tpu.memref_squeeze %dma_start3A_688 : memref<1x256x64xf32, #tpu.memory_space<vmem>> -> memref<256x64xf32, #tpu.memory_space<vmem>>
        %dma_start3A_690 = arith.constant 0 : i32
        %dma_start3A_691 = tpu.memref_slice %arg12[%dma_start3A_684, %dma_start3A_690] : memref<2x256xi32, #tpu.memory_space<vmem>> -> memref<1x256xi32, #tpu.memory_space<vmem>>
        %dma_start3A_692 = tpu.memref_squeeze %dma_start3A_691 : memref<1x256xi32, #tpu.memory_space<vmem>> -> memref<256xi32, #tpu.memory_space<vmem>>
        %dma_start3A_693 = arith.constant 0 : i32
        %dma_start3A_694 = arith.constant 0 : i32
        %dma_start3A_695 = tpu.memref_slice %arg2[%arg0, %dma_start3A_693, %dma_start3A_694] : memref<2x10240x64xf32, #tpu.memory_space<hbm>> -> memref<1x10240x64xf32, #tpu.memory_space<hbm>>
        %dma_start3A_696 = tpu.memref_squeeze %dma_start3A_695 : memref<1x10240x64xf32, #tpu.memory_space<hbm>> -> memref<10240x64xf32, #tpu.memory_space<hbm>>
        %dma_start3A_697 = arith.constant 0 : i32
        %dma_start3A_698 = arith.constant 0 : i32
        %dma_start3A_699 = tpu.memref_slice %dma_start3A_696[%dma_start3A_697, %dma_start3A_698] : memref<10240x64xf32, #tpu.memory_space<hbm>> -> memref<10240x64xf32, #tpu.memory_space<hbm>>
        tpu.enqueue_indirect_dma source(%dma_start3A_699 : memref<10240x64xf32, #tpu.memory_space<hbm>>) target(%dma_start3A_689 : memref<256x64xf32, #tpu.memory_space<vmem>>) offsets(%dma_start3A_692 : memref<256xi32, #tpu.memory_space<vmem>>) semaphore(%arg23 : memref<!tpu.dma_semaphore, #tpu.memory_space<semaphore_mem>>)
      } else {
      }
      %ge3A_679 = arith.constant 46 : i32
      %ge3A_680 = arith.cmpi sge, %add3A_673, %ge3A_679 : i32
      %convert_element_type3A_681 = arith.extui %ge3A_680 : i1 to i32
      %cond3A_682 = arith.constant 0 : i32
      %cond3A_683 = arith.cmpi ne, %convert_element_type3A_681, %cond3A_682 : i32
      scf.if %cond3A_683 {
        %dma_start3A_684 = arith.constant 1 : i32
        %dma_start3A_685 = arith.constant 1 : i32
        %dma_start3A_686 = arith.constant 0 : i32
        %dma_start3A_687 = arith.constant 0 : i32
        %dma_start3A_688 = tpu.memref_slice %arg14[%dma_start3A_685, %dma_start3A_686, %dma_start3A_687] : memref<2x256x64xf32, #tpu.memory_space<vmem>> -> memref<1x256x64xf32, #tpu.memory_space<vmem>>
        %dma_start3A_689 = tpu.memref_squeeze %dma_start3A_688 : memref<1x256x64xf32, #tpu.memory_space<vmem>> -> memref<256x64xf32, #tpu.memory_space<vmem>>
        %dma_start3A_690 = arith.constant 0 : i32
        %dma_start3A_691 = tpu.memref_slice %arg12[%dma_start3A_684, %dma_start3A_690] : memref<2x256xi32, #tpu.memory_space<vmem>> -> memref<1x256xi32, #tpu.memory_space<vmem>>
        %dma_start3A_692 = tpu.memref_squeeze %dma_start3A_691 : memref<1x256xi32, #tpu.memory_space<vmem>> -> memref<256xi32, #tpu.memory_space<vmem>>
        %dma_start3A_693 = arith.constant 0 : i32
        %dma_start3A_694 = arith.constant 0 : i32
        %dma_start3A_695 = tpu.memref_slice %arg17[%dma_start3A_693, %dma_start3A_694] : memref<10240x64xf32, #tpu.memory_space<vmem_shared>> -> memref<10240x64xf32, #tpu.memory_space<vmem_shared>>
        tpu.enqueue_indirect_dma source(%dma_start3A_695 : memref<10240x64xf32, #tpu.memory_space<vmem_shared>>) target(%dma_start3A_689 : memref<256x64xf32, #tpu.memory_space<vmem>>) offsets(%dma_start3A_692 : memref<256xi32, #tpu.memory_space<vmem>>) semaphore(%arg23 : memref<!tpu.dma_semaphore, #tpu.memory_space<semaphore_mem>>)
      } else {
      }
    }
    %scan3A_180 = arith.constant 39 : i32
    %dma_wait3A_181 = arith.constant 0 : i32
    %dma_wait3A_182 = arith.constant 0 : i32
    %dma_wait3A_183 = arith.constant 0 : i32
    %dma_wait3A_184 = arith.constant 0 : i32
    %dma_wait3A_185 = tpu.memref_slice %arg14[%dma_wait3A_182, %dma_wait3A_183, %dma_wait3A_184] : memref<2x256x64xf32, #tpu.memory_space<vmem>> -> memref<1x256x64xf32, #tpu.memory_space<vmem>>
    %dma_wait3A_186 = tpu.memref_squeeze %dma_wait3A_185 : memref<1x256x64xf32, #tpu.memory_space<vmem>> -> memref<256x64xf32, #tpu.memory_space<vmem>>
    %dma_wait3A_187 = arith.constant 0 : i32
    %dma_wait3A_188 = tpu.memref_slice %arg12[%dma_wait3A_181, %dma_wait3A_187] : memref<2x256xi32, #tpu.memory_space<vmem>> -> memref<1x256xi32, #tpu.memory_space<vmem>>
    %dma_wait3A_189 = tpu.memref_squeeze %dma_wait3A_188 : memref<1x256xi32, #tpu.memory_space<vmem>> -> memref<256xi32, #tpu.memory_space<vmem>>
    %dma_wait3A_190 = arith.constant 0 : i32
    %dma_wait3A_191 = arith.constant 0 : i32
    %dma_wait3A_192 = tpu.memref_slice %arg17[%dma_wait3A_190, %dma_wait3A_191] : memref<10240x64xf32, #tpu.memory_space<vmem_shared>> -> memref<10240x64xf32, #tpu.memory_space<vmem_shared>>
    tpu.wait_indirect_dma semaphore(%arg22 : memref<!tpu.dma_semaphore, #tpu.memory_space<semaphore_mem>>) src(%dma_wait3A_192 : memref<10240x64xf32, #tpu.memory_space<vmem_shared>>) dst(%dma_wait3A_186 : memref<256x64xf32, #tpu.memory_space<vmem>>)
    %dma_start3A_193 = arith.constant 0 : i32
    %dma_start3A_194 = arith.constant 0 : i32
    %dma_start3A_195 = arith.constant 0 : i32
    %dma_start3A_196 = arith.constant 0 : i32
    %dma_start3A_197 = arith.constant 0 : i32
    %dma_start3A_198 = tpu.memref_slice %arg14[%dma_start3A_193, %dma_start3A_196, %dma_start3A_197] : memref<2x256x64xf32, #tpu.memory_space<vmem>> -> memref<1x128x64xf32, #tpu.memory_space<vmem>>
    %dma_start3A_199 = tpu.memref_squeeze %dma_start3A_198 : memref<1x128x64xf32, #tpu.memory_space<vmem>> -> memref<128x64xf32, #tpu.memory_space<vmem>>
    %dma_start3A_200 = arith.constant 0 : i32
    %dma_start3A_201 = tpu.memref_slice %arg13[%dma_start3A_194, %dma_start3A_195, %dma_start3A_200] : memref<2x2x128xi32, #tpu.memory_space<vmem>> -> memref<1x1x128xi32, #tpu.memory_space<vmem>>
    %dma_start3A_202 = tpu.memref_squeeze %dma_start3A_201 : memref<1x1x128xi32, #tpu.memory_space<vmem>> -> memref<128xi32, #tpu.memory_space<vmem>>
    %dma_start3A_203 = arith.constant 0 : i32
    %dma_start3A_204 = arith.constant 0 : i32
    %dma_start3A_205 = tpu.memref_slice %arg18[%dma_start3A_203, %dma_start3A_204] : memref<10240x64xf32, #tpu.memory_space<vmem_shared>> -> memref<10240x64xf32, #tpu.memory_space<vmem_shared>>
    tpu.enqueue_indirect_dma source(%dma_start3A_199 : memref<128x64xf32, #tpu.memory_space<vmem>>) target(%dma_start3A_205 : memref<10240x64xf32, #tpu.memory_space<vmem_shared>>) offsets(%dma_start3A_202 : memref<128xi32, #tpu.memory_space<vmem>>) semaphore(%arg24 : memref<!tpu.dma_semaphore, #tpu.memory_space<semaphore_mem>>) {add = true}
    %dma_start3A_206 = arith.constant 0 : i32
    %dma_start3A_207 = arith.constant 0 : i32
    %dma_start3A_208 = arith.constant 1 : i32
    %dma_start3A_209 = arith.constant 128 : i32
    %dma_start3A_210 = arith.constant 0 : i32
    %dma_start3A_211 = tpu.memref_slice %arg14[%dma_start3A_206, %dma_start3A_209, %dma_start3A_210] : memref<2x256x64xf32, #tpu.memory_space<vmem>> -> memref<1x128x64xf32, #tpu.memory_space<vmem>>
    %dma_start3A_212 = tpu.memref_squeeze %dma_start3A_211 : memref<1x128x64xf32, #tpu.memory_space<vmem>> -> memref<128x64xf32, #tpu.memory_space<vmem>>
    %dma_start3A_213 = arith.constant 0 : i32
    %dma_start3A_214 = tpu.memref_slice %arg13[%dma_start3A_207, %dma_start3A_208, %dma_start3A_213] : memref<2x2x128xi32, #tpu.memory_space<vmem>> -> memref<1x1x128xi32, #tpu.memory_space<vmem>>
    %dma_start3A_215 = tpu.memref_squeeze %dma_start3A_214 : memref<1x1x128xi32, #tpu.memory_space<vmem>> -> memref<128xi32, #tpu.memory_space<vmem>>
    %dma_start3A_216 = arith.constant 0 : i32
    %dma_start3A_217 = arith.constant 0 : i32
    %dma_start3A_218 = tpu.memref_slice %arg18[%dma_start3A_216, %dma_start3A_217] : memref<10240x64xf32, #tpu.memory_space<vmem_shared>> -> memref<10240x64xf32, #tpu.memory_space<vmem_shared>>
    tpu.enqueue_indirect_dma source(%dma_start3A_212 : memref<128x64xf32, #tpu.memory_space<vmem>>) target(%dma_start3A_218 : memref<10240x64xf32, #tpu.memory_space<vmem_shared>>) offsets(%dma_start3A_215 : memref<128xi32, #tpu.memory_space<vmem>>) semaphore(%arg24 : memref<!tpu.dma_semaphore, #tpu.memory_space<semaphore_mem>>) {add = true}
    %eq3A = arith.constant 0 : i32
    %eq3A_219 = arith.cmpi eq, %arg0, %eq3A : i32
    %eq3A_220 = arith.constant false
    %eq3A_221 = arith.xori %eq3A_219, %eq3A_220 : i1
    %eq3A_222 = arith.constant true
    %eq3A_223 = arith.xori %eq3A_221, %eq3A_222 : i1
    %convert_element_type3A = arith.extui %eq3A_223 : i1 to i32
    %cond3A = arith.constant 0 : i32
    %cond3A_224 = arith.cmpi ne, %convert_element_type3A, %cond3A : i32
    scf.if %cond3A_224 {
      %dma_start3A_353 = arith.constant 0 : i32
      %dma_start3A_354 = arith.constant 0 : i32
      %dma_start3A_355 = arith.constant 0 : i32
      %dma_start3A_356 = tpu.memref_slice %arg13[%dma_start3A_353, %dma_start3A_354, %dma_start3A_355] : memref<2x2x128xi32, #tpu.memory_space<vmem>> -> memref<1x1x128xi32, #tpu.memory_space<vmem>>
      %dma_start3A_357 = tpu.memref_squeeze %dma_start3A_356 : memref<1x1x128xi32, #tpu.memory_space<vmem>> -> memref<128xi32, #tpu.memory_space<vmem>>
      %dma_start3A_358 = arith.constant 0 : i32
      %dma_start3A_359 = tpu.memref_slice %arg19[%dma_start3A_358] : memref<10240xf32, #tpu.memory_space<vmem_shared>> -> memref<10240xf32, #tpu.memory_space<vmem_shared>>
      tpu.enqueue_indirect_dma source(%arg15 : memref<128xf32, #tpu.memory_space<vmem>>) target(%dma_start3A_359 : memref<10240xf32, #tpu.memory_space<vmem_shared>>) offsets(%dma_start3A_357 : memref<128xi32, #tpu.memory_space<vmem>>) semaphore(%arg24 : memref<!tpu.dma_semaphore, #tpu.memory_space<semaphore_mem>>) {add = true}
      %dma_start3A_360 = arith.constant 0 : i32
      %dma_start3A_361 = arith.constant 1 : i32
      %dma_start3A_362 = arith.constant 0 : i32
      %dma_start3A_363 = tpu.memref_slice %arg13[%dma_start3A_360, %dma_start3A_361, %dma_start3A_362] : memref<2x2x128xi32, #tpu.memory_space<vmem>> -> memref<1x1x128xi32, #tpu.memory_space<vmem>>
      %dma_start3A_364 = tpu.memref_squeeze %dma_start3A_363 : memref<1x1x128xi32, #tpu.memory_space<vmem>> -> memref<128xi32, #tpu.memory_space<vmem>>
      %dma_start3A_365 = arith.constant 0 : i32
      %dma_start3A_366 = tpu.memref_slice %arg19[%dma_start3A_365] : memref<10240xf32, #tpu.memory_space<vmem_shared>> -> memref<10240xf32, #tpu.memory_space<vmem_shared>>
      tpu.enqueue_indirect_dma source(%arg15 : memref<128xf32, #tpu.memory_space<vmem>>) target(%dma_start3A_366 : memref<10240xf32, #tpu.memory_space<vmem_shared>>) offsets(%dma_start3A_364 : memref<128xi32, #tpu.memory_space<vmem>>) semaphore(%arg24 : memref<!tpu.dma_semaphore, #tpu.memory_space<semaphore_mem>>) {add = true}
    } else {
    }
    %dma_wait3A_225 = arith.constant 1 : i32
    %dma_wait3A_226 = arith.constant 1 : i32
    %dma_wait3A_227 = arith.constant 0 : i32
    %dma_wait3A_228 = arith.constant 0 : i32
    %dma_wait3A_229 = tpu.memref_slice %arg14[%dma_wait3A_226, %dma_wait3A_227, %dma_wait3A_228] : memref<2x256x64xf32, #tpu.memory_space<vmem>> -> memref<1x256x64xf32, #tpu.memory_space<vmem>>
    %dma_wait3A_230 = tpu.memref_squeeze %dma_wait3A_229 : memref<1x256x64xf32, #tpu.memory_space<vmem>> -> memref<256x64xf32, #tpu.memory_space<vmem>>
    %dma_wait3A_231 = arith.constant 0 : i32
    %dma_wait3A_232 = tpu.memref_slice %arg12[%dma_wait3A_225, %dma_wait3A_231] : memref<2x256xi32, #tpu.memory_space<vmem>> -> memref<1x256xi32, #tpu.memory_space<vmem>>
    %dma_wait3A_233 = tpu.memref_squeeze %dma_wait3A_232 : memref<1x256xi32, #tpu.memory_space<vmem>> -> memref<256xi32, #tpu.memory_space<vmem>>
    %dma_wait3A_234 = arith.constant 0 : i32
    %dma_wait3A_235 = arith.constant 0 : i32
    %dma_wait3A_236 = tpu.memref_slice %arg17[%dma_wait3A_234, %dma_wait3A_235] : memref<10240x64xf32, #tpu.memory_space<vmem_shared>> -> memref<10240x64xf32, #tpu.memory_space<vmem_shared>>
    tpu.wait_indirect_dma semaphore(%arg23 : memref<!tpu.dma_semaphore, #tpu.memory_space<semaphore_mem>>) src(%dma_wait3A_236 : memref<10240x64xf32, #tpu.memory_space<vmem_shared>>) dst(%dma_wait3A_230 : memref<256x64xf32, #tpu.memory_space<vmem>>)
    %dma_start3A_237 = arith.constant 1 : i32
    %dma_start3A_238 = arith.constant 1 : i32
    %dma_start3A_239 = arith.constant 0 : i32
    %dma_start3A_240 = arith.constant 0 : i32
    %dma_start3A_241 = arith.constant 0 : i32
    %dma_start3A_242 = tpu.memref_slice %arg14[%dma_start3A_237, %dma_start3A_240, %dma_start3A_241] : memref<2x256x64xf32, #tpu.memory_space<vmem>> -> memref<1x128x64xf32, #tpu.memory_space<vmem>>
    %dma_start3A_243 = tpu.memref_squeeze %dma_start3A_242 : memref<1x128x64xf32, #tpu.memory_space<vmem>> -> memref<128x64xf32, #tpu.memory_space<vmem>>
    %dma_start3A_244 = arith.constant 0 : i32
    %dma_start3A_245 = tpu.memref_slice %arg13[%dma_start3A_238, %dma_start3A_239, %dma_start3A_244] : memref<2x2x128xi32, #tpu.memory_space<vmem>> -> memref<1x1x128xi32, #tpu.memory_space<vmem>>
    %dma_start3A_246 = tpu.memref_squeeze %dma_start3A_245 : memref<1x1x128xi32, #tpu.memory_space<vmem>> -> memref<128xi32, #tpu.memory_space<vmem>>
    %dma_start3A_247 = arith.constant 0 : i32
    %dma_start3A_248 = arith.constant 0 : i32
    %dma_start3A_249 = tpu.memref_slice %arg18[%dma_start3A_247, %dma_start3A_248] : memref<10240x64xf32, #tpu.memory_space<vmem_shared>> -> memref<10240x64xf32, #tpu.memory_space<vmem_shared>>
    tpu.enqueue_indirect_dma source(%dma_start3A_243 : memref<128x64xf32, #tpu.memory_space<vmem>>) target(%dma_start3A_249 : memref<10240x64xf32, #tpu.memory_space<vmem_shared>>) offsets(%dma_start3A_246 : memref<128xi32, #tpu.memory_space<vmem>>) semaphore(%arg25 : memref<!tpu.dma_semaphore, #tpu.memory_space<semaphore_mem>>) {add = true}
    %dma_start3A_250 = arith.constant 1 : i32
    %dma_start3A_251 = arith.constant 1 : i32
    %dma_start3A_252 = arith.constant 1 : i32
    %dma_start3A_253 = arith.constant 128 : i32
    %dma_start3A_254 = arith.constant 0 : i32
    %dma_start3A_255 = tpu.memref_slice %arg14[%dma_start3A_250, %dma_start3A_253, %dma_start3A_254] : memref<2x256x64xf32, #tpu.memory_space<vmem>> -> memref<1x128x64xf32, #tpu.memory_space<vmem>>
    %dma_start3A_256 = tpu.memref_squeeze %dma_start3A_255 : memref<1x128x64xf32, #tpu.memory_space<vmem>> -> memref<128x64xf32, #tpu.memory_space<vmem>>
    %dma_start3A_257 = arith.constant 0 : i32
    %dma_start3A_258 = tpu.memref_slice %arg13[%dma_start3A_251, %dma_start3A_252, %dma_start3A_257] : memref<2x2x128xi32, #tpu.memory_space<vmem>> -> memref<1x1x128xi32, #tpu.memory_space<vmem>>
    %dma_start3A_259 = tpu.memref_squeeze %dma_start3A_258 : memref<1x1x128xi32, #tpu.memory_space<vmem>> -> memref<128xi32, #tpu.memory_space<vmem>>
    %dma_start3A_260 = arith.constant 0 : i32
    %dma_start3A_261 = arith.constant 0 : i32
    %dma_start3A_262 = tpu.memref_slice %arg18[%dma_start3A_260, %dma_start3A_261] : memref<10240x64xf32, #tpu.memory_space<vmem_shared>> -> memref<10240x64xf32, #tpu.memory_space<vmem_shared>>
    tpu.enqueue_indirect_dma source(%dma_start3A_256 : memref<128x64xf32, #tpu.memory_space<vmem>>) target(%dma_start3A_262 : memref<10240x64xf32, #tpu.memory_space<vmem_shared>>) offsets(%dma_start3A_259 : memref<128xi32, #tpu.memory_space<vmem>>) semaphore(%arg25 : memref<!tpu.dma_semaphore, #tpu.memory_space<semaphore_mem>>) {add = true}
    %eq3A_263 = arith.constant 0 : i32
    %eq3A_264 = arith.cmpi eq, %arg0, %eq3A_263 : i32
    %eq3A_265 = arith.constant false
    %eq3A_266 = arith.xori %eq3A_264, %eq3A_265 : i1
    %eq3A_267 = arith.constant true
    %eq3A_268 = arith.xori %eq3A_266, %eq3A_267 : i1
    %convert_element_type3A_269 = arith.extui %eq3A_268 : i1 to i32
    %cond3A_270 = arith.constant 0 : i32
    %cond3A_271 = arith.cmpi ne, %convert_element_type3A_269, %cond3A_270 : i32
    scf.if %cond3A_271 {
      %dma_start3A_353 = arith.constant 1 : i32
      %dma_start3A_354 = arith.constant 0 : i32
      %dma_start3A_355 = arith.constant 0 : i32
      %dma_start3A_356 = tpu.memref_slice %arg13[%dma_start3A_353, %dma_start3A_354, %dma_start3A_355] : memref<2x2x128xi32, #tpu.memory_space<vmem>> -> memref<1x1x128xi32, #tpu.memory_space<vmem>>
      %dma_start3A_357 = tpu.memref_squeeze %dma_start3A_356 : memref<1x1x128xi32, #tpu.memory_space<vmem>> -> memref<128xi32, #tpu.memory_space<vmem>>
      %dma_start3A_358 = arith.constant 0 : i32
      %dma_start3A_359 = tpu.memref_slice %arg19[%dma_start3A_358] : memref<10240xf32, #tpu.memory_space<vmem_shared>> -> memref<10240xf32, #tpu.memory_space<vmem_shared>>
      tpu.enqueue_indirect_dma source(%arg15 : memref<128xf32, #tpu.memory_space<vmem>>) target(%dma_start3A_359 : memref<10240xf32, #tpu.memory_space<vmem_shared>>) offsets(%dma_start3A_357 : memref<128xi32, #tpu.memory_space<vmem>>) semaphore(%arg25 : memref<!tpu.dma_semaphore, #tpu.memory_space<semaphore_mem>>) {add = true}
      %dma_start3A_360 = arith.constant 1 : i32
      %dma_start3A_361 = arith.constant 1 : i32
      %dma_start3A_362 = arith.constant 0 : i32
      %dma_start3A_363 = tpu.memref_slice %arg13[%dma_start3A_360, %dma_start3A_361, %dma_start3A_362] : memref<2x2x128xi32, #tpu.memory_space<vmem>> -> memref<1x1x128xi32, #tpu.memory_space<vmem>>
      %dma_start3A_364 = tpu.memref_squeeze %dma_start3A_363 : memref<1x1x128xi32, #tpu.memory_space<vmem>> -> memref<128xi32, #tpu.memory_space<vmem>>
      %dma_start3A_365 = arith.constant 0 : i32
      %dma_start3A_366 = tpu.memref_slice %arg19[%dma_start3A_365] : memref<10240xf32, #tpu.memory_space<vmem_shared>> -> memref<10240xf32, #tpu.memory_space<vmem_shared>>
      tpu.enqueue_indirect_dma source(%arg15 : memref<128xf32, #tpu.memory_space<vmem>>) target(%dma_start3A_366 : memref<10240xf32, #tpu.memory_space<vmem_shared>>) offsets(%dma_start3A_364 : memref<128xi32, #tpu.memory_space<vmem>>) semaphore(%arg25 : memref<!tpu.dma_semaphore, #tpu.memory_space<semaphore_mem>>) {add = true}
    } else {
    }
    %dma_wait3A_272 = arith.constant 0 : i32
    %dma_wait3A_273 = arith.constant 0 : i32
    %dma_wait3A_274 = arith.constant 0 : i32
    %dma_wait3A_275 = arith.constant 0 : i32
    %dma_wait3A_276 = arith.constant 0 : i32
    %dma_wait3A_277 = tpu.memref_slice %arg14[%dma_wait3A_272, %dma_wait3A_275, %dma_wait3A_276] : memref<2x256x64xf32, #tpu.memory_space<vmem>> -> memref<1x128x64xf32, #tpu.memory_space<vmem>>
    %dma_wait3A_278 = tpu.memref_squeeze %dma_wait3A_277 : memref<1x128x64xf32, #tpu.memory_space<vmem>> -> memref<128x64xf32, #tpu.memory_space<vmem>>
    %dma_wait3A_279 = arith.constant 0 : i32
    %dma_wait3A_280 = tpu.memref_slice %arg13[%dma_wait3A_273, %dma_wait3A_274, %dma_wait3A_279] : memref<2x2x128xi32, #tpu.memory_space<vmem>> -> memref<1x1x128xi32, #tpu.memory_space<vmem>>
    %dma_wait3A_281 = tpu.memref_squeeze %dma_wait3A_280 : memref<1x1x128xi32, #tpu.memory_space<vmem>> -> memref<128xi32, #tpu.memory_space<vmem>>
    %dma_wait3A_282 = arith.constant 0 : i32
    %dma_wait3A_283 = arith.constant 0 : i32
    %dma_wait3A_284 = tpu.memref_slice %arg18[%dma_wait3A_282, %dma_wait3A_283] : memref<10240x64xf32, #tpu.memory_space<vmem_shared>> -> memref<10240x64xf32, #tpu.memory_space<vmem_shared>>
    tpu.wait_indirect_dma semaphore(%arg24 : memref<!tpu.dma_semaphore, #tpu.memory_space<semaphore_mem>>) src(%dma_wait3A_278 : memref<128x64xf32, #tpu.memory_space<vmem>>) dst(%dma_wait3A_284 : memref<10240x64xf32, #tpu.memory_space<vmem_shared>>)
    %dma_wait3A_285 = arith.constant 0 : i32
    %dma_wait3A_286 = arith.constant 0 : i32
    %dma_wait3A_287 = arith.constant 1 : i32
    %dma_wait3A_288 = arith.constant 128 : i32
    %dma_wait3A_289 = arith.constant 0 : i32
    %dma_wait3A_290 = tpu.memref_slice %arg14[%dma_wait3A_285, %dma_wait3A_288, %dma_wait3A_289] : memref<2x256x64xf32, #tpu.memory_space<vmem>> -> memref<1x128x64xf32, #tpu.memory_space<vmem>>
    %dma_wait3A_291 = tpu.memref_squeeze %dma_wait3A_290 : memref<1x128x64xf32, #tpu.memory_space<vmem>> -> memref<128x64xf32, #tpu.memory_space<vmem>>
    %dma_wait3A_292 = arith.constant 0 : i32
    %dma_wait3A_293 = tpu.memref_slice %arg13[%dma_wait3A_286, %dma_wait3A_287, %dma_wait3A_292] : memref<2x2x128xi32, #tpu.memory_space<vmem>> -> memref<1x1x128xi32, #tpu.memory_space<vmem>>
    %dma_wait3A_294 = tpu.memref_squeeze %dma_wait3A_293 : memref<1x1x128xi32, #tpu.memory_space<vmem>> -> memref<128xi32, #tpu.memory_space<vmem>>
    %dma_wait3A_295 = arith.constant 0 : i32
    %dma_wait3A_296 = arith.constant 0 : i32
    %dma_wait3A_297 = tpu.memref_slice %arg18[%dma_wait3A_295, %dma_wait3A_296] : memref<10240x64xf32, #tpu.memory_space<vmem_shared>> -> memref<10240x64xf32, #tpu.memory_space<vmem_shared>>
    tpu.wait_indirect_dma semaphore(%arg24 : memref<!tpu.dma_semaphore, #tpu.memory_space<semaphore_mem>>) src(%dma_wait3A_291 : memref<128x64xf32, #tpu.memory_space<vmem>>) dst(%dma_wait3A_297 : memref<10240x64xf32, #tpu.memory_space<vmem_shared>>)
    %eq3A_298 = arith.constant 0 : i32
    %eq3A_299 = arith.cmpi eq, %arg0, %eq3A_298 : i32
    %eq3A_300 = arith.constant false
    %eq3A_301 = arith.xori %eq3A_299, %eq3A_300 : i1
    %eq3A_302 = arith.constant true
    %eq3A_303 = arith.xori %eq3A_301, %eq3A_302 : i1
    %convert_element_type3A_304 = arith.extui %eq3A_303 : i1 to i32
    %cond3A_305 = arith.constant 0 : i32
    %cond3A_306 = arith.cmpi ne, %convert_element_type3A_304, %cond3A_305 : i32
    scf.if %cond3A_306 {
      %dma_wait3A_353 = arith.constant 0 : i32
      %dma_wait3A_354 = arith.constant 0 : i32
      %dma_wait3A_355 = arith.constant 0 : i32
      %dma_wait3A_356 = tpu.memref_slice %arg13[%dma_wait3A_353, %dma_wait3A_354, %dma_wait3A_355] : memref<2x2x128xi32, #tpu.memory_space<vmem>> -> memref<1x1x128xi32, #tpu.memory_space<vmem>>
      %dma_wait3A_357 = tpu.memref_squeeze %dma_wait3A_356 : memref<1x1x128xi32, #tpu.memory_space<vmem>> -> memref<128xi32, #tpu.memory_space<vmem>>
      %dma_wait3A_358 = arith.constant 0 : i32
      %dma_wait3A_359 = tpu.memref_slice %arg19[%dma_wait3A_358] : memref<10240xf32, #tpu.memory_space<vmem_shared>> -> memref<10240xf32, #tpu.memory_space<vmem_shared>>
      tpu.wait_indirect_dma semaphore(%arg24 : memref<!tpu.dma_semaphore, #tpu.memory_space<semaphore_mem>>) src(%arg15 : memref<128xf32, #tpu.memory_space<vmem>>) dst(%dma_wait3A_359 : memref<10240xf32, #tpu.memory_space<vmem_shared>>)
      %dma_wait3A_360 = arith.constant 0 : i32
      %dma_wait3A_361 = arith.constant 1 : i32
      %dma_wait3A_362 = arith.constant 0 : i32
      %dma_wait3A_363 = tpu.memref_slice %arg13[%dma_wait3A_360, %dma_wait3A_361, %dma_wait3A_362] : memref<2x2x128xi32, #tpu.memory_space<vmem>> -> memref<1x1x128xi32, #tpu.memory_space<vmem>>
      %dma_wait3A_364 = tpu.memref_squeeze %dma_wait3A_363 : memref<1x1x128xi32, #tpu.memory_space<vmem>> -> memref<128xi32, #tpu.memory_space<vmem>>
      %dma_wait3A_365 = arith.constant 0 : i32
      %dma_wait3A_366 = tpu.memref_slice %arg19[%dma_wait3A_365] : memref<10240xf32, #tpu.memory_space<vmem_shared>> -> memref<10240xf32, #tpu.memory_space<vmem_shared>>
      tpu.wait_indirect_dma semaphore(%arg24 : memref<!tpu.dma_semaphore, #tpu.memory_space<semaphore_mem>>) src(%arg15 : memref<128xf32, #tpu.memory_space<vmem>>) dst(%dma_wait3A_366 : memref<10240xf32, #tpu.memory_space<vmem_shared>>)
    } else {
    }
    %dma_wait3A_307 = arith.constant 1 : i32
    %dma_wait3A_308 = arith.constant 1 : i32
    %dma_wait3A_309 = arith.constant 0 : i32
    %dma_wait3A_310 = arith.constant 0 : i32
    %dma_wait3A_311 = arith.constant 0 : i32
    %dma_wait3A_312 = tpu.memref_slice %arg14[%dma_wait3A_307, %dma_wait3A_310, %dma_wait3A_311] : memref<2x256x64xf32, #tpu.memory_space<vmem>> -> memref<1x128x64xf32, #tpu.memory_space<vmem>>
    %dma_wait3A_313 = tpu.memref_squeeze %dma_wait3A_312 : memref<1x128x64xf32, #tpu.memory_space<vmem>> -> memref<128x64xf32, #tpu.memory_space<vmem>>
    %dma_wait3A_314 = arith.constant 0 : i32
    %dma_wait3A_315 = tpu.memref_slice %arg13[%dma_wait3A_308, %dma_wait3A_309, %dma_wait3A_314] : memref<2x2x128xi32, #tpu.memory_space<vmem>> -> memref<1x1x128xi32, #tpu.memory_space<vmem>>
    %dma_wait3A_316 = tpu.memref_squeeze %dma_wait3A_315 : memref<1x1x128xi32, #tpu.memory_space<vmem>> -> memref<128xi32, #tpu.memory_space<vmem>>
    %dma_wait3A_317 = arith.constant 0 : i32
    %dma_wait3A_318 = arith.constant 0 : i32
    %dma_wait3A_319 = tpu.memref_slice %arg18[%dma_wait3A_317, %dma_wait3A_318] : memref<10240x64xf32, #tpu.memory_space<vmem_shared>> -> memref<10240x64xf32, #tpu.memory_space<vmem_shared>>
    tpu.wait_indirect_dma semaphore(%arg25 : memref<!tpu.dma_semaphore, #tpu.memory_space<semaphore_mem>>) src(%dma_wait3A_313 : memref<128x64xf32, #tpu.memory_space<vmem>>) dst(%dma_wait3A_319 : memref<10240x64xf32, #tpu.memory_space<vmem_shared>>)
    %dma_wait3A_320 = arith.constant 1 : i32
    %dma_wait3A_321 = arith.constant 1 : i32
    %dma_wait3A_322 = arith.constant 1 : i32
    %dma_wait3A_323 = arith.constant 128 : i32
    %dma_wait3A_324 = arith.constant 0 : i32
    %dma_wait3A_325 = tpu.memref_slice %arg14[%dma_wait3A_320, %dma_wait3A_323, %dma_wait3A_324] : memref<2x256x64xf32, #tpu.memory_space<vmem>> -> memref<1x128x64xf32, #tpu.memory_space<vmem>>
    %dma_wait3A_326 = tpu.memref_squeeze %dma_wait3A_325 : memref<1x128x64xf32, #tpu.memory_space<vmem>> -> memref<128x64xf32, #tpu.memory_space<vmem>>
    %dma_wait3A_327 = arith.constant 0 : i32
    %dma_wait3A_328 = tpu.memref_slice %arg13[%dma_wait3A_321, %dma_wait3A_322, %dma_wait3A_327] : memref<2x2x128xi32, #tpu.memory_space<vmem>> -> memref<1x1x128xi32, #tpu.memory_space<vmem>>
    %dma_wait3A_329 = tpu.memref_squeeze %dma_wait3A_328 : memref<1x1x128xi32, #tpu.memory_space<vmem>> -> memref<128xi32, #tpu.memory_space<vmem>>
    %dma_wait3A_330 = arith.constant 0 : i32
    %dma_wait3A_331 = arith.constant 0 : i32
    %dma_wait3A_332 = tpu.memref_slice %arg18[%dma_wait3A_330, %dma_wait3A_331] : memref<10240x64xf32, #tpu.memory_space<vmem_shared>> -> memref<10240x64xf32, #tpu.memory_space<vmem_shared>>
    tpu.wait_indirect_dma semaphore(%arg25 : memref<!tpu.dma_semaphore, #tpu.memory_space<semaphore_mem>>) src(%dma_wait3A_326 : memref<128x64xf32, #tpu.memory_space<vmem>>) dst(%dma_wait3A_332 : memref<10240x64xf32, #tpu.memory_space<vmem_shared>>)
    %eq3A_333 = arith.constant 0 : i32
    %eq3A_334 = arith.cmpi eq, %arg0, %eq3A_333 : i32
    %eq3A_335 = arith.constant false
    %eq3A_336 = arith.xori %eq3A_334, %eq3A_335 : i1
    %eq3A_337 = arith.constant true
    %eq3A_338 = arith.xori %eq3A_336, %eq3A_337 : i1
    %convert_element_type3A_339 = arith.extui %eq3A_338 : i1 to i32
    %cond3A_340 = arith.constant 0 : i32
    %cond3A_341 = arith.cmpi ne, %convert_element_type3A_339, %cond3A_340 : i32
    scf.if %cond3A_341 {
      %dma_wait3A_353 = arith.constant 1 : i32
      %dma_wait3A_354 = arith.constant 0 : i32
      %dma_wait3A_355 = arith.constant 0 : i32
      %dma_wait3A_356 = tpu.memref_slice %arg13[%dma_wait3A_353, %dma_wait3A_354, %dma_wait3A_355] : memref<2x2x128xi32, #tpu.memory_space<vmem>> -> memref<1x1x128xi32, #tpu.memory_space<vmem>>
      %dma_wait3A_357 = tpu.memref_squeeze %dma_wait3A_356 : memref<1x1x128xi32, #tpu.memory_space<vmem>> -> memref<128xi32, #tpu.memory_space<vmem>>
      %dma_wait3A_358 = arith.constant 0 : i32
      %dma_wait3A_359 = tpu.memref_slice %arg19[%dma_wait3A_358] : memref<10240xf32, #tpu.memory_space<vmem_shared>> -> memref<10240xf32, #tpu.memory_space<vmem_shared>>
      tpu.wait_indirect_dma semaphore(%arg25 : memref<!tpu.dma_semaphore, #tpu.memory_space<semaphore_mem>>) src(%arg15 : memref<128xf32, #tpu.memory_space<vmem>>) dst(%dma_wait3A_359 : memref<10240xf32, #tpu.memory_space<vmem_shared>>)
      %dma_wait3A_360 = arith.constant 1 : i32
      %dma_wait3A_361 = arith.constant 1 : i32
      %dma_wait3A_362 = arith.constant 0 : i32
      %dma_wait3A_363 = tpu.memref_slice %arg13[%dma_wait3A_360, %dma_wait3A_361, %dma_wait3A_362] : memref<2x2x128xi32, #tpu.memory_space<vmem>> -> memref<1x1x128xi32, #tpu.memory_space<vmem>>
      %dma_wait3A_364 = tpu.memref_squeeze %dma_wait3A_363 : memref<1x1x128xi32, #tpu.memory_space<vmem>> -> memref<128xi32, #tpu.memory_space<vmem>>
      %dma_wait3A_365 = arith.constant 0 : i32
      %dma_wait3A_366 = tpu.memref_slice %arg19[%dma_wait3A_365] : memref<10240xf32, #tpu.memory_space<vmem_shared>> -> memref<10240xf32, #tpu.memory_space<vmem_shared>>
      tpu.wait_indirect_dma semaphore(%arg25 : memref<!tpu.dma_semaphore, #tpu.memory_space<semaphore_mem>>) src(%arg15 : memref<128xf32, #tpu.memory_space<vmem>>) dst(%dma_wait3A_366 : memref<10240xf32, #tpu.memory_space<vmem_shared>>)
    } else {
    }
    %barrier3A_342 = arith.constant 0 : index
    tpu.barrier barrier_id(%barrier3A_342)
    %eq3A_343 = arith.constant 0 : i32
    %eq3A_344 = arith.cmpi eq, %arg0, %eq3A_343 : i32
    %convert_element_type3A_345 = arith.extui %eq3A_344 : i1 to i32
    %cond3A_346 = arith.constant 0 : i32
    %cond3A_347 = arith.cmpi ne, %convert_element_type3A_345, %cond3A_346 : i32
    scf.if %cond3A_347 {
      %add3A_353 = arith.constant 0 : i32
      %add3A_354 = arith.addi %mul3A_0, %add3A_353 : i32
      %run_scoped3A_355 = arith.constant 0 : i32
      "tpu.region"() ({
        %run_scoped3A_383 = tpu.sem_alloc : memref<!tpu.dma_semaphore, #tpu.memory_space<semaphore_mem>>
        %dma_start3A_384 = arith.constant 0 : i32
        %dma_start3A_385 = arith.constant 0 : i32
        %dma_start3A_386 = tpu.memref_slice %arg14[%run_scoped3A_355, %dma_start3A_384, %dma_start3A_385] : memref<2x256x64xf32, #tpu.memory_space<vmem>> -> memref<1x128x64xf32, #tpu.memory_space<vmem>>
        %dma_start3A_387 = tpu.memref_squeeze %dma_start3A_386 : memref<1x128x64xf32, #tpu.memory_space<vmem>> -> memref<128x64xf32, #tpu.memory_space<vmem>>
        %dma_start3A_388 = arith.constant 0 : i32
        %dma_start3A_389 = tpu.memref_slice %arg18[%add3A_354, %dma_start3A_388] : memref<10240x64xf32, #tpu.memory_space<vmem_shared>> -> memref<128x64xf32, #tpu.memory_space<vmem_shared>>
        %dma_start3A_390 = arith.constant 0 : i32
        %dma_start3A_391 = arith.constant 0 : i32
        %dma_start3A_392 = tpu.memref_slice %arg14[%run_scoped3A_355, %dma_start3A_390, %dma_start3A_391] : memref<2x256x64xf32, #tpu.memory_space<vmem>> -> memref<1x128x64xf32, #tpu.memory_space<vmem>>
        %dma_start3A_393 = tpu.memref_squeeze %dma_start3A_392 : memref<1x128x64xf32, #tpu.memory_space<vmem>> -> memref<128x64xf32, #tpu.memory_space<vmem>>
        %dma_start3A_394 = arith.constant 0 : i32
        %dma_start3A_395 = tpu.memref_slice %arg18[%add3A_354, %dma_start3A_394] : memref<10240x64xf32, #tpu.memory_space<vmem_shared>> -> memref<128x64xf32, #tpu.memory_space<vmem_shared>>
        tpu.enqueue_dma source(%dma_start3A_395 : memref<128x64xf32, #tpu.memory_space<vmem_shared>>) target(%dma_start3A_393 : memref<128x64xf32, #tpu.memory_space<vmem>>) target_semaphore(%run_scoped3A_383 : memref<!tpu.dma_semaphore, #tpu.memory_space<semaphore_mem>>)
        %dma_wait3A_396 = arith.constant 0 : i32
        %dma_wait3A_397 = arith.constant 0 : i32
        %dma_wait3A_398 = tpu.memref_slice %arg14[%run_scoped3A_355, %dma_wait3A_396, %dma_wait3A_397] : memref<2x256x64xf32, #tpu.memory_space<vmem>> -> memref<1x128x64xf32, #tpu.memory_space<vmem>>
        %dma_wait3A_399 = tpu.memref_squeeze %dma_wait3A_398 : memref<1x128x64xf32, #tpu.memory_space<vmem>> -> memref<128x64xf32, #tpu.memory_space<vmem>>
        %dma_wait3A_400 = arith.constant 0 : i32
        %dma_wait3A_401 = tpu.memref_slice %arg18[%add3A_354, %dma_wait3A_400] : memref<10240x64xf32, #tpu.memory_space<vmem_shared>> -> memref<128x64xf32, #tpu.memory_space<vmem_shared>>
        %dma_wait3A_402 = arith.constant 0 : i32
        %dma_wait3A_403 = arith.constant 0 : i32
        %dma_wait3A_404 = tpu.memref_slice %arg14[%run_scoped3A_355, %dma_wait3A_402, %dma_wait3A_403] : memref<2x256x64xf32, #tpu.memory_space<vmem>> -> memref<1x128x64xf32, #tpu.memory_space<vmem>>
        %dma_wait3A_405 = tpu.memref_squeeze %dma_wait3A_404 : memref<1x128x64xf32, #tpu.memory_space<vmem>> -> memref<128x64xf32, #tpu.memory_space<vmem>>
        %dma_wait3A_406 = arith.constant 0 : i32
        %dma_wait3A_407 = tpu.memref_slice %arg18[%add3A_354, %dma_wait3A_406] : memref<10240x64xf32, #tpu.memory_space<vmem_shared>> -> memref<128x64xf32, #tpu.memory_space<vmem_shared>>
        tpu.wait_dma2 semaphore(%run_scoped3A_383 : memref<!tpu.dma_semaphore, #tpu.memory_space<semaphore_mem>>) src(%dma_wait3A_407 : memref<128x64xf32, #tpu.memory_space<vmem_shared>>) dst(%dma_wait3A_405 : memref<128x64xf32, #tpu.memory_space<vmem>>)
        tpu.yield
      }) : () -> ()
      %add3A_356 = arith.constant 0 : i32
      %add3A_357 = arith.addi %mul3A_0, %add3A_356 : i32
      %run_scoped3A_358 = arith.constant 0 : i32
      "tpu.region"() ({
        %run_scoped3A_383 = tpu.sem_alloc : memref<!tpu.dma_semaphore, #tpu.memory_space<semaphore_mem>>
        %dma_start3A_384 = arith.constant 0 : i32
        %dma_start3A_385 = arith.constant 0 : i32
        %dma_start3A_386 = tpu.memref_slice %arg14[%run_scoped3A_358, %dma_start3A_384, %dma_start3A_385] : memref<2x256x64xf32, #tpu.memory_space<vmem>> -> memref<1x128x64xf32, #tpu.memory_space<vmem>>
        %dma_start3A_387 = tpu.memref_squeeze %dma_start3A_386 : memref<1x128x64xf32, #tpu.memory_space<vmem>> -> memref<128x64xf32, #tpu.memory_space<vmem>>
        %dma_start3A_388 = arith.constant 0 : i32
        %dma_start3A_389 = tpu.memref_slice %arg8[%add3A_357, %dma_start3A_388] : memref<10240x64xf32, #tpu.memory_space<hbm>> -> memref<128x64xf32, #tpu.memory_space<hbm>>
        %dma_start3A_390 = arith.constant 0 : i32
        %dma_start3A_391 = tpu.memref_slice %arg8[%add3A_357, %dma_start3A_390] : memref<10240x64xf32, #tpu.memory_space<hbm>> -> memref<128x64xf32, #tpu.memory_space<hbm>>
        %dma_start3A_392 = arith.constant 0 : i32
        %dma_start3A_393 = arith.constant 0 : i32
        %dma_start3A_394 = tpu.memref_slice %arg14[%run_scoped3A_358, %dma_start3A_392, %dma_start3A_393] : memref<2x256x64xf32, #tpu.memory_space<vmem>> -> memref<1x128x64xf32, #tpu.memory_space<vmem>>
        %dma_start3A_395 = tpu.memref_squeeze %dma_start3A_394 : memref<1x128x64xf32, #tpu.memory_space<vmem>> -> memref<128x64xf32, #tpu.memory_space<vmem>>
        tpu.enqueue_dma source(%dma_start3A_395 : memref<128x64xf32, #tpu.memory_space<vmem>>) target(%dma_start3A_391 : memref<128x64xf32, #tpu.memory_space<hbm>>) target_semaphore(%run_scoped3A_383 : memref<!tpu.dma_semaphore, #tpu.memory_space<semaphore_mem>>)
        %dma_wait3A_396 = arith.constant 0 : i32
        %dma_wait3A_397 = arith.constant 0 : i32
        %dma_wait3A_398 = tpu.memref_slice %arg14[%run_scoped3A_358, %dma_wait3A_396, %dma_wait3A_397] : memref<2x256x64xf32, #tpu.memory_space<vmem>> -> memref<1x128x64xf32, #tpu.memory_space<vmem>>
        %dma_wait3A_399 = tpu.memref_squeeze %dma_wait3A_398 : memref<1x128x64xf32, #tpu.memory_space<vmem>> -> memref<128x64xf32, #tpu.memory_space<vmem>>
        %dma_wait3A_400 = arith.constant 0 : i32
        %dma_wait3A_401 = tpu.memref_slice %arg8[%add3A_357, %dma_wait3A_400] : memref<10240x64xf32, #tpu.memory_space<hbm>> -> memref<128x64xf32, #tpu.memory_space<hbm>>
        %dma_wait3A_402 = arith.constant 0 : i32
        %dma_wait3A_403 = tpu.memref_slice %arg8[%add3A_357, %dma_wait3A_402] : memref<10240x64xf32, #tpu.memory_space<hbm>> -> memref<128x64xf32, #tpu.memory_space<hbm>>
        %dma_wait3A_404 = arith.constant 0 : i32
        %dma_wait3A_405 = arith.constant 0 : i32
        %dma_wait3A_406 = tpu.memref_slice %arg14[%run_scoped3A_358, %dma_wait3A_404, %dma_wait3A_405] : memref<2x256x64xf32, #tpu.memory_space<vmem>> -> memref<1x128x64xf32, #tpu.memory_space<vmem>>
        %dma_wait3A_407 = tpu.memref_squeeze %dma_wait3A_406 : memref<1x128x64xf32, #tpu.memory_space<vmem>> -> memref<128x64xf32, #tpu.memory_space<vmem>>
        tpu.wait_dma2 semaphore(%run_scoped3A_383 : memref<!tpu.dma_semaphore, #tpu.memory_space<semaphore_mem>>) src(%dma_wait3A_407 : memref<128x64xf32, #tpu.memory_space<vmem>>) dst(%dma_wait3A_403 : memref<128x64xf32, #tpu.memory_space<hbm>>)
        tpu.yield
      }) : () -> ()
      %add3A_359 = arith.constant 128 : i32
      %add3A_360 = arith.addi %mul3A_0, %add3A_359 : i32
      %run_scoped3A_361 = arith.constant 0 : i32
      "tpu.region"() ({
        %run_scoped3A_383 = tpu.sem_alloc : memref<!tpu.dma_semaphore, #tpu.memory_space<semaphore_mem>>
        %dma_start3A_384 = arith.constant 0 : i32
        %dma_start3A_385 = arith.constant 0 : i32
        %dma_start3A_386 = tpu.memref_slice %arg14[%run_scoped3A_361, %dma_start3A_384, %dma_start3A_385] : memref<2x256x64xf32, #tpu.memory_space<vmem>> -> memref<1x128x64xf32, #tpu.memory_space<vmem>>
        %dma_start3A_387 = tpu.memref_squeeze %dma_start3A_386 : memref<1x128x64xf32, #tpu.memory_space<vmem>> -> memref<128x64xf32, #tpu.memory_space<vmem>>
        %dma_start3A_388 = arith.constant 0 : i32
        %dma_start3A_389 = tpu.memref_slice %arg18[%add3A_360, %dma_start3A_388] : memref<10240x64xf32, #tpu.memory_space<vmem_shared>> -> memref<128x64xf32, #tpu.memory_space<vmem_shared>>
        %dma_start3A_390 = arith.constant 0 : i32
        %dma_start3A_391 = arith.constant 0 : i32
        %dma_start3A_392 = tpu.memref_slice %arg14[%run_scoped3A_361, %dma_start3A_390, %dma_start3A_391] : memref<2x256x64xf32, #tpu.memory_space<vmem>> -> memref<1x128x64xf32, #tpu.memory_space<vmem>>
        %dma_start3A_393 = tpu.memref_squeeze %dma_start3A_392 : memref<1x128x64xf32, #tpu.memory_space<vmem>> -> memref<128x64xf32, #tpu.memory_space<vmem>>
        %dma_start3A_394 = arith.constant 0 : i32
        %dma_start3A_395 = tpu.memref_slice %arg18[%add3A_360, %dma_start3A_394] : memref<10240x64xf32, #tpu.memory_space<vmem_shared>> -> memref<128x64xf32, #tpu.memory_space<vmem_shared>>
        tpu.enqueue_dma source(%dma_start3A_395 : memref<128x64xf32, #tpu.memory_space<vmem_shared>>) target(%dma_start3A_393 : memref<128x64xf32, #tpu.memory_space<vmem>>) target_semaphore(%run_scoped3A_383 : memref<!tpu.dma_semaphore, #tpu.memory_space<semaphore_mem>>)
        %dma_wait3A_396 = arith.constant 0 : i32
        %dma_wait3A_397 = arith.constant 0 : i32
        %dma_wait3A_398 = tpu.memref_slice %arg14[%run_scoped3A_361, %dma_wait3A_396, %dma_wait3A_397] : memref<2x256x64xf32, #tpu.memory_space<vmem>> -> memref<1x128x64xf32, #tpu.memory_space<vmem>>
        %dma_wait3A_399 = tpu.memref_squeeze %dma_wait3A_398 : memref<1x128x64xf32, #tpu.memory_space<vmem>> -> memref<128x64xf32, #tpu.memory_space<vmem>>
        %dma_wait3A_400 = arith.constant 0 : i32
        %dma_wait3A_401 = tpu.memref_slice %arg18[%add3A_360, %dma_wait3A_400] : memref<10240x64xf32, #tpu.memory_space<vmem_shared>> -> memref<128x64xf32, #tpu.memory_space<vmem_shared>>
        %dma_wait3A_402 = arith.constant 0 : i32
        %dma_wait3A_403 = arith.constant 0 : i32
        %dma_wait3A_404 = tpu.memref_slice %arg14[%run_scoped3A_361, %dma_wait3A_402, %dma_wait3A_403] : memref<2x256x64xf32, #tpu.memory_space<vmem>> -> memref<1x128x64xf32, #tpu.memory_space<vmem>>
        %dma_wait3A_405 = tpu.memref_squeeze %dma_wait3A_404 : memref<1x128x64xf32, #tpu.memory_space<vmem>> -> memref<128x64xf32, #tpu.memory_space<vmem>>
        %dma_wait3A_406 = arith.constant 0 : i32
        %dma_wait3A_407 = tpu.memref_slice %arg18[%add3A_360, %dma_wait3A_406] : memref<10240x64xf32, #tpu.memory_space<vmem_shared>> -> memref<128x64xf32, #tpu.memory_space<vmem_shared>>
        tpu.wait_dma2 semaphore(%run_scoped3A_383 : memref<!tpu.dma_semaphore, #tpu.memory_space<semaphore_mem>>) src(%dma_wait3A_407 : memref<128x64xf32, #tpu.memory_space<vmem_shared>>) dst(%dma_wait3A_405 : memref<128x64xf32, #tpu.memory_space<vmem>>)
        tpu.yield
      }) : () -> ()
      %add3A_362 = arith.constant 128 : i32
      %add3A_363 = arith.addi %mul3A_0, %add3A_362 : i32
      %run_scoped3A_364 = arith.constant 0 : i32
      "tpu.region"() ({
        %run_scoped3A_383 = tpu.sem_alloc : memref<!tpu.dma_semaphore, #tpu.memory_space<semaphore_mem>>
        %dma_start3A_384 = arith.constant 0 : i32
        %dma_start3A_385 = arith.constant 0 : i32
        %dma_start3A_386 = tpu.memref_slice %arg14[%run_scoped3A_364, %dma_start3A_384, %dma_start3A_385] : memref<2x256x64xf32, #tpu.memory_space<vmem>> -> memref<1x128x64xf32, #tpu.memory_space<vmem>>
        %dma_start3A_387 = tpu.memref_squeeze %dma_start3A_386 : memref<1x128x64xf32, #tpu.memory_space<vmem>> -> memref<128x64xf32, #tpu.memory_space<vmem>>
        %dma_start3A_388 = arith.constant 0 : i32
        %dma_start3A_389 = tpu.memref_slice %arg8[%add3A_363, %dma_start3A_388] : memref<10240x64xf32, #tpu.memory_space<hbm>> -> memref<128x64xf32, #tpu.memory_space<hbm>>
        %dma_start3A_390 = arith.constant 0 : i32
        %dma_start3A_391 = tpu.memref_slice %arg8[%add3A_363, %dma_start3A_390] : memref<10240x64xf32, #tpu.memory_space<hbm>> -> memref<128x64xf32, #tpu.memory_space<hbm>>
        %dma_start3A_392 = arith.constant 0 : i32
        %dma_start3A_393 = arith.constant 0 : i32
        %dma_start3A_394 = tpu.memref_slice %arg14[%run_scoped3A_364, %dma_start3A_392, %dma_start3A_393] : memref<2x256x64xf32, #tpu.memory_space<vmem>> -> memref<1x128x64xf32, #tpu.memory_space<vmem>>
        %dma_start3A_395 = tpu.memref_squeeze %dma_start3A_394 : memref<1x128x64xf32, #tpu.memory_space<vmem>> -> memref<128x64xf32, #tpu.memory_space<vmem>>
        tpu.enqueue_dma source(%dma_start3A_395 : memref<128x64xf32, #tpu.memory_space<vmem>>) target(%dma_start3A_391 : memref<128x64xf32, #tpu.memory_space<hbm>>) target_semaphore(%run_scoped3A_383 : memref<!tpu.dma_semaphore, #tpu.memory_space<semaphore_mem>>)
        %dma_wait3A_396 = arith.constant 0 : i32
        %dma_wait3A_397 = arith.constant 0 : i32
        %dma_wait3A_398 = tpu.memref_slice %arg14[%run_scoped3A_364, %dma_wait3A_396, %dma_wait3A_397] : memref<2x256x64xf32, #tpu.memory_space<vmem>> -> memref<1x128x64xf32, #tpu.memory_space<vmem>>
        %dma_wait3A_399 = tpu.memref_squeeze %dma_wait3A_398 : memref<1x128x64xf32, #tpu.memory_space<vmem>> -> memref<128x64xf32, #tpu.memory_space<vmem>>
        %dma_wait3A_400 = arith.constant 0 : i32
        %dma_wait3A_401 = tpu.memref_slice %arg8[%add3A_363, %dma_wait3A_400] : memref<10240x64xf32, #tpu.memory_space<hbm>> -> memref<128x64xf32, #tpu.memory_space<hbm>>
        %dma_wait3A_402 = arith.constant 0 : i32
        %dma_wait3A_403 = tpu.memref_slice %arg8[%add3A_363, %dma_wait3A_402] : memref<10240x64xf32, #tpu.memory_space<hbm>> -> memref<128x64xf32, #tpu.memory_space<hbm>>
        %dma_wait3A_404 = arith.constant 0 : i32
        %dma_wait3A_405 = arith.constant 0 : i32
        %dma_wait3A_406 = tpu.memref_slice %arg14[%run_scoped3A_364, %dma_wait3A_404, %dma_wait3A_405] : memref<2x256x64xf32, #tpu.memory_space<vmem>> -> memref<1x128x64xf32, #tpu.memory_space<vmem>>
        %dma_wait3A_407 = tpu.memref_squeeze %dma_wait3A_406 : memref<1x128x64xf32, #tpu.memory_space<vmem>> -> memref<128x64xf32, #tpu.memory_space<vmem>>
        tpu.wait_dma2 semaphore(%run_scoped3A_383 : memref<!tpu.dma_semaphore, #tpu.memory_space<semaphore_mem>>) src(%dma_wait3A_407 : memref<128x64xf32, #tpu.memory_space<vmem>>) dst(%dma_wait3A_403 : memref<128x64xf32, #tpu.memory_space<hbm>>)
        tpu.yield
      }) : () -> ()
      %add3A_365 = arith.constant 256 : i32
      %add3A_366 = arith.addi %mul3A_0, %add3A_365 : i32
      %run_scoped3A_367 = arith.constant 0 : i32
      "tpu.region"() ({
        %run_scoped3A_383 = tpu.sem_alloc : memref<!tpu.dma_semaphore, #tpu.memory_space<semaphore_mem>>
        %dma_start3A_384 = arith.constant 0 : i32
        %dma_start3A_385 = arith.constant 0 : i32
        %dma_start3A_386 = tpu.memref_slice %arg14[%run_scoped3A_367, %dma_start3A_384, %dma_start3A_385] : memref<2x256x64xf32, #tpu.memory_space<vmem>> -> memref<1x128x64xf32, #tpu.memory_space<vmem>>
        %dma_start3A_387 = tpu.memref_squeeze %dma_start3A_386 : memref<1x128x64xf32, #tpu.memory_space<vmem>> -> memref<128x64xf32, #tpu.memory_space<vmem>>
        %dma_start3A_388 = arith.constant 0 : i32
        %dma_start3A_389 = tpu.memref_slice %arg18[%add3A_366, %dma_start3A_388] : memref<10240x64xf32, #tpu.memory_space<vmem_shared>> -> memref<128x64xf32, #tpu.memory_space<vmem_shared>>
        %dma_start3A_390 = arith.constant 0 : i32
        %dma_start3A_391 = arith.constant 0 : i32
        %dma_start3A_392 = tpu.memref_slice %arg14[%run_scoped3A_367, %dma_start3A_390, %dma_start3A_391] : memref<2x256x64xf32, #tpu.memory_space<vmem>> -> memref<1x128x64xf32, #tpu.memory_space<vmem>>
        %dma_start3A_393 = tpu.memref_squeeze %dma_start3A_392 : memref<1x128x64xf32, #tpu.memory_space<vmem>> -> memref<128x64xf32, #tpu.memory_space<vmem>>
        %dma_start3A_394 = arith.constant 0 : i32
        %dma_start3A_395 = tpu.memref_slice %arg18[%add3A_366, %dma_start3A_394] : memref<10240x64xf32, #tpu.memory_space<vmem_shared>> -> memref<128x64xf32, #tpu.memory_space<vmem_shared>>
        tpu.enqueue_dma source(%dma_start3A_395 : memref<128x64xf32, #tpu.memory_space<vmem_shared>>) target(%dma_start3A_393 : memref<128x64xf32, #tpu.memory_space<vmem>>) target_semaphore(%run_scoped3A_383 : memref<!tpu.dma_semaphore, #tpu.memory_space<semaphore_mem>>)
        %dma_wait3A_396 = arith.constant 0 : i32
        %dma_wait3A_397 = arith.constant 0 : i32
        %dma_wait3A_398 = tpu.memref_slice %arg14[%run_scoped3A_367, %dma_wait3A_396, %dma_wait3A_397] : memref<2x256x64xf32, #tpu.memory_space<vmem>> -> memref<1x128x64xf32, #tpu.memory_space<vmem>>
        %dma_wait3A_399 = tpu.memref_squeeze %dma_wait3A_398 : memref<1x128x64xf32, #tpu.memory_space<vmem>> -> memref<128x64xf32, #tpu.memory_space<vmem>>
        %dma_wait3A_400 = arith.constant 0 : i32
        %dma_wait3A_401 = tpu.memref_slice %arg18[%add3A_366, %dma_wait3A_400] : memref<10240x64xf32, #tpu.memory_space<vmem_shared>> -> memref<128x64xf32, #tpu.memory_space<vmem_shared>>
        %dma_wait3A_402 = arith.constant 0 : i32
        %dma_wait3A_403 = arith.constant 0 : i32
        %dma_wait3A_404 = tpu.memref_slice %arg14[%run_scoped3A_367, %dma_wait3A_402, %dma_wait3A_403] : memref<2x256x64xf32, #tpu.memory_space<vmem>> -> memref<1x128x64xf32, #tpu.memory_space<vmem>>
        %dma_wait3A_405 = tpu.memref_squeeze %dma_wait3A_404 : memref<1x128x64xf32, #tpu.memory_space<vmem>> -> memref<128x64xf32, #tpu.memory_space<vmem>>
        %dma_wait3A_406 = arith.constant 0 : i32
        %dma_wait3A_407 = tpu.memref_slice %arg18[%add3A_366, %dma_wait3A_406] : memref<10240x64xf32, #tpu.memory_space<vmem_shared>> -> memref<128x64xf32, #tpu.memory_space<vmem_shared>>
        tpu.wait_dma2 semaphore(%run_scoped3A_383 : memref<!tpu.dma_semaphore, #tpu.memory_space<semaphore_mem>>) src(%dma_wait3A_407 : memref<128x64xf32, #tpu.memory_space<vmem_shared>>) dst(%dma_wait3A_405 : memref<128x64xf32, #tpu.memory_space<vmem>>)
        tpu.yield
      }) : () -> ()
      %add3A_368 = arith.constant 256 : i32
      %add3A_369 = arith.addi %mul3A_0, %add3A_368 : i32
      %run_scoped3A_370 = arith.constant 0 : i32
      "tpu.region"() ({
        %run_scoped3A_383 = tpu.sem_alloc : memref<!tpu.dma_semaphore, #tpu.memory_space<semaphore_mem>>
        %dma_start3A_384 = arith.constant 0 : i32
        %dma_start3A_385 = arith.constant 0 : i32
        %dma_start3A_386 = tpu.memref_slice %arg14[%run_scoped3A_370, %dma_start3A_384, %dma_start3A_385] : memref<2x256x64xf32, #tpu.memory_space<vmem>> -> memref<1x128x64xf32, #tpu.memory_space<vmem>>
        %dma_start3A_387 = tpu.memref_squeeze %dma_start3A_386 : memref<1x128x64xf32, #tpu.memory_space<vmem>> -> memref<128x64xf32, #tpu.memory_space<vmem>>
        %dma_start3A_388 = arith.constant 0 : i32
        %dma_start3A_389 = tpu.memref_slice %arg8[%add3A_369, %dma_start3A_388] : memref<10240x64xf32, #tpu.memory_space<hbm>> -> memref<128x64xf32, #tpu.memory_space<hbm>>
        %dma_start3A_390 = arith.constant 0 : i32
        %dma_start3A_391 = tpu.memref_slice %arg8[%add3A_369, %dma_start3A_390] : memref<10240x64xf32, #tpu.memory_space<hbm>> -> memref<128x64xf32, #tpu.memory_space<hbm>>
        %dma_start3A_392 = arith.constant 0 : i32
        %dma_start3A_393 = arith.constant 0 : i32
        %dma_start3A_394 = tpu.memref_slice %arg14[%run_scoped3A_370, %dma_start3A_392, %dma_start3A_393] : memref<2x256x64xf32, #tpu.memory_space<vmem>> -> memref<1x128x64xf32, #tpu.memory_space<vmem>>
        %dma_start3A_395 = tpu.memref_squeeze %dma_start3A_394 : memref<1x128x64xf32, #tpu.memory_space<vmem>> -> memref<128x64xf32, #tpu.memory_space<vmem>>
        tpu.enqueue_dma source(%dma_start3A_395 : memref<128x64xf32, #tpu.memory_space<vmem>>) target(%dma_start3A_391 : memref<128x64xf32, #tpu.memory_space<hbm>>) target_semaphore(%run_scoped3A_383 : memref<!tpu.dma_semaphore, #tpu.memory_space<semaphore_mem>>)
        %dma_wait3A_396 = arith.constant 0 : i32
        %dma_wait3A_397 = arith.constant 0 : i32
        %dma_wait3A_398 = tpu.memref_slice %arg14[%run_scoped3A_370, %dma_wait3A_396, %dma_wait3A_397] : memref<2x256x64xf32, #tpu.memory_space<vmem>> -> memref<1x128x64xf32, #tpu.memory_space<vmem>>
        %dma_wait3A_399 = tpu.memref_squeeze %dma_wait3A_398 : memref<1x128x64xf32, #tpu.memory_space<vmem>> -> memref<128x64xf32, #tpu.memory_space<vmem>>
        %dma_wait3A_400 = arith.constant 0 : i32
        %dma_wait3A_401 = tpu.memref_slice %arg8[%add3A_369, %dma_wait3A_400] : memref<10240x64xf32, #tpu.memory_space<hbm>> -> memref<128x64xf32, #tpu.memory_space<hbm>>
        %dma_wait3A_402 = arith.constant 0 : i32
        %dma_wait3A_403 = tpu.memref_slice %arg8[%add3A_369, %dma_wait3A_402] : memref<10240x64xf32, #tpu.memory_space<hbm>> -> memref<128x64xf32, #tpu.memory_space<hbm>>
        %dma_wait3A_404 = arith.constant 0 : i32
        %dma_wait3A_405 = arith.constant 0 : i32
        %dma_wait3A_406 = tpu.memref_slice %arg14[%run_scoped3A_370, %dma_wait3A_404, %dma_wait3A_405] : memref<2x256x64xf32, #tpu.memory_space<vmem>> -> memref<1x128x64xf32, #tpu.memory_space<vmem>>
        %dma_wait3A_407 = tpu.memref_squeeze %dma_wait3A_406 : memref<1x128x64xf32, #tpu.memory_space<vmem>> -> memref<128x64xf32, #tpu.memory_space<vmem>>
        tpu.wait_dma2 semaphore(%run_scoped3A_383 : memref<!tpu.dma_semaphore, #tpu.memory_space<semaphore_mem>>) src(%dma_wait3A_407 : memref<128x64xf32, #tpu.memory_space<vmem>>) dst(%dma_wait3A_403 : memref<128x64xf32, #tpu.memory_space<hbm>>)
        tpu.yield
      }) : () -> ()
      %add3A_371 = arith.constant 384 : i32
      %add3A_372 = arith.addi %mul3A_0, %add3A_371 : i32
      %run_scoped3A_373 = arith.constant 0 : i32
      "tpu.region"() ({
        %run_scoped3A_383 = tpu.sem_alloc : memref<!tpu.dma_semaphore, #tpu.memory_space<semaphore_mem>>
        %dma_start3A_384 = arith.constant 0 : i32
        %dma_start3A_385 = arith.constant 0 : i32
        %dma_start3A_386 = tpu.memref_slice %arg14[%run_scoped3A_373, %dma_start3A_384, %dma_start3A_385] : memref<2x256x64xf32, #tpu.memory_space<vmem>> -> memref<1x128x64xf32, #tpu.memory_space<vmem>>
        %dma_start3A_387 = tpu.memref_squeeze %dma_start3A_386 : memref<1x128x64xf32, #tpu.memory_space<vmem>> -> memref<128x64xf32, #tpu.memory_space<vmem>>
        %dma_start3A_388 = arith.constant 0 : i32
        %dma_start3A_389 = tpu.memref_slice %arg18[%add3A_372, %dma_start3A_388] : memref<10240x64xf32, #tpu.memory_space<vmem_shared>> -> memref<128x64xf32, #tpu.memory_space<vmem_shared>>
        %dma_start3A_390 = arith.constant 0 : i32
        %dma_start3A_391 = arith.constant 0 : i32
        %dma_start3A_392 = tpu.memref_slice %arg14[%run_scoped3A_373, %dma_start3A_390, %dma_start3A_391] : memref<2x256x64xf32, #tpu.memory_space<vmem>> -> memref<1x128x64xf32, #tpu.memory_space<vmem>>
        %dma_start3A_393 = tpu.memref_squeeze %dma_start3A_392 : memref<1x128x64xf32, #tpu.memory_space<vmem>> -> memref<128x64xf32, #tpu.memory_space<vmem>>
        %dma_start3A_394 = arith.constant 0 : i32
        %dma_start3A_395 = tpu.memref_slice %arg18[%add3A_372, %dma_start3A_394] : memref<10240x64xf32, #tpu.memory_space<vmem_shared>> -> memref<128x64xf32, #tpu.memory_space<vmem_shared>>
        tpu.enqueue_dma source(%dma_start3A_395 : memref<128x64xf32, #tpu.memory_space<vmem_shared>>) target(%dma_start3A_393 : memref<128x64xf32, #tpu.memory_space<vmem>>) target_semaphore(%run_scoped3A_383 : memref<!tpu.dma_semaphore, #tpu.memory_space<semaphore_mem>>)
        %dma_wait3A_396 = arith.constant 0 : i32
        %dma_wait3A_397 = arith.constant 0 : i32
        %dma_wait3A_398 = tpu.memref_slice %arg14[%run_scoped3A_373, %dma_wait3A_396, %dma_wait3A_397] : memref<2x256x64xf32, #tpu.memory_space<vmem>> -> memref<1x128x64xf32, #tpu.memory_space<vmem>>
        %dma_wait3A_399 = tpu.memref_squeeze %dma_wait3A_398 : memref<1x128x64xf32, #tpu.memory_space<vmem>> -> memref<128x64xf32, #tpu.memory_space<vmem>>
        %dma_wait3A_400 = arith.constant 0 : i32
        %dma_wait3A_401 = tpu.memref_slice %arg18[%add3A_372, %dma_wait3A_400] : memref<10240x64xf32, #tpu.memory_space<vmem_shared>> -> memref<128x64xf32, #tpu.memory_space<vmem_shared>>
        %dma_wait3A_402 = arith.constant 0 : i32
        %dma_wait3A_403 = arith.constant 0 : i32
        %dma_wait3A_404 = tpu.memref_slice %arg14[%run_scoped3A_373, %dma_wait3A_402, %dma_wait3A_403] : memref<2x256x64xf32, #tpu.memory_space<vmem>> -> memref<1x128x64xf32, #tpu.memory_space<vmem>>
        %dma_wait3A_405 = tpu.memref_squeeze %dma_wait3A_404 : memref<1x128x64xf32, #tpu.memory_space<vmem>> -> memref<128x64xf32, #tpu.memory_space<vmem>>
        %dma_wait3A_406 = arith.constant 0 : i32
        %dma_wait3A_407 = tpu.memref_slice %arg18[%add3A_372, %dma_wait3A_406] : memref<10240x64xf32, #tpu.memory_space<vmem_shared>> -> memref<128x64xf32, #tpu.memory_space<vmem_shared>>
        tpu.wait_dma2 semaphore(%run_scoped3A_383 : memref<!tpu.dma_semaphore, #tpu.memory_space<semaphore_mem>>) src(%dma_wait3A_407 : memref<128x64xf32, #tpu.memory_space<vmem_shared>>) dst(%dma_wait3A_405 : memref<128x64xf32, #tpu.memory_space<vmem>>)
        tpu.yield
      }) : () -> ()
      %add3A_374 = arith.constant 384 : i32
      %add3A_375 = arith.addi %mul3A_0, %add3A_374 : i32
      %run_scoped3A_376 = arith.constant 0 : i32
      "tpu.region"() ({
        %run_scoped3A_383 = tpu.sem_alloc : memref<!tpu.dma_semaphore, #tpu.memory_space<semaphore_mem>>
        %dma_start3A_384 = arith.constant 0 : i32
        %dma_start3A_385 = arith.constant 0 : i32
        %dma_start3A_386 = tpu.memref_slice %arg14[%run_scoped3A_376, %dma_start3A_384, %dma_start3A_385] : memref<2x256x64xf32, #tpu.memory_space<vmem>> -> memref<1x128x64xf32, #tpu.memory_space<vmem>>
        %dma_start3A_387 = tpu.memref_squeeze %dma_start3A_386 : memref<1x128x64xf32, #tpu.memory_space<vmem>> -> memref<128x64xf32, #tpu.memory_space<vmem>>
        %dma_start3A_388 = arith.constant 0 : i32
        %dma_start3A_389 = tpu.memref_slice %arg8[%add3A_375, %dma_start3A_388] : memref<10240x64xf32, #tpu.memory_space<hbm>> -> memref<128x64xf32, #tpu.memory_space<hbm>>
        %dma_start3A_390 = arith.constant 0 : i32
        %dma_start3A_391 = tpu.memref_slice %arg8[%add3A_375, %dma_start3A_390] : memref<10240x64xf32, #tpu.memory_space<hbm>> -> memref<128x64xf32, #tpu.memory_space<hbm>>
        %dma_start3A_392 = arith.constant 0 : i32
        %dma_start3A_393 = arith.constant 0 : i32
        %dma_start3A_394 = tpu.memref_slice %arg14[%run_scoped3A_376, %dma_start3A_392, %dma_start3A_393] : memref<2x256x64xf32, #tpu.memory_space<vmem>> -> memref<1x128x64xf32, #tpu.memory_space<vmem>>
        %dma_start3A_395 = tpu.memref_squeeze %dma_start3A_394 : memref<1x128x64xf32, #tpu.memory_space<vmem>> -> memref<128x64xf32, #tpu.memory_space<vmem>>
        tpu.enqueue_dma source(%dma_start3A_395 : memref<128x64xf32, #tpu.memory_space<vmem>>) target(%dma_start3A_391 : memref<128x64xf32, #tpu.memory_space<hbm>>) target_semaphore(%run_scoped3A_383 : memref<!tpu.dma_semaphore, #tpu.memory_space<semaphore_mem>>)
        %dma_wait3A_396 = arith.constant 0 : i32
        %dma_wait3A_397 = arith.constant 0 : i32
        %dma_wait3A_398 = tpu.memref_slice %arg14[%run_scoped3A_376, %dma_wait3A_396, %dma_wait3A_397] : memref<2x256x64xf32, #tpu.memory_space<vmem>> -> memref<1x128x64xf32, #tpu.memory_space<vmem>>
        %dma_wait3A_399 = tpu.memref_squeeze %dma_wait3A_398 : memref<1x128x64xf32, #tpu.memory_space<vmem>> -> memref<128x64xf32, #tpu.memory_space<vmem>>
        %dma_wait3A_400 = arith.constant 0 : i32
        %dma_wait3A_401 = tpu.memref_slice %arg8[%add3A_375, %dma_wait3A_400] : memref<10240x64xf32, #tpu.memory_space<hbm>> -> memref<128x64xf32, #tpu.memory_space<hbm>>
        %dma_wait3A_402 = arith.constant 0 : i32
        %dma_wait3A_403 = tpu.memref_slice %arg8[%add3A_375, %dma_wait3A_402] : memref<10240x64xf32, #tpu.memory_space<hbm>> -> memref<128x64xf32, #tpu.memory_space<hbm>>
        %dma_wait3A_404 = arith.constant 0 : i32
        %dma_wait3A_405 = arith.constant 0 : i32
        %dma_wait3A_406 = tpu.memref_slice %arg14[%run_scoped3A_376, %dma_wait3A_404, %dma_wait3A_405] : memref<2x256x64xf32, #tpu.memory_space<vmem>> -> memref<1x128x64xf32, #tpu.memory_space<vmem>>
        %dma_wait3A_407 = tpu.memref_squeeze %dma_wait3A_406 : memref<1x128x64xf32, #tpu.memory_space<vmem>> -> memref<128x64xf32, #tpu.memory_space<vmem>>
        tpu.wait_dma2 semaphore(%run_scoped3A_383 : memref<!tpu.dma_semaphore, #tpu.memory_space<semaphore_mem>>) src(%dma_wait3A_407 : memref<128x64xf32, #tpu.memory_space<vmem>>) dst(%dma_wait3A_403 : memref<128x64xf32, #tpu.memory_space<hbm>>)
        tpu.yield
      }) : () -> ()
      %add3A_377 = arith.constant 512 : i32
      %add3A_378 = arith.addi %mul3A_0, %add3A_377 : i32
      %run_scoped3A_379 = arith.constant 0 : i32
      "tpu.region"() ({
        %run_scoped3A_383 = tpu.sem_alloc : memref<!tpu.dma_semaphore, #tpu.memory_space<semaphore_mem>>
        %dma_start3A_384 = arith.constant 0 : i32
        %dma_start3A_385 = arith.constant 0 : i32
        %dma_start3A_386 = tpu.memref_slice %arg14[%run_scoped3A_379, %dma_start3A_384, %dma_start3A_385] : memref<2x256x64xf32, #tpu.memory_space<vmem>> -> memref<1x128x64xf32, #tpu.memory_space<vmem>>
        %dma_start3A_387 = tpu.memref_squeeze %dma_start3A_386 : memref<1x128x64xf32, #tpu.memory_space<vmem>> -> memref<128x64xf32, #tpu.memory_space<vmem>>
        %dma_start3A_388 = arith.constant 0 : i32
        %dma_start3A_389 = tpu.memref_slice %arg18[%add3A_378, %dma_start3A_388] : memref<10240x64xf32, #tpu.memory_space<vmem_shared>> -> memref<128x64xf32, #tpu.memory_space<vmem_shared>>
        %dma_start3A_390 = arith.constant 0 : i32
        %dma_start3A_391 = arith.constant 0 : i32
        %dma_start3A_392 = tpu.memref_slice %arg14[%run_scoped3A_379, %dma_start3A_390, %dma_start3A_391] : memref<2x256x64xf32, #tpu.memory_space<vmem>> -> memref<1x128x64xf32, #tpu.memory_space<vmem>>
        %dma_start3A_393 = tpu.memref_squeeze %dma_start3A_392 : memref<1x128x64xf32, #tpu.memory_space<vmem>> -> memref<128x64xf32, #tpu.memory_space<vmem>>
        %dma_start3A_394 = arith.constant 0 : i32
        %dma_start3A_395 = tpu.memref_slice %arg18[%add3A_378, %dma_start3A_394] : memref<10240x64xf32, #tpu.memory_space<vmem_shared>> -> memref<128x64xf32, #tpu.memory_space<vmem_shared>>
        tpu.enqueue_dma source(%dma_start3A_395 : memref<128x64xf32, #tpu.memory_space<vmem_shared>>) target(%dma_start3A_393 : memref<128x64xf32, #tpu.memory_space<vmem>>) target_semaphore(%run_scoped3A_383 : memref<!tpu.dma_semaphore, #tpu.memory_space<semaphore_mem>>)
        %dma_wait3A_396 = arith.constant 0 : i32
        %dma_wait3A_397 = arith.constant 0 : i32
        %dma_wait3A_398 = tpu.memref_slice %arg14[%run_scoped3A_379, %dma_wait3A_396, %dma_wait3A_397] : memref<2x256x64xf32, #tpu.memory_space<vmem>> -> memref<1x128x64xf32, #tpu.memory_space<vmem>>
        %dma_wait3A_399 = tpu.memref_squeeze %dma_wait3A_398 : memref<1x128x64xf32, #tpu.memory_space<vmem>> -> memref<128x64xf32, #tpu.memory_space<vmem>>
        %dma_wait3A_400 = arith.constant 0 : i32
        %dma_wait3A_401 = tpu.memref_slice %arg18[%add3A_378, %dma_wait3A_400] : memref<10240x64xf32, #tpu.memory_space<vmem_shared>> -> memref<128x64xf32, #tpu.memory_space<vmem_shared>>
        %dma_wait3A_402 = arith.constant 0 : i32
        %dma_wait3A_403 = arith.constant 0 : i32
        %dma_wait3A_404 = tpu.memref_slice %arg14[%run_scoped3A_379, %dma_wait3A_402, %dma_wait3A_403] : memref<2x256x64xf32, #tpu.memory_space<vmem>> -> memref<1x128x64xf32, #tpu.memory_space<vmem>>
        %dma_wait3A_405 = tpu.memref_squeeze %dma_wait3A_404 : memref<1x128x64xf32, #tpu.memory_space<vmem>> -> memref<128x64xf32, #tpu.memory_space<vmem>>
        %dma_wait3A_406 = arith.constant 0 : i32
        %dma_wait3A_407 = tpu.memref_slice %arg18[%add3A_378, %dma_wait3A_406] : memref<10240x64xf32, #tpu.memory_space<vmem_shared>> -> memref<128x64xf32, #tpu.memory_space<vmem_shared>>
        tpu.wait_dma2 semaphore(%run_scoped3A_383 : memref<!tpu.dma_semaphore, #tpu.memory_space<semaphore_mem>>) src(%dma_wait3A_407 : memref<128x64xf32, #tpu.memory_space<vmem_shared>>) dst(%dma_wait3A_405 : memref<128x64xf32, #tpu.memory_space<vmem>>)
        tpu.yield
      }) : () -> ()
      %add3A_380 = arith.constant 512 : i32
      %add3A_381 = arith.addi %mul3A_0, %add3A_380 : i32
      %run_scoped3A_382 = arith.constant 0 : i32
      "tpu.region"() ({
        %run_scoped3A_383 = tpu.sem_alloc : memref<!tpu.dma_semaphore, #tpu.memory_space<semaphore_mem>>
        %dma_start3A_384 = arith.constant 0 : i32
        %dma_start3A_385 = arith.constant 0 : i32
        %dma_start3A_386 = tpu.memref_slice %arg14[%run_scoped3A_382, %dma_start3A_384, %dma_start3A_385] : memref<2x256x64xf32, #tpu.memory_space<vmem>> -> memref<1x128x64xf32, #tpu.memory_space<vmem>>
        %dma_start3A_387 = tpu.memref_squeeze %dma_start3A_386 : memref<1x128x64xf32, #tpu.memory_space<vmem>> -> memref<128x64xf32, #tpu.memory_space<vmem>>
        %dma_start3A_388 = arith.constant 0 : i32
        %dma_start3A_389 = tpu.memref_slice %arg8[%add3A_381, %dma_start3A_388] : memref<10240x64xf32, #tpu.memory_space<hbm>> -> memref<128x64xf32, #tpu.memory_space<hbm>>
        %dma_start3A_390 = arith.constant 0 : i32
        %dma_start3A_391 = tpu.memref_slice %arg8[%add3A_381, %dma_start3A_390] : memref<10240x64xf32, #tpu.memory_space<hbm>> -> memref<128x64xf32, #tpu.memory_space<hbm>>
        %dma_start3A_392 = arith.constant 0 : i32
        %dma_start3A_393 = arith.constant 0 : i32
        %dma_start3A_394 = tpu.memref_slice %arg14[%run_scoped3A_382, %dma_start3A_392, %dma_start3A_393] : memref<2x256x64xf32, #tpu.memory_space<vmem>> -> memref<1x128x64xf32, #tpu.memory_space<vmem>>
        %dma_start3A_395 = tpu.memref_squeeze %dma_start3A_394 : memref<1x128x64xf32, #tpu.memory_space<vmem>> -> memref<128x64xf32, #tpu.memory_space<vmem>>
        tpu.enqueue_dma source(%dma_start3A_395 : memref<128x64xf32, #tpu.memory_space<vmem>>) target(%dma_start3A_391 : memref<128x64xf32, #tpu.memory_space<hbm>>) target_semaphore(%run_scoped3A_383 : memref<!tpu.dma_semaphore, #tpu.memory_space<semaphore_mem>>)
        %dma_wait3A_396 = arith.constant 0 : i32
        %dma_wait3A_397 = arith.constant 0 : i32
        %dma_wait3A_398 = tpu.memref_slice %arg14[%run_scoped3A_382, %dma_wait3A_396, %dma_wait3A_397] : memref<2x256x64xf32, #tpu.memory_space<vmem>> -> memref<1x128x64xf32, #tpu.memory_space<vmem>>
        %dma_wait3A_399 = tpu.memref_squeeze %dma_wait3A_398 : memref<1x128x64xf32, #tpu.memory_space<vmem>> -> memref<128x64xf32, #tpu.memory_space<vmem>>
        %dma_wait3A_400 = arith.constant 0 : i32
        %dma_wait3A_401 = tpu.memref_slice %arg8[%add3A_381, %dma_wait3A_400] : memref<10240x64xf32, #tpu.memory_space<hbm>> -> memref<128x64xf32, #tpu.memory_space<hbm>>
        %dma_wait3A_402 = arith.constant 0 : i32
        %dma_wait3A_403 = tpu.memref_slice %arg8[%add3A_381, %dma_wait3A_402] : memref<10240x64xf32, #tpu.memory_space<hbm>> -> memref<128x64xf32, #tpu.memory_space<hbm>>
        %dma_wait3A_404 = arith.constant 0 : i32
        %dma_wait3A_405 = arith.constant 0 : i32
        %dma_wait3A_406 = tpu.memref_slice %arg14[%run_scoped3A_382, %dma_wait3A_404, %dma_wait3A_405] : memref<2x256x64xf32, #tpu.memory_space<vmem>> -> memref<1x128x64xf32, #tpu.memory_space<vmem>>
        %dma_wait3A_407 = tpu.memref_squeeze %dma_wait3A_406 : memref<1x128x64xf32, #tpu.memory_space<vmem>> -> memref<128x64xf32, #tpu.memory_space<vmem>>
        tpu.wait_dma2 semaphore(%run_scoped3A_383 : memref<!tpu.dma_semaphore, #tpu.memory_space<semaphore_mem>>) src(%dma_wait3A_407 : memref<128x64xf32, #tpu.memory_space<vmem>>) dst(%dma_wait3A_403 : memref<128x64xf32, #tpu.memory_space<hbm>>)
        tpu.yield
      }) : () -> ()
      "tpu.region"() ({
        %run_scoped3A_383 = tpu.sem_alloc : memref<!tpu.dma_semaphore, #tpu.memory_space<semaphore_mem>>
        %dma_start3A_384 = tpu.memref_slice %arg19[%mul3A_0] : memref<10240xf32, #tpu.memory_space<vmem_shared>> -> memref<640xf32, #tpu.memory_space<vmem_shared>>
        %dma_start3A_385 = tpu.memref_slice %arg19[%mul3A_0] : memref<10240xf32, #tpu.memory_space<vmem_shared>> -> memref<640xf32, #tpu.memory_space<vmem_shared>>
        tpu.enqueue_dma source(%dma_start3A_385 : memref<640xf32, #tpu.memory_space<vmem_shared>>) target(%arg16 : memref<640xf32, #tpu.memory_space<vmem>>) target_semaphore(%run_scoped3A_383 : memref<!tpu.dma_semaphore, #tpu.memory_space<semaphore_mem>>)
        %dma_wait3A_386 = tpu.memref_slice %arg19[%mul3A_0] : memref<10240xf32, #tpu.memory_space<vmem_shared>> -> memref<640xf32, #tpu.memory_space<vmem_shared>>
        %dma_wait3A_387 = tpu.memref_slice %arg19[%mul3A_0] : memref<10240xf32, #tpu.memory_space<vmem_shared>> -> memref<640xf32, #tpu.memory_space<vmem_shared>>
        tpu.wait_dma2 semaphore(%run_scoped3A_383 : memref<!tpu.dma_semaphore, #tpu.memory_space<semaphore_mem>>) src(%dma_wait3A_387 : memref<640xf32, #tpu.memory_space<vmem_shared>>) dst(%arg16 : memref<640xf32, #tpu.memory_space<vmem>>)
        tpu.yield
      }) : () -> ()
      "tpu.region"() ({
        %run_scoped3A_383 = tpu.sem_alloc : memref<!tpu.dma_semaphore, #tpu.memory_space<semaphore_mem>>
        %dma_start3A_384 = tpu.memref_slice %arg10[%mul3A_0] : memref<10240xf32, #tpu.memory_space<hbm>> -> memref<640xf32, #tpu.memory_space<hbm>>
        %dma_start3A_385 = tpu.memref_slice %arg10[%mul3A_0] : memref<10240xf32, #tpu.memory_space<hbm>> -> memref<640xf32, #tpu.memory_space<hbm>>
        tpu.enqueue_dma source(%arg16 : memref<640xf32, #tpu.memory_space<vmem>>) target(%dma_start3A_385 : memref<640xf32, #tpu.memory_space<hbm>>) target_semaphore(%run_scoped3A_383 : memref<!tpu.dma_semaphore, #tpu.memory_space<semaphore_mem>>)
        %dma_wait3A_386 = tpu.memref_slice %arg10[%mul3A_0] : memref<10240xf32, #tpu.memory_space<hbm>> -> memref<640xf32, #tpu.memory_space<hbm>>
        %dma_wait3A_387 = tpu.memref_slice %arg10[%mul3A_0] : memref<10240xf32, #tpu.memory_space<hbm>> -> memref<640xf32, #tpu.memory_space<hbm>>
        tpu.wait_dma2 semaphore(%run_scoped3A_383 : memref<!tpu.dma_semaphore, #tpu.memory_space<semaphore_mem>>) src(%arg16 : memref<640xf32, #tpu.memory_space<vmem>>) dst(%dma_wait3A_387 : memref<640xf32, #tpu.memory_space<hbm>>)
        tpu.yield
      }) : () -> ()
    } else {
    }
    %eq3A_348 = arith.constant 1 : i32
    %eq3A_349 = arith.cmpi eq, %arg0, %eq3A_348 : i32
    %convert_element_type3A_350 = arith.extui %eq3A_349 : i1 to i32
    %cond3A_351 = arith.constant 0 : i32
    %cond3A_352 = arith.cmpi ne, %convert_element_type3A_350, %cond3A_351 : i32
    scf.if %cond3A_352 {
      %add3A_353 = arith.constant 0 : i32
      %add3A_354 = arith.addi %mul3A_0, %add3A_353 : i32
      %run_scoped3A_355 = arith.constant 0 : i32
      "tpu.region"() ({
        %run_scoped3A_383 = tpu.sem_alloc : memref<!tpu.dma_semaphore, #tpu.memory_space<semaphore_mem>>
        %dma_start3A_384 = arith.constant 0 : i32
        %dma_start3A_385 = arith.constant 0 : i32
        %dma_start3A_386 = tpu.memref_slice %arg14[%run_scoped3A_355, %dma_start3A_384, %dma_start3A_385] : memref<2x256x64xf32, #tpu.memory_space<vmem>> -> memref<1x128x64xf32, #tpu.memory_space<vmem>>
        %dma_start3A_387 = tpu.memref_squeeze %dma_start3A_386 : memref<1x128x64xf32, #tpu.memory_space<vmem>> -> memref<128x64xf32, #tpu.memory_space<vmem>>
        %dma_start3A_388 = arith.constant 0 : i32
        %dma_start3A_389 = tpu.memref_slice %arg18[%add3A_354, %dma_start3A_388] : memref<10240x64xf32, #tpu.memory_space<vmem_shared>> -> memref<128x64xf32, #tpu.memory_space<vmem_shared>>
        %dma_start3A_390 = arith.constant 0 : i32
        %dma_start3A_391 = arith.constant 0 : i32
        %dma_start3A_392 = tpu.memref_slice %arg14[%run_scoped3A_355, %dma_start3A_390, %dma_start3A_391] : memref<2x256x64xf32, #tpu.memory_space<vmem>> -> memref<1x128x64xf32, #tpu.memory_space<vmem>>
        %dma_start3A_393 = tpu.memref_squeeze %dma_start3A_392 : memref<1x128x64xf32, #tpu.memory_space<vmem>> -> memref<128x64xf32, #tpu.memory_space<vmem>>
        %dma_start3A_394 = arith.constant 0 : i32
        %dma_start3A_395 = tpu.memref_slice %arg18[%add3A_354, %dma_start3A_394] : memref<10240x64xf32, #tpu.memory_space<vmem_shared>> -> memref<128x64xf32, #tpu.memory_space<vmem_shared>>
        tpu.enqueue_dma source(%dma_start3A_395 : memref<128x64xf32, #tpu.memory_space<vmem_shared>>) target(%dma_start3A_393 : memref<128x64xf32, #tpu.memory_space<vmem>>) target_semaphore(%run_scoped3A_383 : memref<!tpu.dma_semaphore, #tpu.memory_space<semaphore_mem>>)
        %dma_wait3A_396 = arith.constant 0 : i32
        %dma_wait3A_397 = arith.constant 0 : i32
        %dma_wait3A_398 = tpu.memref_slice %arg14[%run_scoped3A_355, %dma_wait3A_396, %dma_wait3A_397] : memref<2x256x64xf32, #tpu.memory_space<vmem>> -> memref<1x128x64xf32, #tpu.memory_space<vmem>>
        %dma_wait3A_399 = tpu.memref_squeeze %dma_wait3A_398 : memref<1x128x64xf32, #tpu.memory_space<vmem>> -> memref<128x64xf32, #tpu.memory_space<vmem>>
        %dma_wait3A_400 = arith.constant 0 : i32
        %dma_wait3A_401 = tpu.memref_slice %arg18[%add3A_354, %dma_wait3A_400] : memref<10240x64xf32, #tpu.memory_space<vmem_shared>> -> memref<128x64xf32, #tpu.memory_space<vmem_shared>>
        %dma_wait3A_402 = arith.constant 0 : i32
        %dma_wait3A_403 = arith.constant 0 : i32
        %dma_wait3A_404 = tpu.memref_slice %arg14[%run_scoped3A_355, %dma_wait3A_402, %dma_wait3A_403] : memref<2x256x64xf32, #tpu.memory_space<vmem>> -> memref<1x128x64xf32, #tpu.memory_space<vmem>>
        %dma_wait3A_405 = tpu.memref_squeeze %dma_wait3A_404 : memref<1x128x64xf32, #tpu.memory_space<vmem>> -> memref<128x64xf32, #tpu.memory_space<vmem>>
        %dma_wait3A_406 = arith.constant 0 : i32
        %dma_wait3A_407 = tpu.memref_slice %arg18[%add3A_354, %dma_wait3A_406] : memref<10240x64xf32, #tpu.memory_space<vmem_shared>> -> memref<128x64xf32, #tpu.memory_space<vmem_shared>>
        tpu.wait_dma2 semaphore(%run_scoped3A_383 : memref<!tpu.dma_semaphore, #tpu.memory_space<semaphore_mem>>) src(%dma_wait3A_407 : memref<128x64xf32, #tpu.memory_space<vmem_shared>>) dst(%dma_wait3A_405 : memref<128x64xf32, #tpu.memory_space<vmem>>)
        tpu.yield
      }) : () -> ()
      %add3A_356 = arith.constant 0 : i32
      %add3A_357 = arith.addi %mul3A_0, %add3A_356 : i32
      %run_scoped3A_358 = arith.constant 0 : i32
      "tpu.region"() ({
        %run_scoped3A_383 = tpu.sem_alloc : memref<!tpu.dma_semaphore, #tpu.memory_space<semaphore_mem>>
        %dma_start3A_384 = arith.constant 0 : i32
        %dma_start3A_385 = arith.constant 0 : i32
        %dma_start3A_386 = tpu.memref_slice %arg14[%run_scoped3A_358, %dma_start3A_384, %dma_start3A_385] : memref<2x256x64xf32, #tpu.memory_space<vmem>> -> memref<1x128x64xf32, #tpu.memory_space<vmem>>
        %dma_start3A_387 = tpu.memref_squeeze %dma_start3A_386 : memref<1x128x64xf32, #tpu.memory_space<vmem>> -> memref<128x64xf32, #tpu.memory_space<vmem>>
        %dma_start3A_388 = arith.constant 0 : i32
        %dma_start3A_389 = tpu.memref_slice %arg9[%add3A_357, %dma_start3A_388] : memref<10240x64xf32, #tpu.memory_space<hbm>> -> memref<128x64xf32, #tpu.memory_space<hbm>>
        %dma_start3A_390 = arith.constant 0 : i32
        %dma_start3A_391 = tpu.memref_slice %arg9[%add3A_357, %dma_start3A_390] : memref<10240x64xf32, #tpu.memory_space<hbm>> -> memref<128x64xf32, #tpu.memory_space<hbm>>
        %dma_start3A_392 = arith.constant 0 : i32
        %dma_start3A_393 = arith.constant 0 : i32
        %dma_start3A_394 = tpu.memref_slice %arg14[%run_scoped3A_358, %dma_start3A_392, %dma_start3A_393] : memref<2x256x64xf32, #tpu.memory_space<vmem>> -> memref<1x128x64xf32, #tpu.memory_space<vmem>>
        %dma_start3A_395 = tpu.memref_squeeze %dma_start3A_394 : memref<1x128x64xf32, #tpu.memory_space<vmem>> -> memref<128x64xf32, #tpu.memory_space<vmem>>
        tpu.enqueue_dma source(%dma_start3A_395 : memref<128x64xf32, #tpu.memory_space<vmem>>) target(%dma_start3A_391 : memref<128x64xf32, #tpu.memory_space<hbm>>) target_semaphore(%run_scoped3A_383 : memref<!tpu.dma_semaphore, #tpu.memory_space<semaphore_mem>>)
        %dma_wait3A_396 = arith.constant 0 : i32
        %dma_wait3A_397 = arith.constant 0 : i32
        %dma_wait3A_398 = tpu.memref_slice %arg14[%run_scoped3A_358, %dma_wait3A_396, %dma_wait3A_397] : memref<2x256x64xf32, #tpu.memory_space<vmem>> -> memref<1x128x64xf32, #tpu.memory_space<vmem>>
        %dma_wait3A_399 = tpu.memref_squeeze %dma_wait3A_398 : memref<1x128x64xf32, #tpu.memory_space<vmem>> -> memref<128x64xf32, #tpu.memory_space<vmem>>
        %dma_wait3A_400 = arith.constant 0 : i32
        %dma_wait3A_401 = tpu.memref_slice %arg9[%add3A_357, %dma_wait3A_400] : memref<10240x64xf32, #tpu.memory_space<hbm>> -> memref<128x64xf32, #tpu.memory_space<hbm>>
        %dma_wait3A_402 = arith.constant 0 : i32
        %dma_wait3A_403 = tpu.memref_slice %arg9[%add3A_357, %dma_wait3A_402] : memref<10240x64xf32, #tpu.memory_space<hbm>> -> memref<128x64xf32, #tpu.memory_space<hbm>>
        %dma_wait3A_404 = arith.constant 0 : i32
        %dma_wait3A_405 = arith.constant 0 : i32
        %dma_wait3A_406 = tpu.memref_slice %arg14[%run_scoped3A_358, %dma_wait3A_404, %dma_wait3A_405] : memref<2x256x64xf32, #tpu.memory_space<vmem>> -> memref<1x128x64xf32, #tpu.memory_space<vmem>>
        %dma_wait3A_407 = tpu.memref_squeeze %dma_wait3A_406 : memref<1x128x64xf32, #tpu.memory_space<vmem>> -> memref<128x64xf32, #tpu.memory_space<vmem>>
        tpu.wait_dma2 semaphore(%run_scoped3A_383 : memref<!tpu.dma_semaphore, #tpu.memory_space<semaphore_mem>>) src(%dma_wait3A_407 : memref<128x64xf32, #tpu.memory_space<vmem>>) dst(%dma_wait3A_403 : memref<128x64xf32, #tpu.memory_space<hbm>>)
        tpu.yield
      }) : () -> ()
      %add3A_359 = arith.constant 128 : i32
      %add3A_360 = arith.addi %mul3A_0, %add3A_359 : i32
      %run_scoped3A_361 = arith.constant 0 : i32
      "tpu.region"() ({
        %run_scoped3A_383 = tpu.sem_alloc : memref<!tpu.dma_semaphore, #tpu.memory_space<semaphore_mem>>
        %dma_start3A_384 = arith.constant 0 : i32
        %dma_start3A_385 = arith.constant 0 : i32
        %dma_start3A_386 = tpu.memref_slice %arg14[%run_scoped3A_361, %dma_start3A_384, %dma_start3A_385] : memref<2x256x64xf32, #tpu.memory_space<vmem>> -> memref<1x128x64xf32, #tpu.memory_space<vmem>>
        %dma_start3A_387 = tpu.memref_squeeze %dma_start3A_386 : memref<1x128x64xf32, #tpu.memory_space<vmem>> -> memref<128x64xf32, #tpu.memory_space<vmem>>
        %dma_start3A_388 = arith.constant 0 : i32
        %dma_start3A_389 = tpu.memref_slice %arg18[%add3A_360, %dma_start3A_388] : memref<10240x64xf32, #tpu.memory_space<vmem_shared>> -> memref<128x64xf32, #tpu.memory_space<vmem_shared>>
        %dma_start3A_390 = arith.constant 0 : i32
        %dma_start3A_391 = arith.constant 0 : i32
        %dma_start3A_392 = tpu.memref_slice %arg14[%run_scoped3A_361, %dma_start3A_390, %dma_start3A_391] : memref<2x256x64xf32, #tpu.memory_space<vmem>> -> memref<1x128x64xf32, #tpu.memory_space<vmem>>
        %dma_start3A_393 = tpu.memref_squeeze %dma_start3A_392 : memref<1x128x64xf32, #tpu.memory_space<vmem>> -> memref<128x64xf32, #tpu.memory_space<vmem>>
        %dma_start3A_394 = arith.constant 0 : i32
        %dma_start3A_395 = tpu.memref_slice %arg18[%add3A_360, %dma_start3A_394] : memref<10240x64xf32, #tpu.memory_space<vmem_shared>> -> memref<128x64xf32, #tpu.memory_space<vmem_shared>>
        tpu.enqueue_dma source(%dma_start3A_395 : memref<128x64xf32, #tpu.memory_space<vmem_shared>>) target(%dma_start3A_393 : memref<128x64xf32, #tpu.memory_space<vmem>>) target_semaphore(%run_scoped3A_383 : memref<!tpu.dma_semaphore, #tpu.memory_space<semaphore_mem>>)
        %dma_wait3A_396 = arith.constant 0 : i32
        %dma_wait3A_397 = arith.constant 0 : i32
        %dma_wait3A_398 = tpu.memref_slice %arg14[%run_scoped3A_361, %dma_wait3A_396, %dma_wait3A_397] : memref<2x256x64xf32, #tpu.memory_space<vmem>> -> memref<1x128x64xf32, #tpu.memory_space<vmem>>
        %dma_wait3A_399 = tpu.memref_squeeze %dma_wait3A_398 : memref<1x128x64xf32, #tpu.memory_space<vmem>> -> memref<128x64xf32, #tpu.memory_space<vmem>>
        %dma_wait3A_400 = arith.constant 0 : i32
        %dma_wait3A_401 = tpu.memref_slice %arg18[%add3A_360, %dma_wait3A_400] : memref<10240x64xf32, #tpu.memory_space<vmem_shared>> -> memref<128x64xf32, #tpu.memory_space<vmem_shared>>
        %dma_wait3A_402 = arith.constant 0 : i32
        %dma_wait3A_403 = arith.constant 0 : i32
        %dma_wait3A_404 = tpu.memref_slice %arg14[%run_scoped3A_361, %dma_wait3A_402, %dma_wait3A_403] : memref<2x256x64xf32, #tpu.memory_space<vmem>> -> memref<1x128x64xf32, #tpu.memory_space<vmem>>
        %dma_wait3A_405 = tpu.memref_squeeze %dma_wait3A_404 : memref<1x128x64xf32, #tpu.memory_space<vmem>> -> memref<128x64xf32, #tpu.memory_space<vmem>>
        %dma_wait3A_406 = arith.constant 0 : i32
        %dma_wait3A_407 = tpu.memref_slice %arg18[%add3A_360, %dma_wait3A_406] : memref<10240x64xf32, #tpu.memory_space<vmem_shared>> -> memref<128x64xf32, #tpu.memory_space<vmem_shared>>
        tpu.wait_dma2 semaphore(%run_scoped3A_383 : memref<!tpu.dma_semaphore, #tpu.memory_space<semaphore_mem>>) src(%dma_wait3A_407 : memref<128x64xf32, #tpu.memory_space<vmem_shared>>) dst(%dma_wait3A_405 : memref<128x64xf32, #tpu.memory_space<vmem>>)
        tpu.yield
      }) : () -> ()
      %add3A_362 = arith.constant 128 : i32
      %add3A_363 = arith.addi %mul3A_0, %add3A_362 : i32
      %run_scoped3A_364 = arith.constant 0 : i32
      "tpu.region"() ({
        %run_scoped3A_383 = tpu.sem_alloc : memref<!tpu.dma_semaphore, #tpu.memory_space<semaphore_mem>>
        %dma_start3A_384 = arith.constant 0 : i32
        %dma_start3A_385 = arith.constant 0 : i32
        %dma_start3A_386 = tpu.memref_slice %arg14[%run_scoped3A_364, %dma_start3A_384, %dma_start3A_385] : memref<2x256x64xf32, #tpu.memory_space<vmem>> -> memref<1x128x64xf32, #tpu.memory_space<vmem>>
        %dma_start3A_387 = tpu.memref_squeeze %dma_start3A_386 : memref<1x128x64xf32, #tpu.memory_space<vmem>> -> memref<128x64xf32, #tpu.memory_space<vmem>>
        %dma_start3A_388 = arith.constant 0 : i32
        %dma_start3A_389 = tpu.memref_slice %arg9[%add3A_363, %dma_start3A_388] : memref<10240x64xf32, #tpu.memory_space<hbm>> -> memref<128x64xf32, #tpu.memory_space<hbm>>
        %dma_start3A_390 = arith.constant 0 : i32
        %dma_start3A_391 = tpu.memref_slice %arg9[%add3A_363, %dma_start3A_390] : memref<10240x64xf32, #tpu.memory_space<hbm>> -> memref<128x64xf32, #tpu.memory_space<hbm>>
        %dma_start3A_392 = arith.constant 0 : i32
        %dma_start3A_393 = arith.constant 0 : i32
        %dma_start3A_394 = tpu.memref_slice %arg14[%run_scoped3A_364, %dma_start3A_392, %dma_start3A_393] : memref<2x256x64xf32, #tpu.memory_space<vmem>> -> memref<1x128x64xf32, #tpu.memory_space<vmem>>
        %dma_start3A_395 = tpu.memref_squeeze %dma_start3A_394 : memref<1x128x64xf32, #tpu.memory_space<vmem>> -> memref<128x64xf32, #tpu.memory_space<vmem>>
        tpu.enqueue_dma source(%dma_start3A_395 : memref<128x64xf32, #tpu.memory_space<vmem>>) target(%dma_start3A_391 : memref<128x64xf32, #tpu.memory_space<hbm>>) target_semaphore(%run_scoped3A_383 : memref<!tpu.dma_semaphore, #tpu.memory_space<semaphore_mem>>)
        %dma_wait3A_396 = arith.constant 0 : i32
        %dma_wait3A_397 = arith.constant 0 : i32
        %dma_wait3A_398 = tpu.memref_slice %arg14[%run_scoped3A_364, %dma_wait3A_396, %dma_wait3A_397] : memref<2x256x64xf32, #tpu.memory_space<vmem>> -> memref<1x128x64xf32, #tpu.memory_space<vmem>>
        %dma_wait3A_399 = tpu.memref_squeeze %dma_wait3A_398 : memref<1x128x64xf32, #tpu.memory_space<vmem>> -> memref<128x64xf32, #tpu.memory_space<vmem>>
        %dma_wait3A_400 = arith.constant 0 : i32
        %dma_wait3A_401 = tpu.memref_slice %arg9[%add3A_363, %dma_wait3A_400] : memref<10240x64xf32, #tpu.memory_space<hbm>> -> memref<128x64xf32, #tpu.memory_space<hbm>>
        %dma_wait3A_402 = arith.constant 0 : i32
        %dma_wait3A_403 = tpu.memref_slice %arg9[%add3A_363, %dma_wait3A_402] : memref<10240x64xf32, #tpu.memory_space<hbm>> -> memref<128x64xf32, #tpu.memory_space<hbm>>
        %dma_wait3A_404 = arith.constant 0 : i32
        %dma_wait3A_405 = arith.constant 0 : i32
        %dma_wait3A_406 = tpu.memref_slice %arg14[%run_scoped3A_364, %dma_wait3A_404, %dma_wait3A_405] : memref<2x256x64xf32, #tpu.memory_space<vmem>> -> memref<1x128x64xf32, #tpu.memory_space<vmem>>
        %dma_wait3A_407 = tpu.memref_squeeze %dma_wait3A_406 : memref<1x128x64xf32, #tpu.memory_space<vmem>> -> memref<128x64xf32, #tpu.memory_space<vmem>>
        tpu.wait_dma2 semaphore(%run_scoped3A_383 : memref<!tpu.dma_semaphore, #tpu.memory_space<semaphore_mem>>) src(%dma_wait3A_407 : memref<128x64xf32, #tpu.memory_space<vmem>>) dst(%dma_wait3A_403 : memref<128x64xf32, #tpu.memory_space<hbm>>)
        tpu.yield
      }) : () -> ()
      %add3A_365 = arith.constant 256 : i32
      %add3A_366 = arith.addi %mul3A_0, %add3A_365 : i32
      %run_scoped3A_367 = arith.constant 0 : i32
      "tpu.region"() ({
        %run_scoped3A_383 = tpu.sem_alloc : memref<!tpu.dma_semaphore, #tpu.memory_space<semaphore_mem>>
        %dma_start3A_384 = arith.constant 0 : i32
        %dma_start3A_385 = arith.constant 0 : i32
        %dma_start3A_386 = tpu.memref_slice %arg14[%run_scoped3A_367, %dma_start3A_384, %dma_start3A_385] : memref<2x256x64xf32, #tpu.memory_space<vmem>> -> memref<1x128x64xf32, #tpu.memory_space<vmem>>
        %dma_start3A_387 = tpu.memref_squeeze %dma_start3A_386 : memref<1x128x64xf32, #tpu.memory_space<vmem>> -> memref<128x64xf32, #tpu.memory_space<vmem>>
        %dma_start3A_388 = arith.constant 0 : i32
        %dma_start3A_389 = tpu.memref_slice %arg18[%add3A_366, %dma_start3A_388] : memref<10240x64xf32, #tpu.memory_space<vmem_shared>> -> memref<128x64xf32, #tpu.memory_space<vmem_shared>>
        %dma_start3A_390 = arith.constant 0 : i32
        %dma_start3A_391 = arith.constant 0 : i32
        %dma_start3A_392 = tpu.memref_slice %arg14[%run_scoped3A_367, %dma_start3A_390, %dma_start3A_391] : memref<2x256x64xf32, #tpu.memory_space<vmem>> -> memref<1x128x64xf32, #tpu.memory_space<vmem>>
        %dma_start3A_393 = tpu.memref_squeeze %dma_start3A_392 : memref<1x128x64xf32, #tpu.memory_space<vmem>> -> memref<128x64xf32, #tpu.memory_space<vmem>>
        %dma_start3A_394 = arith.constant 0 : i32
        %dma_start3A_395 = tpu.memref_slice %arg18[%add3A_366, %dma_start3A_394] : memref<10240x64xf32, #tpu.memory_space<vmem_shared>> -> memref<128x64xf32, #tpu.memory_space<vmem_shared>>
        tpu.enqueue_dma source(%dma_start3A_395 : memref<128x64xf32, #tpu.memory_space<vmem_shared>>) target(%dma_start3A_393 : memref<128x64xf32, #tpu.memory_space<vmem>>) target_semaphore(%run_scoped3A_383 : memref<!tpu.dma_semaphore, #tpu.memory_space<semaphore_mem>>)
        %dma_wait3A_396 = arith.constant 0 : i32
        %dma_wait3A_397 = arith.constant 0 : i32
        %dma_wait3A_398 = tpu.memref_slice %arg14[%run_scoped3A_367, %dma_wait3A_396, %dma_wait3A_397] : memref<2x256x64xf32, #tpu.memory_space<vmem>> -> memref<1x128x64xf32, #tpu.memory_space<vmem>>
        %dma_wait3A_399 = tpu.memref_squeeze %dma_wait3A_398 : memref<1x128x64xf32, #tpu.memory_space<vmem>> -> memref<128x64xf32, #tpu.memory_space<vmem>>
        %dma_wait3A_400 = arith.constant 0 : i32
        %dma_wait3A_401 = tpu.memref_slice %arg18[%add3A_366, %dma_wait3A_400] : memref<10240x64xf32, #tpu.memory_space<vmem_shared>> -> memref<128x64xf32, #tpu.memory_space<vmem_shared>>
        %dma_wait3A_402 = arith.constant 0 : i32
        %dma_wait3A_403 = arith.constant 0 : i32
        %dma_wait3A_404 = tpu.memref_slice %arg14[%run_scoped3A_367, %dma_wait3A_402, %dma_wait3A_403] : memref<2x256x64xf32, #tpu.memory_space<vmem>> -> memref<1x128x64xf32, #tpu.memory_space<vmem>>
        %dma_wait3A_405 = tpu.memref_squeeze %dma_wait3A_404 : memref<1x128x64xf32, #tpu.memory_space<vmem>> -> memref<128x64xf32, #tpu.memory_space<vmem>>
        %dma_wait3A_406 = arith.constant 0 : i32
        %dma_wait3A_407 = tpu.memref_slice %arg18[%add3A_366, %dma_wait3A_406] : memref<10240x64xf32, #tpu.memory_space<vmem_shared>> -> memref<128x64xf32, #tpu.memory_space<vmem_shared>>
        tpu.wait_dma2 semaphore(%run_scoped3A_383 : memref<!tpu.dma_semaphore, #tpu.memory_space<semaphore_mem>>) src(%dma_wait3A_407 : memref<128x64xf32, #tpu.memory_space<vmem_shared>>) dst(%dma_wait3A_405 : memref<128x64xf32, #tpu.memory_space<vmem>>)
        tpu.yield
      }) : () -> ()
      %add3A_368 = arith.constant 256 : i32
      %add3A_369 = arith.addi %mul3A_0, %add3A_368 : i32
      %run_scoped3A_370 = arith.constant 0 : i32
      "tpu.region"() ({
        %run_scoped3A_383 = tpu.sem_alloc : memref<!tpu.dma_semaphore, #tpu.memory_space<semaphore_mem>>
        %dma_start3A_384 = arith.constant 0 : i32
        %dma_start3A_385 = arith.constant 0 : i32
        %dma_start3A_386 = tpu.memref_slice %arg14[%run_scoped3A_370, %dma_start3A_384, %dma_start3A_385] : memref<2x256x64xf32, #tpu.memory_space<vmem>> -> memref<1x128x64xf32, #tpu.memory_space<vmem>>
        %dma_start3A_387 = tpu.memref_squeeze %dma_start3A_386 : memref<1x128x64xf32, #tpu.memory_space<vmem>> -> memref<128x64xf32, #tpu.memory_space<vmem>>
        %dma_start3A_388 = arith.constant 0 : i32
        %dma_start3A_389 = tpu.memref_slice %arg9[%add3A_369, %dma_start3A_388] : memref<10240x64xf32, #tpu.memory_space<hbm>> -> memref<128x64xf32, #tpu.memory_space<hbm>>
        %dma_start3A_390 = arith.constant 0 : i32
        %dma_start3A_391 = tpu.memref_slice %arg9[%add3A_369, %dma_start3A_390] : memref<10240x64xf32, #tpu.memory_space<hbm>> -> memref<128x64xf32, #tpu.memory_space<hbm>>
        %dma_start3A_392 = arith.constant 0 : i32
        %dma_start3A_393 = arith.constant 0 : i32
        %dma_start3A_394 = tpu.memref_slice %arg14[%run_scoped3A_370, %dma_start3A_392, %dma_start3A_393] : memref<2x256x64xf32, #tpu.memory_space<vmem>> -> memref<1x128x64xf32, #tpu.memory_space<vmem>>
        %dma_start3A_395 = tpu.memref_squeeze %dma_start3A_394 : memref<1x128x64xf32, #tpu.memory_space<vmem>> -> memref<128x64xf32, #tpu.memory_space<vmem>>
        tpu.enqueue_dma source(%dma_start3A_395 : memref<128x64xf32, #tpu.memory_space<vmem>>) target(%dma_start3A_391 : memref<128x64xf32, #tpu.memory_space<hbm>>) target_semaphore(%run_scoped3A_383 : memref<!tpu.dma_semaphore, #tpu.memory_space<semaphore_mem>>)
        %dma_wait3A_396 = arith.constant 0 : i32
        %dma_wait3A_397 = arith.constant 0 : i32
        %dma_wait3A_398 = tpu.memref_slice %arg14[%run_scoped3A_370, %dma_wait3A_396, %dma_wait3A_397] : memref<2x256x64xf32, #tpu.memory_space<vmem>> -> memref<1x128x64xf32, #tpu.memory_space<vmem>>
        %dma_wait3A_399 = tpu.memref_squeeze %dma_wait3A_398 : memref<1x128x64xf32, #tpu.memory_space<vmem>> -> memref<128x64xf32, #tpu.memory_space<vmem>>
        %dma_wait3A_400 = arith.constant 0 : i32
        %dma_wait3A_401 = tpu.memref_slice %arg9[%add3A_369, %dma_wait3A_400] : memref<10240x64xf32, #tpu.memory_space<hbm>> -> memref<128x64xf32, #tpu.memory_space<hbm>>
        %dma_wait3A_402 = arith.constant 0 : i32
        %dma_wait3A_403 = tpu.memref_slice %arg9[%add3A_369, %dma_wait3A_402] : memref<10240x64xf32, #tpu.memory_space<hbm>> -> memref<128x64xf32, #tpu.memory_space<hbm>>
        %dma_wait3A_404 = arith.constant 0 : i32
        %dma_wait3A_405 = arith.constant 0 : i32
        %dma_wait3A_406 = tpu.memref_slice %arg14[%run_scoped3A_370, %dma_wait3A_404, %dma_wait3A_405] : memref<2x256x64xf32, #tpu.memory_space<vmem>> -> memref<1x128x64xf32, #tpu.memory_space<vmem>>
        %dma_wait3A_407 = tpu.memref_squeeze %dma_wait3A_406 : memref<1x128x64xf32, #tpu.memory_space<vmem>> -> memref<128x64xf32, #tpu.memory_space<vmem>>
        tpu.wait_dma2 semaphore(%run_scoped3A_383 : memref<!tpu.dma_semaphore, #tpu.memory_space<semaphore_mem>>) src(%dma_wait3A_407 : memref<128x64xf32, #tpu.memory_space<vmem>>) dst(%dma_wait3A_403 : memref<128x64xf32, #tpu.memory_space<hbm>>)
        tpu.yield
      }) : () -> ()
      %add3A_371 = arith.constant 384 : i32
      %add3A_372 = arith.addi %mul3A_0, %add3A_371 : i32
      %run_scoped3A_373 = arith.constant 0 : i32
      "tpu.region"() ({
        %run_scoped3A_383 = tpu.sem_alloc : memref<!tpu.dma_semaphore, #tpu.memory_space<semaphore_mem>>
        %dma_start3A_384 = arith.constant 0 : i32
        %dma_start3A_385 = arith.constant 0 : i32
        %dma_start3A_386 = tpu.memref_slice %arg14[%run_scoped3A_373, %dma_start3A_384, %dma_start3A_385] : memref<2x256x64xf32, #tpu.memory_space<vmem>> -> memref<1x128x64xf32, #tpu.memory_space<vmem>>
        %dma_start3A_387 = tpu.memref_squeeze %dma_start3A_386 : memref<1x128x64xf32, #tpu.memory_space<vmem>> -> memref<128x64xf32, #tpu.memory_space<vmem>>
        %dma_start3A_388 = arith.constant 0 : i32
        %dma_start3A_389 = tpu.memref_slice %arg18[%add3A_372, %dma_start3A_388] : memref<10240x64xf32, #tpu.memory_space<vmem_shared>> -> memref<128x64xf32, #tpu.memory_space<vmem_shared>>
        %dma_start3A_390 = arith.constant 0 : i32
        %dma_start3A_391 = arith.constant 0 : i32
        %dma_start3A_392 = tpu.memref_slice %arg14[%run_scoped3A_373, %dma_start3A_390, %dma_start3A_391] : memref<2x256x64xf32, #tpu.memory_space<vmem>> -> memref<1x128x64xf32, #tpu.memory_space<vmem>>
        %dma_start3A_393 = tpu.memref_squeeze %dma_start3A_392 : memref<1x128x64xf32, #tpu.memory_space<vmem>> -> memref<128x64xf32, #tpu.memory_space<vmem>>
        %dma_start3A_394 = arith.constant 0 : i32
        %dma_start3A_395 = tpu.memref_slice %arg18[%add3A_372, %dma_start3A_394] : memref<10240x64xf32, #tpu.memory_space<vmem_shared>> -> memref<128x64xf32, #tpu.memory_space<vmem_shared>>
        tpu.enqueue_dma source(%dma_start3A_395 : memref<128x64xf32, #tpu.memory_space<vmem_shared>>) target(%dma_start3A_393 : memref<128x64xf32, #tpu.memory_space<vmem>>) target_semaphore(%run_scoped3A_383 : memref<!tpu.dma_semaphore, #tpu.memory_space<semaphore_mem>>)
        %dma_wait3A_396 = arith.constant 0 : i32
        %dma_wait3A_397 = arith.constant 0 : i32
        %dma_wait3A_398 = tpu.memref_slice %arg14[%run_scoped3A_373, %dma_wait3A_396, %dma_wait3A_397] : memref<2x256x64xf32, #tpu.memory_space<vmem>> -> memref<1x128x64xf32, #tpu.memory_space<vmem>>
        %dma_wait3A_399 = tpu.memref_squeeze %dma_wait3A_398 : memref<1x128x64xf32, #tpu.memory_space<vmem>> -> memref<128x64xf32, #tpu.memory_space<vmem>>
        %dma_wait3A_400 = arith.constant 0 : i32
        %dma_wait3A_401 = tpu.memref_slice %arg18[%add3A_372, %dma_wait3A_400] : memref<10240x64xf32, #tpu.memory_space<vmem_shared>> -> memref<128x64xf32, #tpu.memory_space<vmem_shared>>
        %dma_wait3A_402 = arith.constant 0 : i32
        %dma_wait3A_403 = arith.constant 0 : i32
        %dma_wait3A_404 = tpu.memref_slice %arg14[%run_scoped3A_373, %dma_wait3A_402, %dma_wait3A_403] : memref<2x256x64xf32, #tpu.memory_space<vmem>> -> memref<1x128x64xf32, #tpu.memory_space<vmem>>
        %dma_wait3A_405 = tpu.memref_squeeze %dma_wait3A_404 : memref<1x128x64xf32, #tpu.memory_space<vmem>> -> memref<128x64xf32, #tpu.memory_space<vmem>>
        %dma_wait3A_406 = arith.constant 0 : i32
        %dma_wait3A_407 = tpu.memref_slice %arg18[%add3A_372, %dma_wait3A_406] : memref<10240x64xf32, #tpu.memory_space<vmem_shared>> -> memref<128x64xf32, #tpu.memory_space<vmem_shared>>
        tpu.wait_dma2 semaphore(%run_scoped3A_383 : memref<!tpu.dma_semaphore, #tpu.memory_space<semaphore_mem>>) src(%dma_wait3A_407 : memref<128x64xf32, #tpu.memory_space<vmem_shared>>) dst(%dma_wait3A_405 : memref<128x64xf32, #tpu.memory_space<vmem>>)
        tpu.yield
      }) : () -> ()
      %add3A_374 = arith.constant 384 : i32
      %add3A_375 = arith.addi %mul3A_0, %add3A_374 : i32
      %run_scoped3A_376 = arith.constant 0 : i32
      "tpu.region"() ({
        %run_scoped3A_383 = tpu.sem_alloc : memref<!tpu.dma_semaphore, #tpu.memory_space<semaphore_mem>>
        %dma_start3A_384 = arith.constant 0 : i32
        %dma_start3A_385 = arith.constant 0 : i32
        %dma_start3A_386 = tpu.memref_slice %arg14[%run_scoped3A_376, %dma_start3A_384, %dma_start3A_385] : memref<2x256x64xf32, #tpu.memory_space<vmem>> -> memref<1x128x64xf32, #tpu.memory_space<vmem>>
        %dma_start3A_387 = tpu.memref_squeeze %dma_start3A_386 : memref<1x128x64xf32, #tpu.memory_space<vmem>> -> memref<128x64xf32, #tpu.memory_space<vmem>>
        %dma_start3A_388 = arith.constant 0 : i32
        %dma_start3A_389 = tpu.memref_slice %arg9[%add3A_375, %dma_start3A_388] : memref<10240x64xf32, #tpu.memory_space<hbm>> -> memref<128x64xf32, #tpu.memory_space<hbm>>
        %dma_start3A_390 = arith.constant 0 : i32
        %dma_start3A_391 = tpu.memref_slice %arg9[%add3A_375, %dma_start3A_390] : memref<10240x64xf32, #tpu.memory_space<hbm>> -> memref<128x64xf32, #tpu.memory_space<hbm>>
        %dma_start3A_392 = arith.constant 0 : i32
        %dma_start3A_393 = arith.constant 0 : i32
        %dma_start3A_394 = tpu.memref_slice %arg14[%run_scoped3A_376, %dma_start3A_392, %dma_start3A_393] : memref<2x256x64xf32, #tpu.memory_space<vmem>> -> memref<1x128x64xf32, #tpu.memory_space<vmem>>
        %dma_start3A_395 = tpu.memref_squeeze %dma_start3A_394 : memref<1x128x64xf32, #tpu.memory_space<vmem>> -> memref<128x64xf32, #tpu.memory_space<vmem>>
        tpu.enqueue_dma source(%dma_start3A_395 : memref<128x64xf32, #tpu.memory_space<vmem>>) target(%dma_start3A_391 : memref<128x64xf32, #tpu.memory_space<hbm>>) target_semaphore(%run_scoped3A_383 : memref<!tpu.dma_semaphore, #tpu.memory_space<semaphore_mem>>)
        %dma_wait3A_396 = arith.constant 0 : i32
        %dma_wait3A_397 = arith.constant 0 : i32
        %dma_wait3A_398 = tpu.memref_slice %arg14[%run_scoped3A_376, %dma_wait3A_396, %dma_wait3A_397] : memref<2x256x64xf32, #tpu.memory_space<vmem>> -> memref<1x128x64xf32, #tpu.memory_space<vmem>>
        %dma_wait3A_399 = tpu.memref_squeeze %dma_wait3A_398 : memref<1x128x64xf32, #tpu.memory_space<vmem>> -> memref<128x64xf32, #tpu.memory_space<vmem>>
        %dma_wait3A_400 = arith.constant 0 : i32
        %dma_wait3A_401 = tpu.memref_slice %arg9[%add3A_375, %dma_wait3A_400] : memref<10240x64xf32, #tpu.memory_space<hbm>> -> memref<128x64xf32, #tpu.memory_space<hbm>>
        %dma_wait3A_402 = arith.constant 0 : i32
        %dma_wait3A_403 = tpu.memref_slice %arg9[%add3A_375, %dma_wait3A_402] : memref<10240x64xf32, #tpu.memory_space<hbm>> -> memref<128x64xf32, #tpu.memory_space<hbm>>
        %dma_wait3A_404 = arith.constant 0 : i32
        %dma_wait3A_405 = arith.constant 0 : i32
        %dma_wait3A_406 = tpu.memref_slice %arg14[%run_scoped3A_376, %dma_wait3A_404, %dma_wait3A_405] : memref<2x256x64xf32, #tpu.memory_space<vmem>> -> memref<1x128x64xf32, #tpu.memory_space<vmem>>
        %dma_wait3A_407 = tpu.memref_squeeze %dma_wait3A_406 : memref<1x128x64xf32, #tpu.memory_space<vmem>> -> memref<128x64xf32, #tpu.memory_space<vmem>>
        tpu.wait_dma2 semaphore(%run_scoped3A_383 : memref<!tpu.dma_semaphore, #tpu.memory_space<semaphore_mem>>) src(%dma_wait3A_407 : memref<128x64xf32, #tpu.memory_space<vmem>>) dst(%dma_wait3A_403 : memref<128x64xf32, #tpu.memory_space<hbm>>)
        tpu.yield
      }) : () -> ()
      %add3A_377 = arith.constant 512 : i32
      %add3A_378 = arith.addi %mul3A_0, %add3A_377 : i32
      %run_scoped3A_379 = arith.constant 0 : i32
      "tpu.region"() ({
        %run_scoped3A_383 = tpu.sem_alloc : memref<!tpu.dma_semaphore, #tpu.memory_space<semaphore_mem>>
        %dma_start3A_384 = arith.constant 0 : i32
        %dma_start3A_385 = arith.constant 0 : i32
        %dma_start3A_386 = tpu.memref_slice %arg14[%run_scoped3A_379, %dma_start3A_384, %dma_start3A_385] : memref<2x256x64xf32, #tpu.memory_space<vmem>> -> memref<1x128x64xf32, #tpu.memory_space<vmem>>
        %dma_start3A_387 = tpu.memref_squeeze %dma_start3A_386 : memref<1x128x64xf32, #tpu.memory_space<vmem>> -> memref<128x64xf32, #tpu.memory_space<vmem>>
        %dma_start3A_388 = arith.constant 0 : i32
        %dma_start3A_389 = tpu.memref_slice %arg18[%add3A_378, %dma_start3A_388] : memref<10240x64xf32, #tpu.memory_space<vmem_shared>> -> memref<128x64xf32, #tpu.memory_space<vmem_shared>>
        %dma_start3A_390 = arith.constant 0 : i32
        %dma_start3A_391 = arith.constant 0 : i32
        %dma_start3A_392 = tpu.memref_slice %arg14[%run_scoped3A_379, %dma_start3A_390, %dma_start3A_391] : memref<2x256x64xf32, #tpu.memory_space<vmem>> -> memref<1x128x64xf32, #tpu.memory_space<vmem>>
        %dma_start3A_393 = tpu.memref_squeeze %dma_start3A_392 : memref<1x128x64xf32, #tpu.memory_space<vmem>> -> memref<128x64xf32, #tpu.memory_space<vmem>>
        %dma_start3A_394 = arith.constant 0 : i32
        %dma_start3A_395 = tpu.memref_slice %arg18[%add3A_378, %dma_start3A_394] : memref<10240x64xf32, #tpu.memory_space<vmem_shared>> -> memref<128x64xf32, #tpu.memory_space<vmem_shared>>
        tpu.enqueue_dma source(%dma_start3A_395 : memref<128x64xf32, #tpu.memory_space<vmem_shared>>) target(%dma_start3A_393 : memref<128x64xf32, #tpu.memory_space<vmem>>) target_semaphore(%run_scoped3A_383 : memref<!tpu.dma_semaphore, #tpu.memory_space<semaphore_mem>>)
        %dma_wait3A_396 = arith.constant 0 : i32
        %dma_wait3A_397 = arith.constant 0 : i32
        %dma_wait3A_398 = tpu.memref_slice %arg14[%run_scoped3A_379, %dma_wait3A_396, %dma_wait3A_397] : memref<2x256x64xf32, #tpu.memory_space<vmem>> -> memref<1x128x64xf32, #tpu.memory_space<vmem>>
        %dma_wait3A_399 = tpu.memref_squeeze %dma_wait3A_398 : memref<1x128x64xf32, #tpu.memory_space<vmem>> -> memref<128x64xf32, #tpu.memory_space<vmem>>
        %dma_wait3A_400 = arith.constant 0 : i32
        %dma_wait3A_401 = tpu.memref_slice %arg18[%add3A_378, %dma_wait3A_400] : memref<10240x64xf32, #tpu.memory_space<vmem_shared>> -> memref<128x64xf32, #tpu.memory_space<vmem_shared>>
        %dma_wait3A_402 = arith.constant 0 : i32
        %dma_wait3A_403 = arith.constant 0 : i32
        %dma_wait3A_404 = tpu.memref_slice %arg14[%run_scoped3A_379, %dma_wait3A_402, %dma_wait3A_403] : memref<2x256x64xf32, #tpu.memory_space<vmem>> -> memref<1x128x64xf32, #tpu.memory_space<vmem>>
        %dma_wait3A_405 = tpu.memref_squeeze %dma_wait3A_404 : memref<1x128x64xf32, #tpu.memory_space<vmem>> -> memref<128x64xf32, #tpu.memory_space<vmem>>
        %dma_wait3A_406 = arith.constant 0 : i32
        %dma_wait3A_407 = tpu.memref_slice %arg18[%add3A_378, %dma_wait3A_406] : memref<10240x64xf32, #tpu.memory_space<vmem_shared>> -> memref<128x64xf32, #tpu.memory_space<vmem_shared>>
        tpu.wait_dma2 semaphore(%run_scoped3A_383 : memref<!tpu.dma_semaphore, #tpu.memory_space<semaphore_mem>>) src(%dma_wait3A_407 : memref<128x64xf32, #tpu.memory_space<vmem_shared>>) dst(%dma_wait3A_405 : memref<128x64xf32, #tpu.memory_space<vmem>>)
        tpu.yield
      }) : () -> ()
      %add3A_380 = arith.constant 512 : i32
      %add3A_381 = arith.addi %mul3A_0, %add3A_380 : i32
      %run_scoped3A_382 = arith.constant 0 : i32
      "tpu.region"() ({
        %run_scoped3A_383 = tpu.sem_alloc : memref<!tpu.dma_semaphore, #tpu.memory_space<semaphore_mem>>
        %dma_start3A_384 = arith.constant 0 : i32
        %dma_start3A_385 = arith.constant 0 : i32
        %dma_start3A_386 = tpu.memref_slice %arg14[%run_scoped3A_382, %dma_start3A_384, %dma_start3A_385] : memref<2x256x64xf32, #tpu.memory_space<vmem>> -> memref<1x128x64xf32, #tpu.memory_space<vmem>>
        %dma_start3A_387 = tpu.memref_squeeze %dma_start3A_386 : memref<1x128x64xf32, #tpu.memory_space<vmem>> -> memref<128x64xf32, #tpu.memory_space<vmem>>
        %dma_start3A_388 = arith.constant 0 : i32
        %dma_start3A_389 = tpu.memref_slice %arg9[%add3A_381, %dma_start3A_388] : memref<10240x64xf32, #tpu.memory_space<hbm>> -> memref<128x64xf32, #tpu.memory_space<hbm>>
        %dma_start3A_390 = arith.constant 0 : i32
        %dma_start3A_391 = tpu.memref_slice %arg9[%add3A_381, %dma_start3A_390] : memref<10240x64xf32, #tpu.memory_space<hbm>> -> memref<128x64xf32, #tpu.memory_space<hbm>>
        %dma_start3A_392 = arith.constant 0 : i32
        %dma_start3A_393 = arith.constant 0 : i32
        %dma_start3A_394 = tpu.memref_slice %arg14[%run_scoped3A_382, %dma_start3A_392, %dma_start3A_393] : memref<2x256x64xf32, #tpu.memory_space<vmem>> -> memref<1x128x64xf32, #tpu.memory_space<vmem>>
        %dma_start3A_395 = tpu.memref_squeeze %dma_start3A_394 : memref<1x128x64xf32, #tpu.memory_space<vmem>> -> memref<128x64xf32, #tpu.memory_space<vmem>>
        tpu.enqueue_dma source(%dma_start3A_395 : memref<128x64xf32, #tpu.memory_space<vmem>>) target(%dma_start3A_391 : memref<128x64xf32, #tpu.memory_space<hbm>>) target_semaphore(%run_scoped3A_383 : memref<!tpu.dma_semaphore, #tpu.memory_space<semaphore_mem>>)
        %dma_wait3A_396 = arith.constant 0 : i32
        %dma_wait3A_397 = arith.constant 0 : i32
        %dma_wait3A_398 = tpu.memref_slice %arg14[%run_scoped3A_382, %dma_wait3A_396, %dma_wait3A_397] : memref<2x256x64xf32, #tpu.memory_space<vmem>> -> memref<1x128x64xf32, #tpu.memory_space<vmem>>
        %dma_wait3A_399 = tpu.memref_squeeze %dma_wait3A_398 : memref<1x128x64xf32, #tpu.memory_space<vmem>> -> memref<128x64xf32, #tpu.memory_space<vmem>>
        %dma_wait3A_400 = arith.constant 0 : i32
        %dma_wait3A_401 = tpu.memref_slice %arg9[%add3A_381, %dma_wait3A_400] : memref<10240x64xf32, #tpu.memory_space<hbm>> -> memref<128x64xf32, #tpu.memory_space<hbm>>
        %dma_wait3A_402 = arith.constant 0 : i32
        %dma_wait3A_403 = tpu.memref_slice %arg9[%add3A_381, %dma_wait3A_402] : memref<10240x64xf32, #tpu.memory_space<hbm>> -> memref<128x64xf32, #tpu.memory_space<hbm>>
        %dma_wait3A_404 = arith.constant 0 : i32
        %dma_wait3A_405 = arith.constant 0 : i32
        %dma_wait3A_406 = tpu.memref_slice %arg14[%run_scoped3A_382, %dma_wait3A_404, %dma_wait3A_405] : memref<2x256x64xf32, #tpu.memory_space<vmem>> -> memref<1x128x64xf32, #tpu.memory_space<vmem>>
        %dma_wait3A_407 = tpu.memref_squeeze %dma_wait3A_406 : memref<1x128x64xf32, #tpu.memory_space<vmem>> -> memref<128x64xf32, #tpu.memory_space<vmem>>
        tpu.wait_dma2 semaphore(%run_scoped3A_383 : memref<!tpu.dma_semaphore, #tpu.memory_space<semaphore_mem>>) src(%dma_wait3A_407 : memref<128x64xf32, #tpu.memory_space<vmem>>) dst(%dma_wait3A_403 : memref<128x64xf32, #tpu.memory_space<hbm>>)
        tpu.yield
      }) : () -> ()
      "tpu.region"() ({
        %run_scoped3A_383 = tpu.sem_alloc : memref<!tpu.dma_semaphore, #tpu.memory_space<semaphore_mem>>
        %dma_start3A_384 = tpu.memref_slice %arg19[%mul3A_0] : memref<10240xf32, #tpu.memory_space<vmem_shared>> -> memref<640xf32, #tpu.memory_space<vmem_shared>>
        %dma_start3A_385 = tpu.memref_slice %arg19[%mul3A_0] : memref<10240xf32, #tpu.memory_space<vmem_shared>> -> memref<640xf32, #tpu.memory_space<vmem_shared>>
        tpu.enqueue_dma source(%dma_start3A_385 : memref<640xf32, #tpu.memory_space<vmem_shared>>) target(%arg16 : memref<640xf32, #tpu.memory_space<vmem>>) target_semaphore(%run_scoped3A_383 : memref<!tpu.dma_semaphore, #tpu.memory_space<semaphore_mem>>)
        %dma_wait3A_386 = tpu.memref_slice %arg19[%mul3A_0] : memref<10240xf32, #tpu.memory_space<vmem_shared>> -> memref<640xf32, #tpu.memory_space<vmem_shared>>
        %dma_wait3A_387 = tpu.memref_slice %arg19[%mul3A_0] : memref<10240xf32, #tpu.memory_space<vmem_shared>> -> memref<640xf32, #tpu.memory_space<vmem_shared>>
        tpu.wait_dma2 semaphore(%run_scoped3A_383 : memref<!tpu.dma_semaphore, #tpu.memory_space<semaphore_mem>>) src(%dma_wait3A_387 : memref<640xf32, #tpu.memory_space<vmem_shared>>) dst(%arg16 : memref<640xf32, #tpu.memory_space<vmem>>)
        tpu.yield
      }) : () -> ()
      "tpu.region"() ({
        %run_scoped3A_383 = tpu.sem_alloc : memref<!tpu.dma_semaphore, #tpu.memory_space<semaphore_mem>>
        %dma_start3A_384 = tpu.memref_slice %arg11[%mul3A_0] : memref<10240xf32, #tpu.memory_space<hbm>> -> memref<640xf32, #tpu.memory_space<hbm>>
        %dma_start3A_385 = tpu.memref_slice %arg11[%mul3A_0] : memref<10240xf32, #tpu.memory_space<hbm>> -> memref<640xf32, #tpu.memory_space<hbm>>
        tpu.enqueue_dma source(%arg16 : memref<640xf32, #tpu.memory_space<vmem>>) target(%dma_start3A_385 : memref<640xf32, #tpu.memory_space<hbm>>) target_semaphore(%run_scoped3A_383 : memref<!tpu.dma_semaphore, #tpu.memory_space<semaphore_mem>>)
        %dma_wait3A_386 = tpu.memref_slice %arg11[%mul3A_0] : memref<10240xf32, #tpu.memory_space<hbm>> -> memref<640xf32, #tpu.memory_space<hbm>>
        %dma_wait3A_387 = tpu.memref_slice %arg11[%mul3A_0] : memref<10240xf32, #tpu.memory_space<hbm>> -> memref<640xf32, #tpu.memory_space<hbm>>
        tpu.wait_dma2 semaphore(%run_scoped3A_383 : memref<!tpu.dma_semaphore, #tpu.memory_space<semaphore_mem>>) src(%arg16 : memref<640xf32, #tpu.memory_space<vmem>>) dst(%dma_wait3A_387 : memref<640xf32, #tpu.memory_space<hbm>>)
        tpu.yield
      }) : () -> ()
    } else {
    }
    return
  }
}

module attributes {stable_mosaic.version = 14 : i64} {
  func.func @_hdelta_body(%arg0: memref<10000x128xf32, #tpu.memory_space<vmem>>, %arg1: memref<10000x128xf32, #tpu.memory_space<vmem>>, %arg2: memref<2x10240x64xf32, #tpu.memory_space<vmem>>) attributes {dimension_semantics = [], scalar_prefetch = 0 : i64, scratch_operands = 0 : i64, tpu.core_type = #tpu.core_type<tc>} {
    %get3A = arith.constant 0 : index
    %get3A_0 = arith.constant 0 : index
    %get3A_1 = vector.load %arg0[%get3A, %get3A_0] : memref<10000x128xf32, #tpu.memory_space<vmem>>, vector<10000x128xf32>
    %get3A_2 = arith.constant 0 : index
    %get3A_3 = arith.constant 0 : index
    %get3A_4 = vector.load %arg1[%get3A_2, %get3A_3] : memref<10000x128xf32, #tpu.memory_space<vmem>>, vector<10000x128xf32>
    %sub3A = arith.subf %get3A_1, %get3A_4 : vector<10000x128xf32>
    %slice3A = vector.extract_strided_slice %sub3A {offsets = [0, 0], sizes = [10000, 64], strides = [1, 1]} : vector<10000x128xf32> to vector<10000x64xf32>
    %swap3A = arith.constant 0 : index
    %swap3A_5 = arith.constant 0 : index
    %swap3A_6 = arith.constant 0 : index
    %swap3A_7 = vector.load %arg2[%swap3A, %swap3A_5, %swap3A_6] : memref<2x10240x64xf32, #tpu.memory_space<vmem>>, vector<1x10000x64xf32>
    %swap3A_8 = vector.shape_cast %swap3A_7 : vector<1x10000x64xf32> to vector<10000x64xf32>
    %swap3A_9 = vector.shape_cast %slice3A : vector<10000x64xf32> to vector<1x10000x64xf32>
    tpu.vector_store %arg2[%swap3A, %swap3A_5, %swap3A_6], %swap3A_9 {strides = array<i32>} : memref<2x10240x64xf32, #tpu.memory_space<vmem>>, vector<1x10000x64xf32>,
    %slice3A_10 = vector.extract_strided_slice %sub3A {offsets = [0, 64], sizes = [10000, 64], strides = [1, 1]} : vector<10000x128xf32> to vector<10000x64xf32>
    %swap3A_11 = arith.constant 1 : index
    %swap3A_12 = arith.constant 0 : index
    %swap3A_13 = arith.constant 0 : index
    %swap3A_14 = vector.load %arg2[%swap3A_11, %swap3A_12, %swap3A_13] : memref<2x10240x64xf32, #tpu.memory_space<vmem>>, vector<1x10000x64xf32>
    %swap3A_15 = vector.shape_cast %swap3A_14 : vector<1x10000x64xf32> to vector<10000x64xf32>
    %swap3A_16 = vector.shape_cast %slice3A_10 : vector<10000x64xf32> to vector<1x10000x64xf32>
    tpu.vector_store %arg2[%swap3A_11, %swap3A_12, %swap3A_13], %swap3A_16 {strides = array<i32>} : memref<2x10240x64xf32, #tpu.memory_space<vmem>>, vector<1x10000x64xf32>,
    return
  }
}

module attributes {stable_mosaic.version = 14 : i64} {
  func.func @_combine_body(%arg0: i32, %arg1: memref<1024x64xf32, #tpu.memory_space<vmem>>, %arg2: memref<1024x64xf32, #tpu.memory_space<vmem>>, %arg3: memref<1024xf32, #tpu.memory_space<vmem>>, %arg4: memref<1024xf32, #tpu.memory_space<vmem>>, %arg5: memref<1024x128xf32, #tpu.memory_space<vmem>>, %arg6: memref<1024x128xf32, #tpu.memory_space<vmem>>, %arg7: memref<256x128xf32, #tpu.memory_space<vmem>>, %arg8: memref<128xf32, #tpu.memory_space<vmem>>, %arg9: memref<1024x128xf32, #tpu.memory_space<vmem>>) attributes {dimension_semantics = [#tpu.dimension_semantics<arbitrary>], iteration_bounds = array<i64: 10>, scalar_prefetch = 0 : i64, scratch_operands = 0 : i64, tpu.core_type = #tpu.core_type<tc>, window_params = [{transform_indices = @transform_0, window_bounds = array<i64: 1024, 64>}, {transform_indices = @transform_1, window_bounds = array<i64: 1024, 64>}, {transform_indices = @transform_2, window_bounds = array<i64: 1024>}, {transform_indices = @transform_3, window_bounds = array<i64: 1024>}, {transform_indices = @transform_4, window_bounds = array<i64: 1024, 128>}, {transform_indices = @transform_5, window_bounds = array<i64: 1024, 128>}, {pipeline_mode = #tpu.pipeline_mode<synchronous>, transform_indices = @transform_6, window_bounds = array<i64: 256, 128>}, {pipeline_mode = #tpu.pipeline_mode<synchronous>, transform_indices = @transform_7, window_bounds = array<i64: 128>}, {transform_indices = @transform_8, window_bounds = array<i64: 1024, 128>}]} {
    %get3A = arith.constant 0 : index
    %get3A_0 = vector.load %arg3[%get3A] : memref<1024xf32, #tpu.memory_space<vmem>>, vector<1024xf32>
    %get3A_1 = arith.constant 0 : index
    %get3A_2 = vector.load %arg4[%get3A_1] : memref<1024xf32, #tpu.memory_space<vmem>>, vector<1024xf32>
    %add3A = arith.addf %get3A_0, %get3A_2 : vector<1024xf32>
    %max3A = arith.constant 1.000000e+00 : f32
    %max3A_3 = vector.broadcast %max3A : f32 to vector<1024xf32>
    %max3A_4 = arith.maximumf %add3A, %max3A_3 : vector<1024xf32>
    %div3A = arith.constant 1.000000e+00 : f32
    %div3A_5 = vector.broadcast %div3A : f32 to vector<1024xf32>
    %div3A_6 = arith.divf %div3A_5, %max3A_4 : vector<1024xf32>
    %broadcast_in_dim3A = vector.shape_cast %div3A_6 : vector<1024xf32> to vector<1024x1xf32>
    %get3A_7 = arith.constant 0 : index
    %get3A_8 = arith.constant 0 : index
    %get3A_9 = vector.load %arg6[%get3A_7, %get3A_8] : memref<1024x128xf32, #tpu.memory_space<vmem>>, vector<1024x128xf32>
    %slice3A = vector.extract_strided_slice %get3A_9 {offsets = [0, 0], sizes = [1024, 64], strides = [1, 1]} : vector<1024x128xf32> to vector<1024x64xf32>
    %get3A_10 = arith.constant 0 : index
    %get3A_11 = arith.constant 0 : index
    %get3A_12 = vector.load %arg1[%get3A_10, %get3A_11] : memref<1024x64xf32, #tpu.memory_space<vmem>>, vector<1024x64xf32>
    %mul3A = vector.broadcast %broadcast_in_dim3A : vector<1024x1xf32> to vector<1024x64xf32>
    %mul3A_13 = arith.mulf %get3A_12, %mul3A : vector<1024x64xf32>
    %add3A_14 = arith.addf %slice3A, %mul3A_13 : vector<1024x64xf32>
    %slice3A_15 = vector.extract_strided_slice %get3A_9 {offsets = [0, 64], sizes = [1024, 64], strides = [1, 1]} : vector<1024x128xf32> to vector<1024x64xf32>
    %get3A_16 = arith.constant 0 : index
    %get3A_17 = arith.constant 0 : index
    %get3A_18 = vector.load %arg2[%get3A_16, %get3A_17] : memref<1024x64xf32, #tpu.memory_space<vmem>>, vector<1024x64xf32>
    %mul3A_19 = vector.broadcast %broadcast_in_dim3A : vector<1024x1xf32> to vector<1024x64xf32>
    %mul3A_20 = arith.mulf %get3A_18, %mul3A_19 : vector<1024x64xf32>
    %add3A_21 = arith.addf %slice3A_15, %mul3A_20 : vector<1024x64xf32>
    %get3A_22 = arith.constant 0 : index
    %get3A_23 = arith.constant 0 : index
    %get3A_24 = vector.load %arg5[%get3A_22, %get3A_23] : memref<1024x128xf32, #tpu.memory_space<vmem>>, vector<1024x128xf32>
    %get3A_25 = arith.constant 0 : index
    %get3A_26 = arith.constant 0 : index
    %get3A_27 = vector.load %arg7[%get3A_25, %get3A_26] : memref<256x128xf32, #tpu.memory_space<vmem>>, vector<128x128xf32>
    %dot_general3A = arith.constant dense<0.000000e+00> : vector<1024x128xf32>
    %dot_general3A_28 = tpu.matmul %get3A_24, %get3A_27, %dot_general3A {dimension_numbers = #tpu.dot_dimension_numbers<[1], [0], [0], [1], [0, 0, 1, 1], [], []>, transpose_lhs_hint = false} : vector<1024x128xf32>, vector<128x128xf32>, vector<1024x128xf32> -> vector<1024x128xf32>
    %get3A_29 = arith.constant 128 : index
    %get3A_30 = arith.constant 0 : index
    %get3A_31 = vector.load %arg7[%get3A_29, %get3A_30] : memref<256x128xf32, #tpu.memory_space<vmem>>, vector<64x128xf32>
    %dot_general3A_32 = arith.constant dense<0.000000e+00> : vector<1024x128xf32>
    %dot_general3A_33 = tpu.matmul %add3A_14, %get3A_31, %dot_general3A_32 {dimension_numbers = #tpu.dot_dimension_numbers<[1], [0], [0], [1], [0, 0, 1, 1], [], []>, transpose_lhs_hint = false} : vector<1024x64xf32>, vector<64x128xf32>, vector<1024x128xf32> -> vector<1024x128xf32>
    %add3A_34 = arith.addf %dot_general3A_28, %dot_general3A_33 : vector<1024x128xf32>
    %get3A_35 = arith.constant 192 : index
    %get3A_36 = arith.constant 0 : index
    %get3A_37 = vector.load %arg7[%get3A_35, %get3A_36] : memref<256x128xf32, #tpu.memory_space<vmem>>, vector<64x128xf32>
    %dot_general3A_38 = arith.constant dense<0.000000e+00> : vector<1024x128xf32>
    %dot_general3A_39 = tpu.matmul %add3A_21, %get3A_37, %dot_general3A_38 {dimension_numbers = #tpu.dot_dimension_numbers<[1], [0], [0], [1], [0, 0, 1, 1], [], []>, transpose_lhs_hint = false} : vector<1024x64xf32>, vector<64x128xf32>, vector<1024x128xf32> -> vector<1024x128xf32>
    %add3A_40 = arith.addf %add3A_34, %dot_general3A_39 : vector<1024x128xf32>
    %get3A_41 = arith.constant 0 : index
    %get3A_42 = vector.load %arg8[%get3A_41] : memref<128xf32, #tpu.memory_space<vmem>>, vector<128xf32>
    %broadcast_in_dim3A_43 = vector.shape_cast %get3A_42 : vector<128xf32> to vector<1x128xf32>
    %add3A_44 = vector.broadcast %broadcast_in_dim3A_43 : vector<1x128xf32> to vector<1024x128xf32>
    %add3A_45 = arith.addf %add3A_40, %add3A_44 : vector<1024x128xf32>
    %swap3A = arith.constant 0 : index
    %swap3A_46 = arith.constant 0 : index
    %swap3A_47 = vector.load %arg9[%swap3A, %swap3A_46] : memref<1024x128xf32, #tpu.memory_space<vmem>>, vector<1024x128xf32>
    tpu.vector_store %arg9[%swap3A, %swap3A_46], %add3A_45 {strides = array<i32>} : memref<1024x128xf32, #tpu.memory_space<vmem>>, vector<1024x128xf32>,
    return
  }
  func.func @transform_0(%arg0: i32) -> (i32, i32) {
    %c0_i32 = arith.constant 0 : i32
    %c0_i32_0 = arith.constant 0 : i32
    return %arg0, %c0_i32 : i32, i32
  }
  func.func @transform_1(%arg0: i32) -> (i32, i32) {
    %c0_i32 = arith.constant 0 : i32
    %c0_i32_0 = arith.constant 0 : i32
    return %arg0, %c0_i32 : i32, i32
  }
  func.func @transform_2(%arg0: i32) -> i32 {
    %c0_i32 = arith.constant 0 : i32
    return %arg0 : i32
  }
  func.func @transform_3(%arg0: i32) -> i32 {
    %c0_i32 = arith.constant 0 : i32
    return %arg0 : i32
  }
  func.func @transform_4(%arg0: i32) -> (i32, i32) {
    %c0_i32 = arith.constant 0 : i32
    %c0_i32_0 = arith.constant 0 : i32
    return %arg0, %c0_i32 : i32, i32
  }
  func.func @transform_5(%arg0: i32) -> (i32, i32) {
    %c0_i32 = arith.constant 0 : i32
    %c0_i32_0 = arith.constant 0 : i32
    return %arg0, %c0_i32 : i32, i32
  }
  func.func @transform_6(%arg0: i32) -> (i32, i32) {
    %c0_i32 = arith.constant 0 : i32
    %c0_i32_0 = arith.constant 0 : i32
    %c0_i32_1 = arith.constant 0 : i32
    return %c0_i32, %c0_i32_0 : i32, i32
  }
  func.func @transform_7(%arg0: i32) -> i32 {
    %c0_i32 = arith.constant 0 : i32
    %c0_i32_0 = arith.constant 0 : i32
    return %c0_i32 : i32
  }
  func.func @transform_8(%arg0: i32) -> (i32, i32) {
    %c0_i32 = arith.constant 0 : i32
    %c0_i32_0 = arith.constant 0 : i32
    return %arg0, %c0_i32 : i32, i32
  }
}

</mosaic_0001>

<sc_bundles>
// kernel: kernel.5.cloned.1.call-start
scs
__scs_entry_jumppad:
0x0: {  	(pc) =	sbr.rel $0x88, $3  }
0x1: {  	(tag) =	ssettag $0x0;
	lr =	simm.s32 $0x1  }
0x2: {  	[smem:$0x3F9A] =	sst lr;
	_ =	strace $0xD0000000  }
0x3: {  	_ = 	snop  }
0x4: {  	_ = 	snop  }
0x5: {  	_ = 	snop  }
0x6: {  	_ = 	snop  }
0x7: {  	_ = 	snop  }
__scs_overlays_trampoline_lowered:
0x8: {  	[smem:$0x3FA9] =	sst s0  }
0x9: {  	[smem:$0x3FAA] =	sst s1  }
0xa: {  	[smem:$0x3FAB] =	sst s2  }
0xb: {  	[smem:$0x3FAC] =	sst s3  }
0xc: {  	[smem:$0x3FAD] =	sst s4  }
0xd: {  	[smem:$0x3FAE] =	sst s5  }
0xe: {  	[smem:$0x3FAF] =	sst s6  }
0xf: {  	[smem:$0x3FB0] =	sst s7  }
0x10: {  	[smem:$0x3FB1] =	sst s8  }
0x11: {  	[smem:$0x3FB2] =	sst s9;
	s0 =	simm.s32 @!p0 $0x0  }
0x12: {  	s1 =	sld [smem:$0x3F98];
	s0 =	simm.s32 @p0 $0x1  }
0x13: {  	[smem:$0x3FB3] =	sst s0;
	s0 =	simm.s32 @!p1 $0x0  }
0x14: {  	s2 =	sld [smem:$0x3F97];
	s0 =	simm.s32 @p1 $0x1  }
0x15: {  	[smem:$0x3FB4] =	sst s0;
	s0 =	simm.s32 @!p2 $0x0  }
0x16: {  	s3 =	sld [smem:$0x3FDB];
	s0 =	simm.s32 @p2 $0x1  }
0x17: {  	s4 =	simm.s32 $0x1BF5;
	[smem:$0x3FB6] =	sst s0  }
0x18: {  	s0 =	sld [smem:$0x3F99];
	_ =	swait.ge [sflag:s4], $0x0  }
0x19: {  	s7 =	sld [smem:$0x3F9A]  }
0x1a: {  	s8 =	sadd.s32 $0xFFFFE003, lr  }
0x1b: {  	s9 =	sadd.s32 $0xFFFFFEF7, lr;
	s5 =	simm.s32 $0xFFFFFFFF;
	p2 =	slt.u32 s8, $0xFFFFF086  }
0x1c: {  	p1 =	slt.u32 s9, $0xF7A;
	s5 =	simm.s32 @!p2 $0x0  }
0x1d: {  	s5 =	simm.s32 @p1 $0x1;
	p0 =	seq.s32 s7, s2  }
0x1e: {  	s7 =	smul.u32 @!p0 $0xF7A, s2;
	p2 =	seq.s32 @!p0 s5, $0x0  }
0x1f: {  	s9 =	smul.u32 $0xF7A, s1;
	s8 =	simm.s32 @!p0 $0x1BF5;
	p2 =	por !p2, p0  }
0x20: {  	[sflag:s8] =	ssyncset.s32 @!p0 $0xFFFFF086;
	s6 =	sadd.s32 @!p0 s3, s7;
	s7 =	simm.s32 @!p0 $0x108  }
0x21: {  	s3 =	sadd.s32 s3, s9;
	s6 =	sadd.s32 @!p0 $0x88, s6;
	s7 =	simm.s32 @p2 $0x1082  }
0x22: {  	[simem:s7], [sflag:s8] =	dma.local @!p0 [hbm:s6], $0xF7A  }
0x23: {  	s9 =	sor.u32 $0xD0000000, s2;
	s6 =	simm.s32 $0x108;
	_ =	swait.ge @!p0 [sflag:s8], $0x0  }
0x24: {  	s3 =	sadd.s32 $0x88, s3;
	s6 =	simm.s32 @!p1 $0x1082;
	[sflag:s4] =	ssyncset.s32 $0xFFFFF086  }
0x25: {  	[simem:s6], [sflag:s4] =	dma.local [hbm:s3], $0xF7A  }
0x26: {  	[smem:$0x3F9A] =	sst s1;
	(tag) =	ssettag s2;
	_ =	strace s9  }
0x27: {  	s1 =	sld [smem:$0x3FAA]  }
0x28: {  	s2 =	sld [smem:$0x3FAB]  }
0x29: {  	s4 =	sld [smem:$0x3FAD]  }
0x2a: {  	p0 =	seq.s32 s5, $0x0;
	s5 =	sld [smem:$0x3FAE]  }
0x2b: {  	s6 =	sld [smem:$0x3FAF]  }
0x2c: {  	s7 =	sld [smem:$0x3FB0]  }
0x2d: {  	s3 =	simm.s32 $0x108;
	s8 =	sld [smem:$0x3FB1]  }
0x2e: {  	s3 =	simm.s32 @!p0 $0x1082;
	s9 =	sld [smem:$0x3FB2]  }
0x2f: {  	lr =	sadd.s32 s0, s3;
	s0 =	sld [smem:$0x3FA9]  }
0x30: {  	s3 =	sld [smem:$0x3FAC]  }
0x31: {  	[smem:$0x3FB5] =	sst s10  }
0x32: {  	s10 =	sld [smem:$0x3FB3];
	_ =	sdelay $0x3  }
0x33: {  	p0 =	seq.s32 s10, $0x1;
	s10 =	sld [smem:$0x3FB5];
	_ =	sdelay $0x3  }
0x34: {  	[smem:$0x3FB5] =	sst s10  }
0x35: {  	s10 =	sld [smem:$0x3FB4];
	_ =	sdelay $0x3  }
0x36: {  	p1 =	seq.s32 s10, $0x1;
	s10 =	sld [smem:$0x3FB5];
	_ =	sdelay $0x3  }
0x37: {  	[smem:$0x3FB5] =	sst s10  }
0x38: {  	s10 =	sld [smem:$0x3FB6]  }
0x39: {  	_ = 	snop;
	(pc) =	sbr.ind lr, $3  }
0x3a: {  	_ = 	snop  }
0x3b: {  	_ = 	snop  }
0x3c: {  	p2 =	seq.s32 s10, $0x1;
	s10 =	sld [smem:$0x3FB5]  }
0x3d: {  	_ =	shalt  }
0x3e: {  	_ =	shalt  }
0x3f: {  	_ =	shalt  }
0x40: {  	_ =	shalt  }
0x41: {  	_ =	shalt  }
0x42: {  	_ =	shalt  }
0x43: {  	_ =	shalt  }
0x44: {  	_ =	shalt  }
0x45: {  	_ =	shalt  }
0x46: {  	_ =	shalt  }
0x47: {  	_ =	shalt  }
0x48: {  	_ =	shalt  }
0x49: {  	_ =	shalt  }
0x4a: {  	_ =	shalt  }
0x4b: {  	_ =	shalt  }
0x4c: {  	_ =	shalt  }
0x4d: {  	_ =	shalt  }
0x4e: {  	_ =	shalt  }
0x4f: {  	_ =	shalt  }
0x50: {  	_ =	shalt  }
0x51: {  	_ =	shalt  }
0x52: {  	_ =	shalt  }
0x53: {  	_ =	shalt  }
0x54: {  	_ =	shalt  }
0x55: {  	_ =	shalt  }
0x56: {  	_ =	shalt  }
0x57: {  	_ =	shalt  }
0x58: {  	_ =	shalt  }
0x59: {  	_ =	shalt  }
0x5a: {  	_ =	shalt  }
0x5b: {  	_ =	shalt  }
0x5c: {  	_ =	shalt  }
0x5d: {  	_ =	shalt  }
0x5e: {  	_ =	shalt  }
0x5f: {  	_ =	shalt  }
0x60: {  	_ =	shalt  }
0x61: {  	_ =	shalt  }
0x62: {  	_ =	shalt  }
0x63: {  	_ =	shalt  }
0x64: {  	_ =	shalt  }
0x65: {  	_ =	shalt  }
0x66: {  	_ =	shalt  }
0x67: {  	_ =	shalt  }
0x68: {  	_ =	shalt  }
0x69: {  	_ =	shalt  }
0x6a: {  	_ =	shalt  }
0x6b: {  	_ =	shalt  }
0x6c: {  	_ =	shalt  }
0x6d: {  	_ =	shalt  }
0x6e: {  	_ =	shalt  }
0x6f: {  	_ =	shalt  }
0x70: {  	_ =	shalt  }
0x71: {  	_ =	shalt  }
0x72: {  	_ =	shalt  }
0x73: {  	_ =	shalt  }
0x74: {  	_ =	shalt  }
0x75: {  	_ =	shalt  }
0x76: {  	_ =	shalt  }
0x77: {  	_ =	shalt  }
0x78: {  	_ =	shalt  }
0x79: {  	_ =	shalt  }
0x7a: {  	_ =	shalt  }
0x7b: {  	_ =	shalt  }
0x7c: {  	_ =	shalt  }
0x7d: {  	_ =	shalt  }
0x7e: {  	_ =	shalt  }
0x7f: {  	_ =	shalt  }
0x80: {  	_ =	shalt  }
0x81: {  	_ =	shalt  }
0x82: {  	_ =	shalt  }
0x83: {  	_ =	shalt  }
0x84: {  	_ =	shalt  }
0x85: {  	_ =	shalt  }
0x86: {  	_ =	shalt  }
0x87: {  	_ =	shalt  }
.Lfunc_end0:
.L_simem_size_0:
called_computation_lowered:
.L_overlay_start_0:
0x88: {  	s2 =	sld [smem:$0x3FD9]  }
0x89: {  	s3 =	sld [smem:$0x3FFE];
	_ =	sdelay $0x1  }
0x8a: {  	s1 =	srdreg.scid  }
0x8b: {  	s0 =	sand.u32 $0x1, s1  }
0x8c: {  	s17 =	sshll.u32 s0, $0xA;
	s2 =	sadd.s32 s3, s2  }
0x8d: {  	s2 =	sadd.s32 s2, s17  }
0x8e: {  	[smem:$0x3FC1] =	sst s2  }
0x8f: {  	_ = 	snop  }
0x90: {  	s2 =	sld [smem:$0x3FD0];
	(tm) =	ssettm $0x1  }
0x91: {  	s18 =	sld [smem:$0x3FFB];
	_ =	sdelay $0x3  }
0x92: {  	_ =	strace s18  }
0x93: {  	s3 =	sld [smem:$0x3FFC];
	_ =	sdelay $0x3  }
0x94: {  	_ =	strace s3  }
0x95: {  	s3 =	sld [smem:$0x3FFD];
	_ =	sdelay $0x3  }
0x96: {  	_ =	strace s3  }
0x97: {  	_ =	strace $0x8FFFFFFF  }
0x98: {  	s19 =	sld [smem:$0x3FDB];
	_ =	sdelay $0x1  }
0x99: {  	s4 =	simm.s32 $_scs_section_size  }
0x9a: {  	s5 =	simm.s32 $_size__tile_overlayer_lowered;
	s6 =	simm.s32 $_tile_overlayer_lowered  }
0x9b: {  	s22 =	simm.s32 $0x1BFF;
	s21 =	sshll.u32 s6, $0x1;
	s3 =	sadd.s32 s4, s19  }
0x9c: {  	s7 =	simm.s32 $0x0;
	s20 =	sshll.u32 s5, $0x1;
	s5 =	sadd.s32 s21, s3  }
0x9d: {  	[timem:s7], [sflag:s22] =	dma.local [hbm:s5], s20  }
0x9e: {  	_ =	swait.ge [sflag:s22], s20  }
0x9f: {  	s4 =	ssub.s32 $0x0, s20;
	[sflag:s22] =	ssyncset.done $0x0  }
0xa0: {  	[sflag:s22] =	ssyncadd.s32 s4;
	_ =	sdelay $0x1  }
0xa1: {  	s23 =	simm.s32 $0x1B8B  }
0xa2: {  	_ =	swait.ge [sflag:s23], $0x1  }
0xa3: {  	[sflag:s23] =	ssyncset.done $0x0  }
0xa4: {  	s25 =	simm.s32 $0x1B8E;
	s24 =	sld [smem:$0x3FFE];
	[sflag:s23] =	ssyncadd.s32 $0xFFFFFFFF  }
0xa5: {  	s26 =	simm.s32 $execute0_lowered;
	[smem:$0x3FD2] =	sst s25  }
0xa6: {  	s5 =	sshll.u32 s26, $0x1;
	_ =	strace $0x80000046;
	[dreg:$0x1] =	wrdreg $0xFFFFFFFF  }
0xa7: {  	s28 =	simm.s32 $_size_execute0_lowered;
	s3 =	sadd.s32 s3, s5;
	[dreg:$0x0] =	wrdreg $0x0  }
0xa8: {  	s5 =	sshll.u32 s28, $0x1;
	[dreg:$0x2] =	wrdreg s3  }
0xa9: {  	[dreg:$0x3] =	wrdreg s5  }
0xaa: {  	[dreg:$0x4] =	wrdreg $0xC0  }
0xab: {  	_ =	task [dreg:s7], $0x5FFFF  }
0xac: {  	[dreg:$0x1] =	wrdreg $0xFFFFFFFF  }
0xad: {  	[dreg:$0x0] =	wrdreg $0x60  }
0xae: {  	[dreg:$0x2] =	wrdreg s24  }
0xaf: {  	[dreg:$0x3] =	wrdreg s2  }
0xb0: {  	[dreg:$0x4] =	wrdreg $0x127000  }
0xb1: {  	[dreg:$0x5] =	wrdreg $0x1C7000  }
0xb2: {  	[dreg:$0x6] =	wrdreg $0x87000  }
0xb3: {  	[dreg:$0x7] =	wrdreg $0x9  }
0xb4: {  	_ =	task.clear_ibuf [dreg:s7], $0x8FFFF;
	_ =	strace $0x90000046  }
0xb5: {  	s29 =	simm.s32 $0x9;
	_ =	strace $0x80000048  }
0xb6: {  	_ =	swait.ge [sflag:s29], $0x1  }
0xb7: {  	[sflag:s29] =	ssyncadd.s32 $0xFFFFFFFF  }
0xb8: {  	_ =	strace $0x90000048  }
0xb9: {  	_ =	sfence  }
0xba: {  	s30 =	sld [smem:$0x0];
	_ =	sdelay $0x2  }
0xbb: {  	s31 =	sshll.u32 s1, $0xD;
	s1 =	sshrl.u32 s1, $0x2  }
0xbc: {  	s3 =	sand.u32 $0x4000, s31;
	s1 =	sadd.s32 s1, s30  }
0xbd: {  	s0 =	sor.u32 s3, s0;
	s1 =	sshll.u32 s1, $0x11  }
0xbe: {  	s0 =	sor.u32 s1, s0  }
0xbf: {  	s0 =	sadd.s32 $0x8F2B, s0  }
0xc0: {  	[sflag:s0] =	ssyncadd.remote.s32 $0x1  }
0xc1: {  	_ =	sfence.sel $0xFFFF  }
0xc2: {  	[dreg:$0x0] =	wrdreg $0xFFFFFFFF;
	(pc) =	sbr.abs _section_cstart, $3  }
0xc3: {  	[dreg:$0x1] =	wrdreg $0xFFFFFFFF  }
0xc4: {  	_ =	task.clear_ibuf [dreg:s7], $0x2FFFF;
	_ =	strace $0x9FFFFFFF  }
0xc5: {  	(tm) =	ssettm $0x7FFFFFFF  }
tec
execute0_lowered:
.L_overlay_start_1:
0x0: {  	(tag) =	ssettag $0x1  }
0x1: {  	s5 =	rddreg [dreg:$0x0]  }
0x2: {  	s0 =	rddreg [dreg:$0x1]  }
0x3: {  	s1 =	rddreg [dreg:$0x2]  }
0x4: {  	s2 =	rddreg [dreg:$0x3];
	s4 =	srdreg.scid  }
0x5: {  	s3 =	rddreg [dreg:$0x4];
	s17 =	stileid.u32;
	s28 =	simm.s32 $0x3  }
0x6: {  	s29 =	simm.s32 $0x80;
	s30 =	simm.s32 $0x280;
	s31 =	simm.s32 $0x2400  }
0x7: {  	s6 =	sand.u32 $0x1, s4;
	s4 =	simm.s32 $0x0;
	s8 =	sadd.s32 $0x2A000, s5  }
0x8: {  	s9 =	sadd.s32 $0x34000, s5;
	s10 =	sadd.s32 $0x3E000, s5;
	s12 =	smul.u32 $0x280, s17  }
0x9: {  	s23 =	sadd.s32 $0x3E400, s5;
	s24 =	sadd.s32 $0x3E600, s5;
	s14 =	smul.u32 $0xA000, s17  }
0xa: {  	s13 =	sadd.s32 $0x3E800, s5;
	s16 =	smul.u32 $0x5000, s17;
	[smem:$0x7FF] =	sst s4  }
0xb: {  	s26 =	smul.u32 $0xA00, s17;
	_ =	strace $0x80000047;
	[dreg:$0x6] =	wrdreg s10  }
0xc: {  	s15 =	sadd.s32 $0x52800, s5;
	s7 =	smul.u32 $0x14000, s6;
	[dreg:$0x7] =	wrdreg s23  }
0xd: {  	s25 =	ssub.s32 $0x2, s6;
	p0 =	seq.s32 s6, $0x1;
	[dreg:$0x8] =	wrdreg s24  }
0xe: {  	s11 =	sshrl.u32 s25, $0x1;
	s22 =	sadd.s32 s14, s1;
	s19 =	sadd.s32 $0x2000, s14  }
0xf: {  	s16 =	sshrl.u32 s16, $0x3;
	s20 =	sadd.s32 $0x4000, s14;
	s10 =	sadd.s32 s8, s26  }
0x10: {  	s0 =	smov.u32 @p0 s13;
	s21 =	sadd.s32 $0x6000, s14;
	s13 =	sshrl.u32 s14, $0x3  }
0x11: {  	s23 =	sshrl.u32 s12, $0x3;
	s24 =	sadd.s32 $0x8000, s14;
	[dreg:$0xf] =	wrdreg s13  }
0x12: {  	s12 =	sadd.s32 s12, s2;
	s7 =	sadd.s32 s7, s5;
	[dreg:$0x9] =	wrdreg s22  }
0x13: {  	s18 =	ssub.s32 s25, s11;
	s25 =	sadd.s32 s14, s3;
	[dreg:$0xe] =	wrdreg s12  }
0x14: {  	s11 =	sadd.s32 s9, s26;
	s26 =	sshrl.u32 s20, $0x3;
	[dreg:$0x10] =	wrdreg s25  }
0x15: {  	s16 =	sor.u32 $0x20, s16;
	s14 =	sadd.s32 s24, s1;
	[dreg:$0x11] =	wrdreg s26  }
0x16: {  	s5 =	sadd.s32 $0x52E00, s5;
	s8 =	sadd.s32 s8, s16;
	[dreg:$0x13] =	wrdreg s14  }
0x17: {  	s17 =	sadd.s32 s9, s16;
	s9 =	sadd.s32 s20, s1;
	[dreg:$0xa] =	wrdreg s8  }
0x18: {  	s15 =	smov.u32 @p0 s5;
	s16 =	sadd.s32 s20, s3;
	[dreg:$0xb] =	wrdreg s17  }
0x19: {  	p0 =	seq.s32 s6, $0x0;
	s25 =	sadd.s32 s0, s13;
	[dreg:$0x12] =	wrdreg s16  }
0x1a: {  	s20 =	sadd.s32 s21, s1;
	s26 =	sadd.s32 s0, s26;
	[dreg:$0x1b] =	wrdreg s25  }
0x1b: {  	s21 =	sshrl.u32 s21, $0x3;
	s6 =	simm.s32 $0x400;
	[dreg:$0x1c] =	wrdreg s26  }
0x1c: {  	s13 =	simm.s32 $0x200;
	s5 =	sadd.s32 s15, s23;
	[dreg:$0xc] =	wrdreg s9  }
0x1d: {  	s17 =	sadd.s32 $0x2000, s7;
	s15 =	sshrl.u32 s24, $0x3;
	[dreg:$0x17] =	wrdreg s20  }
0x1e: {  	s16 =	sadd.s32 s19, s1;
	s23 =	smax.u32 s18, $0x1;
	[dreg:$0xd] =	wrdreg s5  }
0x1f: {  	s19 =	sshrl.u32 s19, $0x3;
	s7 =	simm.s32 $0x7;
	[dreg:$0x18] =	wrdreg s23  }
0x20: {  	s18 =	simm.s32 $0x0;
	s5 =	sadd.s32 s24, s3;
	[dreg:$0x14] =	wrdreg s15  }
0x21: {  	s24 =	sadd.s32 s0, s21;
	s23 =	simm.s32 $0x8480;
	[dreg:$0x16] =	wrdreg s16  }
0x22: {  	s21 =	simm.s32 $0x1;
	[dreg:$0x15] =	wrdreg s5;
	s5 =	sadd.s32 s0, s19  }
0x23: {  	[dreg:$0x1a] =	wrdreg s24;
	s0 =	sadd.s32 s0, s15;
	s15 =	simm.s32 $0x100  }
0x24: {  	s19 =	simm.s32 $0x300;
	s24 =	simm.s32 $0x2;
	[dreg:$0x19] =	wrdreg s5  }
0x25: {  	[dreg:$0x1d] =	wrdreg s0;
	s0 =	simm.s32 $0x5;
	s5 =	simm.s32 $0x6  }
.LBB2_1:
0x26: {  	s8 =	rddreg [dreg:$0x6]  }
0x27: {  	[tilespmem:s6], [sflag:$0x7] =	stream.linear.gather [hbm4b:s8+s4], $0x2000, $0x38;
	[tilespmem:$0x1C980] =	vst v63  }
0x28: {  	_ =	swait.ge [sflag:s7], $0x2000  }
0x29: {  	[sflag:s7] =	ssyncset.done $0x0  }
0x2a: {  	[sflag:s7] =	ssyncadd.s32 $0xFFFFE000  }
0x2b: {  	[spmem:s22] =	stream.linear.scatter [tilespmem:s6], [sflag:$0x7], $0x2000, $0x38;
	[tilespmem:$0x1C980] =	vst v63  }
0x2c: {  	_ =	swait.ge [sflag:s7], $0x2000  }
0x2d: {  	[sflag:s7] =	ssyncset.done $0x0  }
0x2e: {  	[sflag:s7] =	ssyncadd.s32 $0xFFFFE000  }
0x2f: {  	[spmem:s16] =	stream.linear.scatter [tilespmem:s6], [sflag:$0x7], $0x2000, $0x38;
	[tilespmem:$0x1C980] =	vst v63  }
0x30: {  	_ =	swait.ge [sflag:s7], $0x2000  }
0x31: {  	[sflag:s7] =	ssyncset.done $0x0  }
0x32: {  	[sflag:s7] =	ssyncadd.s32 $0xFFFFE000  }
0x33: {  	[spmem:s9] =	stream.linear.scatter [tilespmem:s6], [sflag:$0x7], $0x2000, $0x38;
	[tilespmem:$0x1C980] =	vst v63  }
0x34: {  	_ =	swait.ge [sflag:s7], $0x2000  }
0x35: {  	[sflag:s7] =	ssyncset.done $0x0  }
0x36: {  	[sflag:s7] =	ssyncadd.s32 $0xFFFFE000  }
0x37: {  	[spmem:s20] =	stream.linear.scatter [tilespmem:s6], [sflag:$0x7], $0x2000, $0x38;
	[tilespmem:$0x1C980] =	vst v63  }
0x38: {  	_ =	swait.ge [sflag:s7], $0x2000  }
0x39: {  	[sflag:s7] =	ssyncset.done $0x0  }
0x3a: {  	[sflag:s7] =	ssyncadd.s32 $0xFFFFE000  }
0x3b: {  	[spmem:s14] =	stream.linear.scatter [tilespmem:s6], [sflag:$0x7], $0x2000, $0x38;
	[tilespmem:$0x1C980] =	vst v63  }
0x3c: {  	_ =	swait.ge [sflag:s7], $0x2000  }
0x3d: {  	[sflag:s7] =	ssyncset.done $0x0  }
0x3e: {  	s22 =	rddreg [dreg:$0x7];
	[sflag:s7] =	ssyncadd.s32 $0xFFFFE000  }
0x3f: {  	[tilespmem:s23], [sflag:$0x7] =	stream.linear.gather [hbm4b:s22+s4], $0x280, $0x38;
	[tilespmem:$0x1C980] =	vst v63  }
0x40: {  	_ =	swait.ge [sflag:s7], $0x280  }
0x41: {  	[sflag:s7] =	ssyncset.done $0x0  }
0x42: {  	[sflag:s7] =	ssyncadd.s32 $0xFFFFFD80  }
0x43: {  	[spmem:s12] =	stream.linear.scatter [tilespmem:s23], [sflag:$0x7], $0x280, $0x38;
	[tilespmem:$0x1C980] =	vst v63  }
0x44: {  	_ =	swait.ge [sflag:s7], $0x280  }
0x45: {  	[sflag:s7] =	ssyncset.done $0x0  }
0x46: {  	s25 =	simm.s32 $0x8400;
	s23 =	rddreg [dreg:$0x8];
	[sflag:s7] =	ssyncadd.s32 $0xFFFFFD80  }
0x47: {  	[tilespmem:s25], [sflag:$0x7] =	stream.linear.gather [hbm4b:s23+s4], $0x80, $0x38;
	[tilespmem:$0x1C980] =	vst v63  }
0x48: {  	_ =	swait.ge [sflag:s7], $0x80  }
0x49: {  	[sflag:s7] =	ssyncset.done $0x0;
	s26 =	rddreg [dreg:$0xf]  }
0x4a: {  	[sflag:s7] =	ssyncadd.s32 $0xFFFFFF80;
	s8 =	sadd.s32 s26, s17  }
0x4b: {  	[tilespmem:s6], [sflag:$0x7] =	stream.linear.gather [hbm4b:s8+s4], $0x4000, $0x38;
	[tilespmem:$0x1C980] =	vst v63  }
0x4c: {  	_ =	swait.ge [sflag:s7], $0x4000  }
0x4d: {  	[sflag:s7] =	ssyncset.done $0x0  }
0x4e: {  	s12 =	rddreg [dreg:$0x10];
	[sflag:s7] =	ssyncadd.s32 $0xFFFFC000  }
0x4f: {  	[spmem:s12] =	stream.linear.scatter [tilespmem:s6], [sflag:$0x7], $0x4000, $0x38;
	[tilespmem:$0x1C980] =	vst v63  }
0x50: {  	_ =	swait.ge [sflag:s7], $0x4000  }
0x51: {  	[sflag:s7] =	ssyncset.done $0x0;
	s14 =	rddreg [dreg:$0x11]  }
0x52: {  	[sflag:s7] =	ssyncadd.s32 $0xFFFFC000;
	s16 =	sadd.s32 s14, s17  }
0x53: {  	[tilespmem:s6], [sflag:$0x7] =	stream.linear.gather [hbm4b:s16+s4], $0x4000, $0x38;
	[tilespmem:$0x1C980] =	vst v63  }
0x54: {  	_ =	swait.ge [sflag:s7], $0x4000  }
0x55: {  	[sflag:s7] =	ssyncset.done $0x0  }
0x56: {  	s20 =	rddreg [dreg:$0x12];
	[sflag:s7] =	ssyncadd.s32 $0xFFFFC000  }
0x57: {  	[spmem:s20] =	stream.linear.scatter [tilespmem:s6], [sflag:$0x7], $0x4000, $0x38;
	[tilespmem:$0x1C980] =	vst v63  }
0x58: {  	_ =	swait.ge [sflag:s7], $0x4000  }
0x59: {  	[sflag:s7] =	ssyncset.done $0x0;
	s22 =	rddreg [dreg:$0x14]  }
0x5a: {  	s25 =	simm.s32 $0x4400;
	[sflag:s7] =	ssyncadd.s32 $0xFFFFC000;
	s23 =	sadd.s32 s22, s17  }
0x5b: {  	[tilespmem:s25], [sflag:$0x7] =	stream.linear.gather [hbm4b:s23+s4], $0x2000, $0x38;
	[tilespmem:$0x1C980] =	vst v63  }
0x5c: {  	_ =	swait.ge [sflag:s7], $0x2000  }
0x5d: {  	[sflag:s7] =	ssyncset.done $0x0  }
0x5e: {  	s26 =	rddreg [dreg:$0x15];
	[sflag:s7] =	ssyncadd.s32 $0xFFFFE000  }
0x5f: {  	[spmem:s26] =	stream.linear.scatter [tilespmem:s25], [sflag:$0x7], $0x2000, $0x38;
	[tilespmem:$0x1C980] =	vst v63  }
0x60: {  	_ =	swait.ge [sflag:s7], $0x2000  }
0x61: {  	[sflag:s7] =	ssyncset.done $0x0  }
0x62: {  	[sflag:s7] =	ssyncadd.s32 $0xFFFFE000  }
0x63: {  	[bflag:$0x0] =	sbarrier.arrive $0xFFFF  }
0x64: {  	[tilespmem:s4], [sflag:$0x1] =	stream.linear.gather [hbm4b:s10+s4], $0x100, $0x38;
	[tilespmem:$0x1C980] =	vst v63  }
0x65: {  	_ = 	snop  }
0x66: {  	[tilespmem:s13], [sflag:$0x1] =	stream.linear.gather [hbm4b:s11+s4], $0x100, $0x38;
	[tilespmem:$0x1C980] =	vst v63  }
0x67: {  	s9 =	rddreg [dreg:$0xa]  }
0x68: {  	[tilespmem:s15], [sflag:$0x2] =	stream.linear.gather [hbm4b:s9+s4], $0x100, $0x38;
	[tilespmem:$0x1C980] =	vst v63  }
0x69: {  	s14 =	rddreg [dreg:$0xb]  }
0x6a: {  	[tilespmem:s19], [sflag:$0x2] =	stream.linear.gather [hbm4b:s14+s4], $0x100, $0x38;
	[tilespmem:$0x1C980] =	vst v63  }
0x6b: {  	_ =	swait.ge [sflag:s21], $0x100  }
0x6c: {  	[sflag:s21] =	ssyncset.done $0x0  }
0x6d: {  	[sflag:s21] =	ssyncadd.s32 $0xFFFFFF00  }
0x6e: {  	_ =	swait.ge [sflag:s21], $0x100  }
0x6f: {  	[sflag:s21] =	ssyncset.done $0x0  }
0x70: {  	[sflag:s21] =	ssyncadd.s32 $0xFFFFFF00  }
0x71: {  	[tilespmem:s6], [sflag:$0x3] =	stream.indirect.gather [hbm4b:s17+s15], $0x40, s4, s15, $0xb8;
	[tilespmem:$0x1C980] =	vst v63  }
0x72: {  	_ =	swait.ge [sflag:s24], $0x100  }
0x73: {  	[sflag:s24] =	ssyncset.done $0x0  }
0x74: {  	[sflag:s24] =	ssyncadd.s32 $0xFFFFFF00  }
0x75: {  	_ =	swait.ge [sflag:s24], $0x100  }
0x76: {  	[sflag:s24] =	ssyncset.done $0x0  }
0x77: {  	p2 =	por $0x0, $0x0;
	[sflag:s24] =	ssyncadd.s32 $0xFFFFFF00  }
0x78: {  	[tilespmem:s25], [sflag:$0x4] =	stream.indirect.gather [hbm4b:s17+s15], $0x40, s15, s15, $0xb8;
	[tilespmem:$0x1C980] =	vst v63  }
0x79: {  	s20 =	simm.s32 $0x1;
	s9 =	simm.s32 $0x1;
	_ =	swait.ge [sflag:s28], $0x4000  }
0x7a: {  	s20 =	simm.s32 @!p0 $0x0;
	s9 =	simm.s32 @!p2 $0x0;
	[sflag:s28] =	ssyncset.done $0x0  }
0x7b: {  	p1 =	seq.s32 s20, s9;
	[sflag:s28] =	ssyncadd.s32 $0xFFFFC000  }
0x7c: {  	[spmem:s1] =	stream.indirect.scatter.add.f32 [tilespmem:s6], [sflag:$0x5], $0x40, s13, s29, $0xb8;
	[tilespmem:$0x1C980] =	vst v63  }
0x7d: {  	s9 =	simm.s32 @p1 $0x4  }
0x7e: {  	[spmem:s1] =	stream.indirect.scatter.add.f32 [tilespmem:s31], [sflag:$0x5], $0x40, s30, s29, $0xb8;
	[tilespmem:$0x1C980] =	vst v63  }
0x7f: {  	_ =	swait.ge @p1 [sflag:s9], $0x4000  }
0x80: {  	s12 =	simm.s32 @p1 $0x4400;
	[sflag:s9] =	ssyncset.done @p1 $0x0  }
0x81: {  	s14 =	simm.s32 @p1 $0x300;
	[sflag:s9] =	ssyncadd.s32 @p1 $0xFFFFC000;
	s9 =	simm.s32 @p1 $0x80  }
0x82: {  	[spmem:s1] =	stream.indirect.scatter.add.f32 @p1 [tilespmem:s12], [sflag:$0x6], $0x40, s14, s9, $0xb8;
	[tilespmem:$0x1C980] =	vst v63  }
0x83: {  	s12 =	simm.s32 @p1 $0x380;
	s14 =	simm.s32 @p1 $0x6400  }
0x84: {  	[spmem:s1] =	stream.indirect.scatter.add.f32 @p1 [tilespmem:s14], [sflag:$0x6], $0x40, s12, s9, $0xb8;
	[tilespmem:$0x1C980] =	vst v63  }
0x85: {  	s9 =	simm.s32 @!p1 $0x80;
	s12 =	simm.s32 @!p1 $0x200;
	s14 =	simm.s32 @!p1 $0x8400  }
0x86: {  	[spmem:s2] =	stream.indirect.scatter.add.f32 @!p1 [tilespmem:s14], [sflag:$0x5], $0x1, s12, s9, $0xb8;
	[tilespmem:$0x1C980] =	vst v63  }
0x87: {  	s16 =	simm.s32 @!p1 $0x4;
	s12 =	simm.s32 @!p1 $0x280  }
0x88: {  	[spmem:s2] =	stream.indirect.scatter.add.f32 @!p1 [tilespmem:s14], [sflag:$0x5], $0x1, s12, s9, $0xb8;
	[tilespmem:$0x1C980] =	vst v63  }
0x89: {  	_ =	swait.ge @!p1 [sflag:s16], $0x4000  }
0x8a: {  	[sflag:s16] =	ssyncset.done @!p1 $0x0  }
0x8b: {  	s12 =	simm.s32 @!p1 $0x300;
	[sflag:s16] =	ssyncadd.s32 @!p1 $0xFFFFC000;
	s16 =	simm.s32 @!p1 $0x4400  }
0x8c: {  	[spmem:s1] =	stream.indirect.scatter.add.f32 @!p1 [tilespmem:s16], [sflag:$0x6], $0x40, s12, s9, $0xb8;
	[tilespmem:$0x1C980] =	vst v63  }
0x8d: {  	s22 =	simm.s32 @!p1 $0x6400;
	s16 =	simm.s32 @!p1 $0x380  }
0x8e: {  	[spmem:s1] =	stream.indirect.scatter.add.f32 @!p1 [tilespmem:s22], [sflag:$0x6], $0x40, s16, s9, $0xb8;
	[tilespmem:$0x1C980] =	vst v63  }
0x8f: {  	_ = 	snop  }
0x90: {  	[spmem:s2] =	stream.indirect.scatter.add.f32 @!p1 [tilespmem:s14], [sflag:$0x6], $0x1, s12, s9, $0xb8;
	[tilespmem:$0x1C980] =	vst v63  }
0x91: {  	_ = 	snop  }
0x92: {  	[spmem:s2] =	stream.indirect.scatter.add.f32 @!p1 [tilespmem:s14], [sflag:$0x6], $0x1, s16, s9, $0xb8;
	[tilespmem:$0x1C980] =	vst v63  }
0x93: {  	_ =	swait.ge [sflag:s0], $0x2000  }
0x94: {  	[sflag:s0] =	ssyncset.done $0x0  }
0x95: {  	[sflag:s0] =	ssyncadd.s32 $0xFFFFE000  }
0x96: {  	p1 =	por !p2, !p2;
	_ =	swait.ge [sflag:s0], $0x2000  }
0x97: {  	p1 =	por @!p0 p2, p2;
	[sflag:s0] =	ssyncset.done $0x0  }
0x98: {  	s9 =	simm.s32 @p1 $0x5;
	[sflag:s0] =	ssyncadd.s32 $0xFFFFE000  }
0x99: {  	_ =	swait.ge @p1 [sflag:s9], $0x80  }
0x9a: {  	[sflag:s9] =	ssyncset.done @p1 $0x0  }
0x9b: {  	[sflag:s9] =	ssyncadd.s32 @p1 $0xFFFFFF80  }
0x9c: {  	_ =	swait.ge @p1 [sflag:s9], $0x80  }
0x9d: {  	s16 =	sadd.s32 $0x0, s10;
	[sflag:s9] =	ssyncset.done @p1 $0x0  }
0x9e: {  	s8 =	sadd.s32 $0x0, s11;
	s26 =	sadd.s32 $0x40, s16;
	[sflag:s9] =	ssyncadd.s32 @p1 $0xFFFFFF80  }
0x9f: {  	[tilespmem:s4], [sflag:$0x1] =	stream.linear.gather [hbm4b:s26+s4], $0x100, $0x38;
	[tilespmem:$0x1C980] =	vst v63  }
0xa0: {  	s25 =	sadd.s32 $0x40, s8  }
0xa1: {  	[tilespmem:s13], [sflag:$0x1] =	stream.linear.gather [hbm4b:s25+s4], $0x100, $0x38;
	[tilespmem:$0x1C980] =	vst v63  }
0xa2: {  	_ =	swait.ge [sflag:s21], $0x100  }
0xa3: {  	[sflag:s21] =	ssyncset.done $0x0  }
0xa4: {  	[sflag:s21] =	ssyncadd.s32 $0xFFFFFF00  }
0xa5: {  	p3 =	por $0x0, $0x0;
	_ =	swait.ge [sflag:s21], $0x100  }
0xa6: {  	s22 =	simm.s32 @p3 $0x400;
	[sflag:s21] =	ssyncset.done $0x0  }
0xa7: {  	s14 =	simm.s32 @p3 $0x0;
	s9 =	simm.s32 @p3 $0x100;
	[sflag:s21] =	ssyncadd.s32 $0xFFFFFF00  }
0xa8: {  	[tilespmem:s22], [sflag:$0x3] =	stream.indirect.gather @p3 [spmem:s3], $0x40, s14, s9, $0xb8;
	[tilespmem:$0x1C980] =	vst v63  }
0xa9: {  	s23 =	simm.s32 @!p3 $0x0;
	s22 =	simm.s32 @!p3 $0x400;
	s14 =	simm.s32 @!p3 $0x100  }
0xaa: {  	[tilespmem:s22], [sflag:$0x3] =	stream.indirect.gather @!p3 [hbm4b:s17+s14], $0x40, s23, s14, $0xb8;
	[tilespmem:$0x1C980] =	vst v63  }
0xab: {  	_ =	swait.ge [sflag:s5], $0x2000  }
0xac: {  	[sflag:s5] =	ssyncset.done $0x0  }
0xad: {  	[sflag:s5] =	ssyncadd.s32 $0xFFFFE000  }
0xae: {  	_ =	swait.ge [sflag:s5], $0x2000  }
0xaf: {  	[sflag:s5] =	ssyncset.done $0x0  }
0xb0: {  	s22 =	simm.s32 @p1 $0x6;
	[sflag:s5] =	ssyncadd.s32 $0xFFFFE000  }
0xb1: {  	_ =	swait.ge @p1 [sflag:s22], $0x80  }
0xb2: {  	[sflag:s22] =	ssyncset.done @p1 $0x0  }
0xb3: {  	[sflag:s22] =	ssyncadd.s32 @p1 $0xFFFFFF80  }
0xb4: {  	_ =	swait.ge @p1 [sflag:s22], $0x80  }
0xb5: {  	[sflag:s22] =	ssyncset.done @p1 $0x0  }
0xb6: {  	s12 =	sadd.s32 $0x60, s16;
	[sflag:s22] =	ssyncadd.s32 @p1 $0xFFFFFF80  }
0xb7: {  	[tilespmem:s15], [sflag:$0x2] =	stream.linear.gather [hbm4b:s12+s4], $0x100, $0x38;
	[tilespmem:$0x1C980] =	vst v63  }
0xb8: {  	s26 =	sadd.s32 $0x60, s8  }
0xb9: {  	[tilespmem:s19], [sflag:$0x2] =	stream.linear.gather [hbm4b:s26+s4], $0x100, $0x38;
	[tilespmem:$0x1C980] =	vst v63  }
0xba: {  	_ =	swait.ge [sflag:s24], $0x100  }
0xbb: {  	[sflag:s24] =	ssyncset.done $0x0  }
0xbc: {  	[sflag:s24] =	ssyncadd.s32 $0xFFFFFF00  }
0xbd: {  	_ =	swait.ge [sflag:s24], $0x100  }
0xbe: {  	s16 =	simm.s32 @!p3 $0x4400;
	s23 =	simm.s32 $0x40;
	[sflag:s24] =	ssyncset.done $0x0  }
0xbf: {  	s22 =	simm.s32 @p3 $0x4400;
	s12 =	simm.s32 $0x1;
	[sflag:s24] =	ssyncadd.s32 $0xFFFFFF00  }
.LBB2_2:
0xc0: {  	[tilespmem:s22], [sflag:$0x4] =	stream.indirect.gather @p3 [spmem:s3], $0x40, s9, s9, $0xb8;
	[tilespmem:$0x1C980] =	vst v63  }
0xc1: {  	s9 =	smov.u32 s23;
	s23 =	sadd.s32 $0x40, s23  }
0xc2: {  	[tilespmem:s16], [sflag:$0x4] =	stream.indirect.gather @!p3 [hbm4b:s17+s14], $0x40, s14, s14, $0xb8;
	[tilespmem:$0x1C980] =	vst v63  }
0xc3: {  	p1 =	sne.s32 s23, $0x9C0;
	_ =	swait.ge [sflag:s28], $0x4000  }
0xc4: {  	p3 =	sgt.u32 s12, $0x13;
	s14 =	simm.s32 $0x1;
	[sflag:s28] =	ssyncset.done $0x0  }
0xc5: {  	s14 =	simm.s32 @!p3 $0x0;
	[sflag:s28] =	ssyncadd.s32 $0xFFFFC000  }
0xc6: {  	[spmem:s1] =	stream.indirect.scatter.add.f32 [tilespmem:s6], [sflag:$0x5], $0x40, s13, s29, $0xb8;
	[tilespmem:$0x1C980] =	vst v63  }
0xc7: {  	p2 =	por !p3, !p3;
	p4 =	seq.s32 s20, s14  }
0xc8: {  	s14 =	simm.s32 @p4 $0x4  }
0xc9: {  	[spmem:s1] =	stream.indirect.scatter.add.f32 [tilespmem:s31], [sflag:$0x5], $0x40, s30, s29, $0xb8;
	[tilespmem:$0x1C980] =	vst v63  }
0xca: {  	_ =	swait.ge @p4 [sflag:s14], $0x4000  }
0xcb: {  	s16 =	simm.s32 @p4 $0x4400;
	[sflag:s14] =	ssyncset.done @p4 $0x0  }
0xcc: {  	s22 =	simm.s32 @p4 $0x300;
	[sflag:s14] =	ssyncadd.s32 @p4 $0xFFFFC000;
	s14 =	simm.s32 @p4 $0x80  }
0xcd: {  	[spmem:s1] =	stream.indirect.scatter.add.f32 @p4 [tilespmem:s16], [sflag:$0x6], $0x40, s22, s14, $0xb8;
	[tilespmem:$0x1C980] =	vst v63  }
0xce: {  	s16 =	simm.s32 @p4 $0x380;
	s22 =	simm.s32 @p4 $0x6400  }
0xcf: {  	[spmem:s1] =	stream.indirect.scatter.add.f32 @p4 [tilespmem:s22], [sflag:$0x6], $0x40, s16, s14, $0xb8;
	[tilespmem:$0x1C980] =	vst v63  }
0xd0: {  	s14 =	simm.s32 @!p4 $0x80;
	s16 =	simm.s32 @!p4 $0x200;
	s22 =	simm.s32 @!p4 $0x8400  }
0xd1: {  	[spmem:s2] =	stream.indirect.scatter.add.f32 @!p4 [tilespmem:s22], [sflag:$0x5], $0x1, s16, s14, $0xb8;
	[tilespmem:$0x1C980] =	vst v63  }
0xd2: {  	s25 =	simm.s32 @!p4 $0x4;
	s16 =	simm.s32 @!p4 $0x280  }
0xd3: {  	[spmem:s2] =	stream.indirect.scatter.add.f32 @!p4 [tilespmem:s22], [sflag:$0x5], $0x1, s16, s14, $0xb8;
	[tilespmem:$0x1C980] =	vst v63  }
0xd4: {  	_ =	swait.ge @!p4 [sflag:s25], $0x4000  }
0xd5: {  	[sflag:s25] =	ssyncset.done @!p4 $0x0  }
0xd6: {  	s16 =	simm.s32 @!p4 $0x300;
	[sflag:s25] =	ssyncadd.s32 @!p4 $0xFFFFC000;
	s25 =	simm.s32 @!p4 $0x4400  }
0xd7: {  	[spmem:s1] =	stream.indirect.scatter.add.f32 @!p4 [tilespmem:s25], [sflag:$0x6], $0x40, s16, s14, $0xb8;
	[tilespmem:$0x1C980] =	vst v63  }
0xd8: {  	s26 =	simm.s32 @!p4 $0x6400;
	s25 =	simm.s32 @!p4 $0x380  }
0xd9: {  	[spmem:s1] =	stream.indirect.scatter.add.f32 @!p4 [tilespmem:s26], [sflag:$0x6], $0x40, s25, s14, $0xb8;
	[tilespmem:$0x1C980] =	vst v63  }
0xda: {  	_ = 	snop  }
0xdb: {  	[spmem:s2] =	stream.indirect.scatter.add.f32 @!p4 [tilespmem:s22], [sflag:$0x6], $0x1, s16, s14, $0xb8;
	[tilespmem:$0x1C980] =	vst v63  }
0xdc: {  	_ = 	snop  }
0xdd: {  	[spmem:s2] =	stream.indirect.scatter.add.f32 @!p4 [tilespmem:s22], [sflag:$0x6], $0x1, s25, s14, $0xb8;
	[tilespmem:$0x1C980] =	vst v63  }
0xde: {  	_ =	swait.ge [sflag:s0], $0x2000  }
0xdf: {  	[sflag:s0] =	ssyncset.done $0x0  }
0xe0: {  	[sflag:s0] =	ssyncadd.s32 $0xFFFFE000  }
0xe1: {  	_ =	swait.ge [sflag:s0], $0x2000  }
0xe2: {  	p2 =	por @!p0 p3, p3;
	[sflag:s0] =	ssyncset.done $0x0  }
0xe3: {  	s14 =	simm.s32 @p2 $0x5;
	[sflag:s0] =	ssyncadd.s32 $0xFFFFE000  }
0xe4: {  	_ =	swait.ge @p2 [sflag:s14], $0x80  }
0xe5: {  	[sflag:s14] =	ssyncset.done @p2 $0x0  }
0xe6: {  	[sflag:s14] =	ssyncadd.s32 @p2 $0xFFFFFF80  }
0xe7: {  	_ =	swait.ge @p2 [sflag:s14], $0x80  }
0xe8: {  	s22 =	sadd.s32 s9, s10;
	[sflag:s14] =	ssyncset.done @p2 $0x0  }
0xe9: {  	s25 =	sadd.s32 s9, s11;
	[sflag:s14] =	ssyncadd.s32 @p2 $0xFFFFFF80;
	s14 =	sadd.s32 $0x40, s22  }
0xea: {  	[tilespmem:s4], [sflag:$0x1] =	stream.linear.gather [hbm4b:s14+s4], $0x100, $0x38;
	[tilespmem:$0x1C980] =	vst v63  }
0xeb: {  	s9 =	sadd.s32 $0x40, s25  }
0xec: {  	[tilespmem:s13], [sflag:$0x1] =	stream.linear.gather [hbm4b:s9+s4], $0x100, $0x38;
	[tilespmem:$0x1C980] =	vst v63  }
0xed: {  	_ =	swait.ge [sflag:s21], $0x100  }
0xee: {  	[sflag:s21] =	ssyncset.done $0x0  }
0xef: {  	[sflag:s21] =	ssyncadd.s32 $0xFFFFFF00  }
0xf0: {  	p3 =	sgt.u32 s12, $0x15;
	_ =	swait.ge [sflag:s21], $0x100  }
0xf1: {  	s26 =	simm.s32 @!p3 $0x400;
	s9 =	simm.s32 @p3 $0x100;
	[sflag:s21] =	ssyncset.done $0x0  }
0xf2: {  	s16 =	simm.s32 @p3 $0x400;
	s14 =	simm.s32 @p3 $0x0;
	[sflag:s21] =	ssyncadd.s32 $0xFFFFFF00  }
0xf3: {  	[tilespmem:s16], [sflag:$0x3] =	stream.indirect.gather @p3 [spmem:s3], $0x40, s14, s9, $0xb8;
	[tilespmem:$0x1C980] =	vst v63  }
0xf4: {  	s8 =	simm.s32 @!p3 $0x0;
	s14 =	simm.s32 @!p3 $0x100;
	s16 =	simm.s32 @!p3 $0x4400  }
0xf5: {  	[tilespmem:s26], [sflag:$0x3] =	stream.indirect.gather @!p3 [hbm4b:s17+s14], $0x40, s8, s14, $0xb8;
	[tilespmem:$0x1C980] =	vst v63  }
0xf6: {  	_ =	swait.ge [sflag:s5], $0x2000  }
0xf7: {  	[sflag:s5] =	ssyncset.done $0x0  }
0xf8: {  	[sflag:s5] =	ssyncadd.s32 $0xFFFFE000  }
0xf9: {  	_ =	swait.ge [sflag:s5], $0x2000  }
0xfa: {  	s8 =	simm.s32 @p2 $0x6;
	[sflag:s5] =	ssyncset.done $0x0  }
0xfb: {  	[sflag:s5] =	ssyncadd.s32 $0xFFFFE000  }
0xfc: {  	_ =	swait.ge @p2 [sflag:s8], $0x80  }
0xfd: {  	[sflag:s8] =	ssyncset.done @p2 $0x0  }
0xfe: {  	[sflag:s8] =	ssyncadd.s32 @p2 $0xFFFFFF80  }
0xff: {  	_ =	swait.ge @p2 [sflag:s8], $0x80  }
0x100: {  	s22 =	sadd.s32 $0x60, s22;
	[sflag:s8] =	ssyncset.done @p2 $0x0  }
0x101: {  	[sflag:s8] =	ssyncadd.s32 @p2 $0xFFFFFF80;
	s8 =	sadd.s32 $0x60, s25  }
0x102: {  	[tilespmem:s15], [sflag:$0x2] =	stream.linear.gather [hbm4b:s22+s4], $0x100, $0x38;
	[tilespmem:$0x1C980] =	vst v63  }
0x103: {  	_ = 	snop  }
0x104: {  	[tilespmem:s19], [sflag:$0x2] =	stream.linear.gather [hbm4b:s8+s4], $0x100, $0x38;
	[tilespmem:$0x1C980] =	vst v63  }
0x105: {  	_ =	swait.ge [sflag:s24], $0x100  }
.Ltmp0:
0x106: {  	[sflag:s24] =	ssyncset.done $0x0;
	(pc) =	sbr.rel @p1 .LBB2_2-.Ltmp0, $4  }
0x107: {  	[sflag:s24] =	ssyncadd.s32 $0xFFFFFF00  }
0x108: {  	_ =	swait.ge [sflag:s24], $0x100  }
0x109: {  	s22 =	simm.s32 @p3 $0x4400;
	[sflag:s24] =	ssyncset.done $0x0  }
0x10a: {  	s12 =	sadd.s32 $0x1, s12;
	[sflag:s24] =	ssyncadd.s32 $0xFFFFFF00  }
0x10b: {  	[tilespmem:s22], [sflag:$0x4] =	stream.indirect.gather @p3 [spmem:s3], $0x40, s9, s9, $0xb8;
	[tilespmem:$0x1C980] =	vst v63  }
0x10c: {  	_ = 	snop  }
0x10d: {  	[tilespmem:s16], [sflag:$0x4] =	stream.indirect.gather @!p3 [hbm4b:s17+s14], $0x40, s14, s14, $0xb8;
	[tilespmem:$0x1C980] =	vst v63  }
0x10e: {  	_ =	swait.ge [sflag:s28], $0x4000  }
0x10f: {  	[sflag:s28] =	ssyncset.done $0x0  }
0x110: {  	[sflag:s28] =	ssyncadd.s32 $0xFFFFC000  }
0x111: {  	[spmem:s1] =	stream.indirect.scatter.add.f32 [tilespmem:s6], [sflag:$0x5], $0x40, s13, s29, $0xb8;
	[tilespmem:$0x1C980] =	vst v63  }
0x112: {  	s8 =	simm.s32 @p0 $0x4  }
0x113: {  	[spmem:s1] =	stream.indirect.scatter.add.f32 [tilespmem:s31], [sflag:$0x5], $0x40, s30, s29, $0xb8;
	[tilespmem:$0x1C980] =	vst v63  }
0x114: {  	_ =	swait.ge @p0 [sflag:s8], $0x4000  }
0x115: {  	s9 =	simm.s32 @p0 $0x300;
	[sflag:s8] =	ssyncset.done @p0 $0x0  }
0x116: {  	s12 =	simm.s32 @p0 $0x4400;
	[sflag:s8] =	ssyncadd.s32 @p0 $0xFFFFC000;
	s8 =	simm.s32 @p0 $0x80  }
0x117: {  	[spmem:s1] =	stream.indirect.scatter.add.f32 @p0 [tilespmem:s12], [sflag:$0x6], $0x40, s9, s8, $0xb8;
	[tilespmem:$0x1C980] =	vst v63  }
0x118: {  	s9 =	simm.s32 @p0 $0x380;
	s12 =	simm.s32 @p0 $0x6400  }
0x119: {  	[spmem:s1] =	stream.indirect.scatter.add.f32 @p0 [tilespmem:s12], [sflag:$0x6], $0x40, s9, s8, $0xb8;
	[tilespmem:$0x1C980] =	vst v63  }
0x11a: {  	s8 =	simm.s32 @p0 $0x5  }
0x11b: {  	_ =	swait.ge @p0 [sflag:s8], $0x2000  }
0x11c: {  	[sflag:s8] =	ssyncset.done @p0 $0x0  }
0x11d: {  	[sflag:s8] =	ssyncadd.s32 @p0 $0xFFFFE000  }
0x11e: {  	_ =	swait.ge @p0 [sflag:s8], $0x2000  }
0x11f: {  	s9 =	simm.s32 @!p0 $0x200;
	[sflag:s8] =	ssyncset.done @p0 $0x0  }
0x120: {  	s12 =	simm.s32 @!p0 $0x8400;
	[sflag:s8] =	ssyncadd.s32 @p0 $0xFFFFE000;
	s8 =	simm.s32 @!p0 $0x80  }
0x121: {  	[spmem:s2] =	stream.indirect.scatter.add.f32 @!p0 [tilespmem:s12], [sflag:$0x5], $0x1, s9, s8, $0xb8;
	[tilespmem:$0x1C980] =	vst v63  }
0x122: {  	s9 =	simm.s32 @!p0 $0x280  }
0x123: {  	[spmem:s2] =	stream.indirect.scatter.add.f32 @!p0 [tilespmem:s12], [sflag:$0x5], $0x1, s9, s8, $0xb8;
	[tilespmem:$0x1C980] =	vst v63  }
0x124: {  	s9 =	simm.s32 @!p0 $0x4  }
0x125: {  	_ =	swait.ge @!p0 [sflag:s9], $0x4000  }
0x126: {  	[sflag:s9] =	ssyncset.done @!p0 $0x0  }
0x127: {  	s14 =	simm.s32 @!p0 $0x4400;
	[sflag:s9] =	ssyncadd.s32 @!p0 $0xFFFFC000;
	s9 =	simm.s32 @!p0 $0x300  }
0x128: {  	[spmem:s1] =	stream.indirect.scatter.add.f32 @!p0 [tilespmem:s14], [sflag:$0x6], $0x40, s9, s8, $0xb8;
	[tilespmem:$0x1C980] =	vst v63  }
0x129: {  	s16 =	simm.s32 @!p0 $0x6400;
	s14 =	simm.s32 @!p0 $0x380  }
0x12a: {  	[spmem:s1] =	stream.indirect.scatter.add.f32 @!p0 [tilespmem:s16], [sflag:$0x6], $0x40, s14, s8, $0xb8;
	[tilespmem:$0x1C980] =	vst v63  }
0x12b: {  	_ = 	snop  }
0x12c: {  	[spmem:s2] =	stream.indirect.scatter.add.f32 @!p0 [tilespmem:s12], [sflag:$0x6], $0x1, s9, s8, $0xb8;
	[tilespmem:$0x1C980] =	vst v63  }
0x12d: {  	_ = 	snop  }
0x12e: {  	[spmem:s2] =	stream.indirect.scatter.add.f32 @!p0 [tilespmem:s12], [sflag:$0x6], $0x1, s14, s8, $0xb8;
	[tilespmem:$0x1C980] =	vst v63  }
0x12f: {  	s8 =	simm.s32 @!p0 $0x5  }
0x130: {  	_ =	swait.ge @!p0 [sflag:s8], $0x2000  }
0x131: {  	[sflag:s8] =	ssyncset.done @!p0 $0x0  }
0x132: {  	[sflag:s8] =	ssyncadd.s32 @!p0 $0xFFFFE000  }
0x133: {  	_ =	swait.ge @!p0 [sflag:s8], $0x2000  }
0x134: {  	[sflag:s8] =	ssyncset.done @!p0 $0x0  }
0x135: {  	[sflag:s8] =	ssyncadd.s32 @!p0 $0xFFFFE000  }
0x136: {  	_ =	swait.ge @!p0 [sflag:s8], $0x80  }
0x137: {  	[sflag:s8] =	ssyncset.done @!p0 $0x0  }
0x138: {  	[sflag:s8] =	ssyncadd.s32 @!p0 $0xFFFFFF80  }
0x139: {  	_ =	swait.ge @!p0 [sflag:s8], $0x80  }
0x13a: {  	[sflag:s8] =	ssyncset.done @!p0 $0x0  }
0x13b: {  	[sflag:s8] =	ssyncadd.s32 @!p0 $0xFFFFFF80  }
0x13c: {  	_ =	swait.ge [sflag:s5], $0x2000  }
0x13d: {  	[sflag:s5] =	ssyncset.done $0x0  }
0x13e: {  	[sflag:s5] =	ssyncadd.s32 $0xFFFFE000  }
0x13f: {  	_ =	swait.ge [sflag:s5], $0x2000  }
0x140: {  	[sflag:s5] =	ssyncset.done $0x0  }
0x141: {  	s8 =	simm.s32 @!p0 $0x6;
	[sflag:s5] =	ssyncadd.s32 $0xFFFFE000  }
0x142: {  	_ =	swait.ge @!p0 [sflag:s8], $0x80  }
0x143: {  	[sflag:s8] =	ssyncset.done @!p0 $0x0  }
0x144: {  	[sflag:s8] =	ssyncadd.s32 @!p0 $0xFFFFFF80  }
0x145: {  	_ =	swait.ge @!p0 [sflag:s8], $0x80  }
0x146: {  	[sflag:s8] =	ssyncset.done @!p0 $0x0  }
0x147: {  	[sflag:s8] =	ssyncadd.s32 @!p0 $0xFFFFFF80  }
0x148: {  	[bflag:$0x0] =	sbarrier.arrive $0xFFFF  }
0x149: {  	s22 =	rddreg [dreg:$0x9]  }
0x14a: {  	[tilespmem:s6], [sflag:$0x7] =	stream.linear.gather [spmem:s22], $0x2000, $0x38;
	[tilespmem:$0x1C980] =	vst v63  }
0x14b: {  	_ =	swait.ge [sflag:s7], $0x2000  }
0x14c: {  	[sflag:s7] =	ssyncset.done $0x0  }
0x14d: {  	s26 =	rddreg [dreg:$0x1b];
	[sflag:s7] =	ssyncadd.s32 $0xFFFFE000  }
0x14e: {  	[hbm4b:s26+s4] =	stream.linear.scatter [tilespmem:s6], [sflag:$0x7], $0x2000, $0x38;
	[tilespmem:$0x1C980] =	vst v63  }
0x14f: {  	_ =	swait.ge [sflag:s7], $0x2000  }
0x150: {  	[sflag:s7] =	ssyncset.done $0x0  }
0x151: {  	s16 =	rddreg [dreg:$0x16];
	[sflag:s7] =	ssyncadd.s32 $0xFFFFE000  }
0x152: {  	[tilespmem:s6], [sflag:$0x7] =	stream.linear.gather [spmem:s16], $0x2000, $0x38;
	[tilespmem:$0x1C980] =	vst v63  }
0x153: {  	_ =	swait.ge [sflag:s7], $0x2000  }
0x154: {  	[sflag:s7] =	ssyncset.done $0x0  }
0x155: {  	s9 =	rddreg [dreg:$0x19];
	[sflag:s7] =	ssyncadd.s32 $0xFFFFE000  }
0x156: {  	[hbm4b:s9+s4] =	stream.linear.scatter [tilespmem:s6], [sflag:$0x7], $0x2000, $0x38;
	[tilespmem:$0x1C980] =	vst v63  }
0x157: {  	_ =	swait.ge [sflag:s7], $0x2000  }
0x158: {  	[sflag:s7] =	ssyncset.done $0x0  }
0x159: {  	s9 =	rddreg [dreg:$0xc];
	[sflag:s7] =	ssyncadd.s32 $0xFFFFE000  }
0x15a: {  	[tilespmem:s6], [sflag:$0x7] =	stream.linear.gather [spmem:s9], $0x2000, $0x38;
	[tilespmem:$0x1C980] =	vst v63  }
0x15b: {  	_ =	swait.ge [sflag:s7], $0x2000  }
0x15c: {  	[sflag:s7] =	ssyncset.done $0x0  }
0x15d: {  	s12 =	rddreg [dreg:$0x1c];
	[sflag:s7] =	ssyncadd.s32 $0xFFFFE000  }
0x15e: {  	[hbm4b:s12+s4] =	stream.linear.scatter [tilespmem:s6], [sflag:$0x7], $0x2000, $0x38;
	[tilespmem:$0x1C980] =	vst v63  }
0x15f: {  	_ =	swait.ge [sflag:s7], $0x2000  }
0x160: {  	[sflag:s7] =	ssyncset.done $0x0  }
0x161: {  	s20 =	rddreg [dreg:$0x17];
	[sflag:s7] =	ssyncadd.s32 $0xFFFFE000  }
0x162: {  	[tilespmem:s6], [sflag:$0x7] =	stream.linear.gather [spmem:s20], $0x2000, $0x38;
	[tilespmem:$0x1C980] =	vst v63  }
0x163: {  	_ =	swait.ge [sflag:s7], $0x2000  }
0x164: {  	[sflag:s7] =	ssyncset.done $0x0  }
0x165: {  	s14 =	rddreg [dreg:$0x1a];
	[sflag:s7] =	ssyncadd.s32 $0xFFFFE000  }
0x166: {  	[hbm4b:s14+s4] =	stream.linear.scatter [tilespmem:s6], [sflag:$0x7], $0x2000, $0x38;
	[tilespmem:$0x1C980] =	vst v63  }
0x167: {  	_ =	swait.ge [sflag:s7], $0x2000  }
0x168: {  	[sflag:s7] =	ssyncset.done $0x0  }
0x169: {  	s14 =	rddreg [dreg:$0x13];
	[sflag:s7] =	ssyncadd.s32 $0xFFFFE000  }
0x16a: {  	[tilespmem:s6], [sflag:$0x7] =	stream.linear.gather [spmem:s14], $0x2000, $0x38;
	[tilespmem:$0x1C980] =	vst v63  }
0x16b: {  	_ =	swait.ge [sflag:s7], $0x2000  }
0x16c: {  	[sflag:s7] =	ssyncset.done $0x0  }
0x16d: {  	s23 =	rddreg [dreg:$0x1d];
	[sflag:s7] =	ssyncadd.s32 $0xFFFFE000  }
0x16e: {  	[hbm4b:s23+s4] =	stream.linear.scatter [tilespmem:s6], [sflag:$0x7], $0x2000, $0x38;
	[tilespmem:$0x1C980] =	vst v63  }
0x16f: {  	_ =	swait.ge [sflag:s7], $0x2000  }
0x170: {  	[sflag:s7] =	ssyncset.done $0x0  }
0x171: {  	s23 =	simm.s32 $0x8480;
	s12 =	rddreg [dreg:$0xe];
	[sflag:s7] =	ssyncadd.s32 $0xFFFFE000  }
0x172: {  	[tilespmem:s23], [sflag:$0x7] =	stream.linear.gather [spmem:s12], $0x280, $0x38;
	[tilespmem:$0x1C980] =	vst v63  }
0x173: {  	_ =	swait.ge [sflag:s7], $0x280  }
0x174: {  	[sflag:s7] =	ssyncset.done $0x0  }
0x175: {  	s25 =	rddreg [dreg:$0xd];
	[sflag:s7] =	ssyncadd.s32 $0xFFFFFD80  }
0x176: {  	[hbm4b:s25+s4] =	stream.linear.scatter [tilespmem:s23], [sflag:$0x7], $0x280, $0x38;
	[tilespmem:$0x1C980] =	vst v63  }
0x177: {  	_ =	swait.ge [sflag:s7], $0x280  }
0x178: {  	s18 =	sadd.s32 $0x1, s18;
	s26 =	rddreg [dreg:$0x18]  }
0x179: {  	p1 =	sne.s32 s18, s26  }
.Ltmp1:
0x17a: {  	_ = 	snop;
	(pc) =	sbr.rel @p1 .LBB2_1-.Ltmp1, $3  }
0x17b: {  	_ =	sdelay $0x1  }
0x17c: {  	[sflag:s7] =	ssyncset.done $0x0  }
0x17d: {  	[sflag:s7] =	ssyncadd.s32 $0xFFFFFD80  }
0x17e: {  	_ =	sfence.sel $0x180000  }
0x17f: {  	[bflag:$0x0] =	sbarrier.arrive $0xFFFF  }
0x180: {  	_ =	strace $0x90000047  }
0x181: {  	s0 =	stileid.u32;
	[bflag:$0x2] =	sbarrier.arrive $0xFFFF  }
0x182: {  	p0 =	sne.s32 s0, $0x0;
	s0 =	rddreg [dreg:$0x5]  }
0x183: {  	s0 =	sadd.s32 @!p0 $0x100000, s0  }
0x184: {  	[sflag:s0] =	ssyncadd.tile.s32 @!p0 $0x1;
	_ =	shalt  }
.Lfunc_end2:
_tile_overlayer_lowered:
.L_overlay_start_2:
0x185: {  	(tag) =	ssettag $0x2  }
0x186: {  	s0 =	rddreg [dreg:$0x0];
	s2 =	stileid.u32  }
0x187: {  	s1 =	rddreg [dreg:$0x1];
	p0 =	sne.s32 s2, $0x0  }
0x188: {  	s3 =	rddreg [dreg:$0x2];
	[bflag:$0x3] =	sbarrier.arrive $0xFFFF;
	s2 =	simm.s32 @!p0 $0x1C07  }
0x189: {  	[timem:s3], [sflag:s2] =	dma.local @!p0 [hbm:s0], s1  }
0x18a: {  	s0 =	simm.s32 @!p0 $0x7  }
0x18b: {  	_ =	swait.ge @!p0 [sflag:s0], s1  }
0x18c: {  	s1 =	ssub.s32 @!p0 $0x0, s1;
	[sflag:s0] =	ssyncset.done @!p0 $0x0  }
0x18d: {  	[sflag:s0] =	ssyncadd.s32 @!p0 s1  }
0x18e: {  	[bflag:$0x3] =	sbarrier.arrive $0xFFFF  }
0x18f: {  	_ =	shalt  }

</sc_bundles>
